<compile_context>
chip_gen: v7x
topology: tpu7x:2x2x1
jax: 0.10.2.dev20260603
libtpu: 0.0.44.dev20260713+nightly
codegen_flags: <defaults>
</compile_context>

<pallas_src>
import functools

import jax
import jax.numpy as jnp
from jax import lax
from jax.experimental import pallas as pl
from jax.experimental.pallas import tpu as pltpu
from jax.experimental.pallas import tpu_sc as plsc

BATCH = 4096
SEQ = 200
DIM = 32
CH0 = 104
CH1 = SEQ - CH0

NC = 2
NS = 16
NW = NC * NS
ROWS_PER_W = BATCH // NW

_mesh = plsc.VectorSubcoreMesh(core_axis_name="c", subcore_axis_name="s")

def _pool_body(idx_hbm, tab_hbm, out_hbm, idx_a, idx_b, rows_a, rows_b,
               acc, si_a, si_b, sg_a, sg_b):
    wid = lax.axis_index("s") * NC + lax.axis_index("c")
    base = wid * ROWS_PER_W
    inv = 1.0 / SEQ

    def issue_idx(row, idx_ref, sem):
        return pltpu.async_copy(idx_hbm.at[row], idx_ref, sem)

    def wait_idx(row, idx_ref, sem):
        pltpu.make_async_copy(idx_hbm.at[row], idx_ref, sem).wait()

    def issue_gathers(idx_ref, rows_ref, sem):
        pltpu.async_copy(tab_hbm.at[idx_ref.at[pl.ds(0, CH0)]],
                         rows_ref.at[pl.ds(0, CH0)], sem)
        pltpu.async_copy(tab_hbm.at[idx_ref.at[pl.ds(CH0, CH1)]],
                         rows_ref.at[pl.ds(CH0, CH1)], sem)

    def wait_gathers(idx_ref, rows_ref, sem):
        pltpu.make_async_copy(tab_hbm.at[idx_ref.at[pl.ds(0, CH0)]],
                              rows_ref.at[pl.ds(0, CH0)], sem).wait()
        pltpu.make_async_copy(tab_hbm.at[idx_ref.at[pl.ds(CH0, CH1)]],
                              rows_ref.at[pl.ds(CH0, CH1)], sem).wait()

    def reduce_mean(rows_ref, r):
        def blk(jj, carry):
            a0, a1, b0, b1 = carry
            j = jj * 8
            for u in range(0, 8, 2):
                a0 = a0 + rows_ref[j + u, pl.ds(0, 16)]
                a1 = a1 + rows_ref[j + u, pl.ds(16, 16)]
                b0 = b0 + rows_ref[j + u + 1, pl.ds(0, 16)]
                b1 = b1 + rows_ref[j + u + 1, pl.ds(16, 16)]
            return a0, a1, b0, b1

        z = jnp.zeros((16,), jnp.float32)
        a0, a1, b0, b1 = lax.fori_loop(0, SEQ // 8, blk, (z, z, z, z))
        acc[r, pl.ds(0, 16)] = (a0 + b0) * inv
        acc[r, pl.ds(16, 16)] = (a1 + b1) * inv

    c0 = issue_idx(base, idx_a, si_a)
    c0.wait()
    issue_gathers(idx_a, rows_a, sg_a)
    issue_idx(base + 1, idx_b, si_b)

    def body(rr, carry):
        r0 = base + 2 * rr
        wait_idx(r0 + 1, idx_b, si_b)
        issue_gathers(idx_b, rows_b, sg_b)
        wait_gathers(idx_a, rows_a, sg_a)
        issue_idx(r0 + 2, idx_a, si_a)
        reduce_mean(rows_a, 2 * rr)
        wait_idx(r0 + 2, idx_a, si_a)
        issue_gathers(idx_a, rows_a, sg_a)
        wait_gathers(idx_b, rows_b, sg_b)
        issue_idx(r0 + 3, idx_b, si_b)
        reduce_mean(rows_b, 2 * rr + 1)
        return carry

    lax.fori_loop(0, ROWS_PER_W // 2 - 1, body, 0)
    r0 = base + ROWS_PER_W - 2
    wait_idx(r0 + 1, idx_b, si_b)
    issue_gathers(idx_b, rows_b, sg_b)
    wait_gathers(idx_a, rows_a, sg_a)
    reduce_mean(rows_a, ROWS_PER_W - 2)
    wait_gathers(idx_b, rows_b, sg_b)
    reduce_mean(rows_b, ROWS_PER_W - 1)

    pltpu.sync_copy(acc, out_hbm.at[pl.ds(base, ROWS_PER_W)])


_pool = pl.kernel(
    _pool_body,
    out_type=jax.ShapeDtypeStruct((BATCH, DIM), jnp.float32),
    mesh=_mesh,
    scratch_types=[
        pltpu.VMEM((SEQ,), jnp.int32),
        pltpu.VMEM((SEQ,), jnp.int32),
        pltpu.VMEM((SEQ, DIM), jnp.float32),
        pltpu.VMEM((SEQ, DIM), jnp.float32),
        pltpu.VMEM((ROWS_PER_W, DIM), jnp.float32),
        pltpu.SemaphoreType.DMA,
        pltpu.SemaphoreType.DMA,
        pltpu.SemaphoreType.DMA,
        pltpu.SemaphoreType.DMA,
    ],
    compiler_params=pltpu.CompilerParams(use_tc_tiling_on_sc=False),
)


def _mlp_body(x1_ref, x2_ref, w1a_ref, w1b_ref, b1_ref, w2_ref, b2_ref, o_ref):
    h = (
        jnp.dot(x1_ref[...], w1a_ref[...], preferred_element_type=jnp.float32)
        + jnp.dot(x2_ref[...], w1b_ref[...], preferred_element_type=jnp.float32)
        + b1_ref[...]
    )
    h = jnp.maximum(h, 0.0)
    o_ref[...] = (
        jnp.dot(h, w2_ref[...], preferred_element_type=jnp.float32) + b2_ref[...]
    )


_mlp = pl.pallas_call(
    _mlp_body,
    out_shape=jax.ShapeDtypeStruct((BATCH, 10), jnp.float32),
)


def kernel(sequence, ngrams, word_table, ngram_table, W1, b1, W2, b2):
    seq = sequence.astype(jnp.int32)
    ng = ngrams.astype(jnp.int32)
    wlin = word_table
    nlin = ngram_table
    embs = _pool(seq, wlin)
    ngram_embs = _pool(ng, nlin)
    w1a = W1[:, :DIM].T
    w1b = W1[:, DIM:].T
    out = _mlp(embs, ngram_embs, w1a, w1b,
               b1.reshape(1, -1), W2.T, b2.reshape(1, -1))
    return out

# --- scband reference (transcript-rebuilt; emitter-appended) ---
"""Pipeline reference for scband-fast-text-29145648070771 (READ-ONLY COPY).

The authoritative reference and input builder live on the scoring server;
editing this copy changes nothing except your own understanding.
"""

import jax, jax.numpy as jnp
import numpy as np

WORD_VOCAB = 100000
NGRAM_BINS = 1000000
EMBEDDING_DIM = 32
INPUT_SIZE = 2 * EMBEDDING_DIM
HIDDEN_SIZE = 100
CLASSES = 10
BATCH = 4096
SEQ = 200


def setup_inputs(seed: int = 0) -> dict:
    key = jax.random.key(seed)
    ks = jax.random.split(key, 8)
    sequence = jax.random.randint(ks[0], (BATCH, SEQ), 0, WORD_VOCAB, dtype=jnp.int64) if jax.config.jax_enable_x64 else jax.random.randint(ks[0], (BATCH, SEQ), 0, WORD_VOCAB).astype(jnp.int32)
    ngrams = jax.random.randint(ks[1], (BATCH, SEQ), 0, NGRAM_BINS, dtype=jnp.int64) if jax.config.jax_enable_x64 else jax.random.randint(ks[1], (BATCH, SEQ), 0, NGRAM_BINS).astype(jnp.int32)
    word_table = jax.random.normal(ks[2], (WORD_VOCAB, EMBEDDING_DIM), dtype=jnp.float32) * 0.1
    word_table = word_table.at[0].set(0.0)  # padding_idx=0
    ngram_table = jax.random.normal(ks[3], (NGRAM_BINS, EMBEDDING_DIM), dtype=jnp.float32) * 0.1
    ngram_table = ngram_table.at[0].set(0.0)  # padding_idx=0
    W1 = jax.random.normal(ks[4], (HIDDEN_SIZE, INPUT_SIZE), dtype=jnp.float32) * (1.0 / np.sqrt(INPUT_SIZE))
    b1 = jnp.zeros((HIDDEN_SIZE,), dtype=jnp.float32)
    # h2o: xavier_normal weight, zero bias
    std = np.sqrt(2.0 / (HIDDEN_SIZE + CLASSES))
    W2 = jax.random.normal(ks[5], (CLASSES, HIDDEN_SIZE), dtype=jnp.float32) * std
    b2 = jnp.zeros((CLASSES,), dtype=jnp.float32)
    return {"sequence": sequence, "ngrams": ngrams, "word_table": word_table,
            "ngram_table": ngram_table, "W1": W1, "b1": b1, "W2": W2, "b2": b2}


def reference(sequence, ngrams, word_table, ngram_table, W1, b1, W2, b2):
    # embedding lookups (memory-bound gathers) + mean over sequence dim
    embs = jnp.mean(jnp.take(word_table, sequence, axis=0), axis=1)
    ngram_embs = jnp.mean(jnp.take(ngram_table, ngrams, axis=0), axis=1)
    x = jnp.concatenate([embs, ngram_embs], axis=1)
    x = jax.nn.relu(x @ W1.T + b1)
    # dropout omitted (deterministic reference / eval behavior)
    x = x @ W2.T + b2
    return x

if __name__ == "__main__":
    import jax
    _d = setup_inputs()
    print(jax.jit(kernel)(*tuple(_d.values())))

</pallas_src>

<mosaic_0001>
#map = affine_map<(d0, d1) -> (0, 0)>
module attributes {stable_mosaic.version = 14 : i64} {
  func.func @_pool_body(%arg0: i32, %arg1: i32, %arg2: memref<4096x200xi32, #tpu.memory_space<hbm>>, %arg3: memref<100000x32xf32, #tpu.memory_space<hbm>>, %arg4: memref<4096x32xf32, #tpu.memory_space<hbm>>, %arg5: memref<200xi32, #tpu.memory_space<vmem>>, %arg6: memref<200xi32, #tpu.memory_space<vmem>>, %arg7: memref<200x32xf32, #tpu.memory_space<vmem>>, %arg8: memref<200x32xf32, #tpu.memory_space<vmem>>, %arg9: memref<128x32xf32, #tpu.memory_space<vmem>>, %arg10: memref<!tpu.dma_semaphore, #tpu.memory_space<semaphore_mem>>, %arg11: memref<!tpu.dma_semaphore, #tpu.memory_space<semaphore_mem>>, %arg12: memref<!tpu.dma_semaphore, #tpu.memory_space<semaphore_mem>>, %arg13: memref<!tpu.dma_semaphore, #tpu.memory_space<semaphore_mem>>) attributes {dimension_semantics = [#tpu.dimension_semantics<core_parallel>, #tpu.dimension_semantics<subcore_parallel>], iteration_bounds = array<i64: 2, 16>, scalar_prefetch = 0 : i64, scratch_operands = 9 : i64, tpu.core_type = #tpu.core_type<sc_vector_subcore>, window_params = [{transform_indices = #map}, {transform_indices = #map}, {transform_indices = #map}]} {
    %mul3A = arith.constant 2 : i32
    %mul3A_0 = arith.muli %arg1, %mul3A : i32
    %add3A = arith.addi %mul3A_0, %arg0 : i32
    %mul3A_1 = arith.constant 128 : i32
    %mul3A_2 = arith.muli %add3A, %mul3A_1 : i32
    %dma_start3A = arith.constant 0 : i32
    %dma_start3A_3 = tpu.memref_slice %arg2[%mul3A_2, %dma_start3A] : memref<4096x200xi32, #tpu.memory_space<hbm>> -> memref<1x200xi32, #tpu.memory_space<hbm>>
    %dma_start3A_4 = tpu.memref_squeeze %dma_start3A_3 : memref<1x200xi32, #tpu.memory_space<hbm>> -> memref<200xi32, #tpu.memory_space<hbm>>
    %dma_start3A_5 = arith.constant 0 : i32
    %dma_start3A_6 = tpu.memref_slice %arg2[%mul3A_2, %dma_start3A_5] : memref<4096x200xi32, #tpu.memory_space<hbm>> -> memref<1x200xi32, #tpu.memory_space<hbm>>
    %dma_start3A_7 = tpu.memref_squeeze %dma_start3A_6 : memref<1x200xi32, #tpu.memory_space<hbm>> -> memref<200xi32, #tpu.memory_space<hbm>>
    tpu.enqueue_dma source(%dma_start3A_7 : memref<200xi32, #tpu.memory_space<hbm>>) target(%arg5 : memref<200xi32, #tpu.memory_space<vmem>>) target_semaphore(%arg10 : memref<!tpu.dma_semaphore, #tpu.memory_space<semaphore_mem>>)
    %dma_wait3A = arith.constant 0 : i32
    %dma_wait3A_8 = tpu.memref_slice %arg2[%mul3A_2, %dma_wait3A] : memref<4096x200xi32, #tpu.memory_space<hbm>> -> memref<1x200xi32, #tpu.memory_space<hbm>>
    %dma_wait3A_9 = tpu.memref_squeeze %dma_wait3A_8 : memref<1x200xi32, #tpu.memory_space<hbm>> -> memref<200xi32, #tpu.memory_space<hbm>>
    %dma_wait3A_10 = arith.constant 0 : i32
    %dma_wait3A_11 = tpu.memref_slice %arg2[%mul3A_2, %dma_wait3A_10] : memref<4096x200xi32, #tpu.memory_space<hbm>> -> memref<1x200xi32, #tpu.memory_space<hbm>>
    %dma_wait3A_12 = tpu.memref_squeeze %dma_wait3A_11 : memref<1x200xi32, #tpu.memory_space<hbm>> -> memref<200xi32, #tpu.memory_space<hbm>>
    tpu.wait_dma2 semaphore(%arg10 : memref<!tpu.dma_semaphore, #tpu.memory_space<semaphore_mem>>) src(%dma_wait3A_12 : memref<200xi32, #tpu.memory_space<hbm>>) dst(%arg5 : memref<200xi32, #tpu.memory_space<vmem>>)
    %dma_start3A_13 = arith.constant 0 : i32
    %dma_start3A_14 = arith.constant 0 : i32
    %dma_start3A_15 = tpu.memref_slice %arg7[%dma_start3A_13, %dma_start3A_14] : memref<200x32xf32, #tpu.memory_space<vmem>> -> memref<104x32xf32, #tpu.memory_space<vmem>>
    %dma_start3A_16 = arith.constant 0 : i32
    %dma_start3A_17 = tpu.memref_slice %arg5[%dma_start3A_16] : memref<200xi32, #tpu.memory_space<vmem>> -> memref<104xi32, #tpu.memory_space<vmem>>
    %dma_start3A_18 = arith.constant 0 : i32
    %dma_start3A_19 = arith.constant 0 : i32
    %dma_start3A_20 = tpu.memref_slice %arg3[%dma_start3A_18, %dma_start3A_19] : memref<100000x32xf32, #tpu.memory_space<hbm>> -> memref<100000x32xf32, #tpu.memory_space<hbm>>
    tpu.enqueue_indirect_dma source(%dma_start3A_20 : memref<100000x32xf32, #tpu.memory_space<hbm>>) target(%dma_start3A_15 : memref<104x32xf32, #tpu.memory_space<vmem>>) offsets(%dma_start3A_17 : memref<104xi32, #tpu.memory_space<vmem>>) semaphore(%arg12 : memref<!tpu.dma_semaphore, #tpu.memory_space<semaphore_mem>>)
    %dma_start3A_21 = arith.constant 104 : i32
    %dma_start3A_22 = arith.constant 0 : i32
    %dma_start3A_23 = tpu.memref_slice %arg7[%dma_start3A_21, %dma_start3A_22] : memref<200x32xf32, #tpu.memory_space<vmem>> -> memref<96x32xf32, #tpu.memory_space<vmem>>
    %dma_start3A_24 = arith.constant 104 : i32
    %dma_start3A_25 = tpu.memref_slice %arg5[%dma_start3A_24] : memref<200xi32, #tpu.memory_space<vmem>> -> memref<96xi32, #tpu.memory_space<vmem>>
    %dma_start3A_26 = arith.constant 0 : i32
    %dma_start3A_27 = arith.constant 0 : i32
    %dma_start3A_28 = tpu.memref_slice %arg3[%dma_start3A_26, %dma_start3A_27] : memref<100000x32xf32, #tpu.memory_space<hbm>> -> memref<100000x32xf32, #tpu.memory_space<hbm>>
    tpu.enqueue_indirect_dma source(%dma_start3A_28 : memref<100000x32xf32, #tpu.memory_space<hbm>>) target(%dma_start3A_23 : memref<96x32xf32, #tpu.memory_space<vmem>>) offsets(%dma_start3A_25 : memref<96xi32, #tpu.memory_space<vmem>>) semaphore(%arg12 : memref<!tpu.dma_semaphore, #tpu.memory_space<semaphore_mem>>)
    %add3A_29 = arith.constant 1 : i32
    %add3A_30 = arith.addi %mul3A_2, %add3A_29 : i32
    %dma_start3A_31 = arith.constant 0 : i32
    %dma_start3A_32 = tpu.memref_slice %arg2[%add3A_30, %dma_start3A_31] : memref<4096x200xi32, #tpu.memory_space<hbm>> -> memref<1x200xi32, #tpu.memory_space<hbm>>
    %dma_start3A_33 = tpu.memref_squeeze %dma_start3A_32 : memref<1x200xi32, #tpu.memory_space<hbm>> -> memref<200xi32, #tpu.memory_space<hbm>>
    %dma_start3A_34 = arith.constant 0 : i32
    %dma_start3A_35 = tpu.memref_slice %arg2[%add3A_30, %dma_start3A_34] : memref<4096x200xi32, #tpu.memory_space<hbm>> -> memref<1x200xi32, #tpu.memory_space<hbm>>
    %dma_start3A_36 = tpu.memref_squeeze %dma_start3A_35 : memref<1x200xi32, #tpu.memory_space<hbm>> -> memref<200xi32, #tpu.memory_space<hbm>>
    tpu.enqueue_dma source(%dma_start3A_36 : memref<200xi32, #tpu.memory_space<hbm>>) target(%arg6 : memref<200xi32, #tpu.memory_space<vmem>>) target_semaphore(%arg11 : memref<!tpu.dma_semaphore, #tpu.memory_space<semaphore_mem>>)
    %scan3A = arith.constant 0 : i32
    %scan3A_37 = arith.constant 0 : i32
    %scan3A_38 = arith.constant 63 : i32
    %scan3A_39 = arith.addi %scan3A_37, %scan3A_38 : i32
    %scan3A_40 = arith.constant 1 : i32
    scf.for %scan3A_155 = %scan3A_37 to %scan3A_39 step %scan3A_40  : i32 {
      %mul3A_156 = arith.constant 2 : i32
      %mul3A_157 = arith.muli %mul3A_156, %scan3A_155 : i32
      %add3A_158 = arith.addi %mul3A_2, %mul3A_157 : i32
      %add3A_159 = arith.constant 1 : i32
      %add3A_160 = arith.addi %add3A_158, %add3A_159 : i32
      %dma_wait3A_161 = arith.constant 0 : i32
      %dma_wait3A_162 = tpu.memref_slice %arg2[%add3A_160, %dma_wait3A_161] : memref<4096x200xi32, #tpu.memory_space<hbm>> -> memref<1x200xi32, #tpu.memory_space<hbm>>
      %dma_wait3A_163 = tpu.memref_squeeze %dma_wait3A_162 : memref<1x200xi32, #tpu.memory_space<hbm>> -> memref<200xi32, #tpu.memory_space<hbm>>
      %dma_wait3A_164 = arith.constant 0 : i32
      %dma_wait3A_165 = tpu.memref_slice %arg2[%add3A_160, %dma_wait3A_164] : memref<4096x200xi32, #tpu.memory_space<hbm>> -> memref<1x200xi32, #tpu.memory_space<hbm>>
      %dma_wait3A_166 = tpu.memref_squeeze %dma_wait3A_165 : memref<1x200xi32, #tpu.memory_space<hbm>> -> memref<200xi32, #tpu.memory_space<hbm>>
      tpu.wait_dma2 semaphore(%arg11 : memref<!tpu.dma_semaphore, #tpu.memory_space<semaphore_mem>>) src(%dma_wait3A_166 : memref<200xi32, #tpu.memory_space<hbm>>) dst(%arg6 : memref<200xi32, #tpu.memory_space<vmem>>)
      %dma_start3A_167 = arith.constant 0 : i32
      %dma_start3A_168 = arith.constant 0 : i32
      %dma_start3A_169 = tpu.memref_slice %arg8[%dma_start3A_167, %dma_start3A_168] : memref<200x32xf32, #tpu.memory_space<vmem>> -> memref<104x32xf32, #tpu.memory_space<vmem>>
      %dma_start3A_170 = arith.constant 0 : i32
      %dma_start3A_171 = tpu.memref_slice %arg6[%dma_start3A_170] : memref<200xi32, #tpu.memory_space<vmem>> -> memref<104xi32, #tpu.memory_space<vmem>>
      %dma_start3A_172 = arith.constant 0 : i32
      %dma_start3A_173 = arith.constant 0 : i32
      %dma_start3A_174 = tpu.memref_slice %arg3[%dma_start3A_172, %dma_start3A_173] : memref<100000x32xf32, #tpu.memory_space<hbm>> -> memref<100000x32xf32, #tpu.memory_space<hbm>>
      tpu.enqueue_indirect_dma source(%dma_start3A_174 : memref<100000x32xf32, #tpu.memory_space<hbm>>) target(%dma_start3A_169 : memref<104x32xf32, #tpu.memory_space<vmem>>) offsets(%dma_start3A_171 : memref<104xi32, #tpu.memory_space<vmem>>) semaphore(%arg13 : memref<!tpu.dma_semaphore, #tpu.memory_space<semaphore_mem>>)
      %dma_start3A_175 = arith.constant 104 : i32
      %dma_start3A_176 = arith.constant 0 : i32
      %dma_start3A_177 = tpu.memref_slice %arg8[%dma_start3A_175, %dma_start3A_176] : memref<200x32xf32, #tpu.memory_space<vmem>> -> memref<96x32xf32, #tpu.memory_space<vmem>>
      %dma_start3A_178 = arith.constant 104 : i32
      %dma_start3A_179 = tpu.memref_slice %arg6[%dma_start3A_178] : memref<200xi32, #tpu.memory_space<vmem>> -> memref<96xi32, #tpu.memory_space<vmem>>
      %dma_start3A_180 = arith.constant 0 : i32
      %dma_start3A_181 = arith.constant 0 : i32
      %dma_start3A_182 = tpu.memref_slice %arg3[%dma_start3A_180, %dma_start3A_181] : memref<100000x32xf32, #tpu.memory_space<hbm>> -> memref<100000x32xf32, #tpu.memory_space<hbm>>
      tpu.enqueue_indirect_dma source(%dma_start3A_182 : memref<100000x32xf32, #tpu.memory_space<hbm>>) target(%dma_start3A_177 : memref<96x32xf32, #tpu.memory_space<vmem>>) offsets(%dma_start3A_179 : memref<96xi32, #tpu.memory_space<vmem>>) semaphore(%arg13 : memref<!tpu.dma_semaphore, #tpu.memory_space<semaphore_mem>>)
      %dma_wait3A_183 = arith.constant 0 : i32
      %dma_wait3A_184 = arith.constant 0 : i32
      %dma_wait3A_185 = tpu.memref_slice %arg7[%dma_wait3A_183, %dma_wait3A_184] : memref<200x32xf32, #tpu.memory_space<vmem>> -> memref<104x32xf32, #tpu.memory_space<vmem>>
      %dma_wait3A_186 = arith.constant 0 : i32
      %dma_wait3A_187 = tpu.memref_slice %arg5[%dma_wait3A_186] : memref<200xi32, #tpu.memory_space<vmem>> -> memref<104xi32, #tpu.memory_space<vmem>>
      %dma_wait3A_188 = arith.constant 0 : i32
      %dma_wait3A_189 = arith.constant 0 : i32
      %dma_wait3A_190 = tpu.memref_slice %arg3[%dma_wait3A_188, %dma_wait3A_189] : memref<100000x32xf32, #tpu.memory_space<hbm>> -> memref<100000x32xf32, #tpu.memory_space<hbm>>
      tpu.wait_indirect_dma semaphore(%arg12 : memref<!tpu.dma_semaphore, #tpu.memory_space<semaphore_mem>>) src(%dma_wait3A_190 : memref<100000x32xf32, #tpu.memory_space<hbm>>) dst(%dma_wait3A_185 : memref<104x32xf32, #tpu.memory_space<vmem>>)
      %dma_wait3A_191 = arith.constant 104 : i32
      %dma_wait3A_192 = arith.constant 0 : i32
      %dma_wait3A_193 = tpu.memref_slice %arg7[%dma_wait3A_191, %dma_wait3A_192] : memref<200x32xf32, #tpu.memory_space<vmem>> -> memref<96x32xf32, #tpu.memory_space<vmem>>
      %dma_wait3A_194 = arith.constant 104 : i32
      %dma_wait3A_195 = tpu.memref_slice %arg5[%dma_wait3A_194] : memref<200xi32, #tpu.memory_space<vmem>> -> memref<96xi32, #tpu.memory_space<vmem>>
      %dma_wait3A_196 = arith.constant 0 : i32
      %dma_wait3A_197 = arith.constant 0 : i32
      %dma_wait3A_198 = tpu.memref_slice %arg3[%dma_wait3A_196, %dma_wait3A_197] : memref<100000x32xf32, #tpu.memory_space<hbm>> -> memref<100000x32xf32, #tpu.memory_space<hbm>>
      tpu.wait_indirect_dma semaphore(%arg12 : memref<!tpu.dma_semaphore, #tpu.memory_space<semaphore_mem>>) src(%dma_wait3A_198 : memref<100000x32xf32, #tpu.memory_space<hbm>>) dst(%dma_wait3A_193 : memref<96x32xf32, #tpu.memory_space<vmem>>)
      %add3A_199 = arith.constant 2 : i32
      %add3A_200 = arith.addi %add3A_158, %add3A_199 : i32
      %dma_start3A_201 = arith.constant 0 : i32
      %dma_start3A_202 = tpu.memref_slice %arg2[%add3A_200, %dma_start3A_201] : memref<4096x200xi32, #tpu.memory_space<hbm>> -> memref<1x200xi32, #tpu.memory_space<hbm>>
      %dma_start3A_203 = tpu.memref_squeeze %dma_start3A_202 : memref<1x200xi32, #tpu.memory_space<hbm>> -> memref<200xi32, #tpu.memory_space<hbm>>
      %dma_start3A_204 = arith.constant 0 : i32
      %dma_start3A_205 = tpu.memref_slice %arg2[%add3A_200, %dma_start3A_204] : memref<4096x200xi32, #tpu.memory_space<hbm>> -> memref<1x200xi32, #tpu.memory_space<hbm>>
      %dma_start3A_206 = tpu.memref_squeeze %dma_start3A_205 : memref<1x200xi32, #tpu.memory_space<hbm>> -> memref<200xi32, #tpu.memory_space<hbm>>
      tpu.enqueue_dma source(%dma_start3A_206 : memref<200xi32, #tpu.memory_space<hbm>>) target(%arg5 : memref<200xi32, #tpu.memory_space<vmem>>) target_semaphore(%arg10 : memref<!tpu.dma_semaphore, #tpu.memory_space<semaphore_mem>>)
      %mul3A_207 = arith.constant 2 : i32
      %mul3A_208 = arith.muli %mul3A_207, %scan3A_155 : i32
      %broadcast_in_dim3A_209 = arith.constant 0.000000e+00 : f32
      %broadcast_in_dim3A_210 = vector.broadcast %broadcast_in_dim3A_209 : f32 to vector<16xf32>
      %scan3A_211 = arith.constant 0 : i32
      %scan3A_212 = arith.constant 25 : i32
      %scan3A_213 = arith.addi %scan3A_211, %scan3A_212 : i32
      %scan3A_214 = arith.constant 1 : i32
      %scan3A_215:4 = scf.for %scan3A_313 = %scan3A_211 to %scan3A_213 step %scan3A_214 iter_args(%scan3A_314 = %broadcast_in_dim3A_210, %scan3A_315 = %broadcast_in_dim3A_210, %scan3A_316 = %broadcast_in_dim3A_210, %scan3A_317 = %broadcast_in_dim3A_210) -> (vector<16xf32>, vector<16xf32>, vector<16xf32>, vector<16xf32>)  : i32 {
        %mul3A_318 = arith.constant 8 : i32
        %mul3A_319 = arith.muli %scan3A_313, %mul3A_318 : i32
        %add3A_320 = arith.constant 0 : i32
        %add3A_321 = arith.addi %mul3A_319, %add3A_320 : i32
        %get3A = arith.index_cast %add3A_321 : i32 to index
        %get3A_322 = arith.constant 0 : index
        %get3A_323 = tpu.vector_load %arg7[%get3A, %get3A_322] {strides = array<i32>} : memref<200x32xf32, #tpu.memory_space<vmem>>, vector<1x16xf32>,
        %get3A_324 = vector.shape_cast %get3A_323 : vector<1x16xf32> to vector<16xf32>
        %add3A_325 = arith.addf %scan3A_314, %get3A_324 : vector<16xf32>
        %add3A_326 = arith.constant 0 : i32
        %add3A_327 = arith.addi %mul3A_319, %add3A_326 : i32
        %get3A_328 = arith.index_cast %add3A_327 : i32 to index
        %get3A_329 = arith.constant 16 : index
        %get3A_330 = tpu.vector_load %arg7[%get3A_328, %get3A_329] {strides = array<i32>} : memref<200x32xf32, #tpu.memory_space<vmem>>, vector<1x16xf32>,
        %get3A_331 = vector.shape_cast %get3A_330 : vector<1x16xf32> to vector<16xf32>
        %add3A_332 = arith.addf %scan3A_315, %get3A_331 : vector<16xf32>
        %add3A_333 = arith.constant 0 : i32
        %add3A_334 = arith.addi %mul3A_319, %add3A_333 : i32
        %add3A_335 = arith.constant 1 : i32
        %add3A_336 = arith.addi %add3A_334, %add3A_335 : i32
        %get3A_337 = arith.index_cast %add3A_336 : i32 to index
        %get3A_338 = arith.constant 0 : index
        %get3A_339 = tpu.vector_load %arg7[%get3A_337, %get3A_338] {strides = array<i32>} : memref<200x32xf32, #tpu.memory_space<vmem>>, vector<1x16xf32>,
        %get3A_340 = vector.shape_cast %get3A_339 : vector<1x16xf32> to vector<16xf32>
        %add3A_341 = arith.addf %scan3A_316, %get3A_340 : vector<16xf32>
        %add3A_342 = arith.constant 0 : i32
        %add3A_343 = arith.addi %mul3A_319, %add3A_342 : i32
        %add3A_344 = arith.constant 1 : i32
        %add3A_345 = arith.addi %add3A_343, %add3A_344 : i32
        %get3A_346 = arith.index_cast %add3A_345 : i32 to index
        %get3A_347 = arith.constant 16 : index
        %get3A_348 = tpu.vector_load %arg7[%get3A_346, %get3A_347] {strides = array<i32>} : memref<200x32xf32, #tpu.memory_space<vmem>>, vector<1x16xf32>,
        %get3A_349 = vector.shape_cast %get3A_348 : vector<1x16xf32> to vector<16xf32>
        %add3A_350 = arith.addf %scan3A_317, %get3A_349 : vector<16xf32>
        %add3A_351 = arith.constant 2 : i32
        %add3A_352 = arith.addi %mul3A_319, %add3A_351 : i32
        %get3A_353 = arith.index_cast %add3A_352 : i32 to index
        %get3A_354 = arith.constant 0 : index
        %get3A_355 = tpu.vector_load %arg7[%get3A_353, %get3A_354] {strides = array<i32>} : memref<200x32xf32, #tpu.memory_space<vmem>>, vector<1x16xf32>,
        %get3A_356 = vector.shape_cast %get3A_355 : vector<1x16xf32> to vector<16xf32>
        %add3A_357 = arith.addf %add3A_325, %get3A_356 : vector<16xf32>
        %add3A_358 = arith.constant 2 : i32
        %add3A_359 = arith.addi %mul3A_319, %add3A_358 : i32
        %get3A_360 = arith.index_cast %add3A_359 : i32 to index
        %get3A_361 = arith.constant 16 : index
        %get3A_362 = tpu.vector_load %arg7[%get3A_360, %get3A_361] {strides = array<i32>} : memref<200x32xf32, #tpu.memory_space<vmem>>, vector<1x16xf32>,
        %get3A_363 = vector.shape_cast %get3A_362 : vector<1x16xf32> to vector<16xf32>
        %add3A_364 = arith.addf %add3A_332, %get3A_363 : vector<16xf32>
        %add3A_365 = arith.constant 2 : i32
        %add3A_366 = arith.addi %mul3A_319, %add3A_365 : i32
        %add3A_367 = arith.constant 1 : i32
        %add3A_368 = arith.addi %add3A_366, %add3A_367 : i32
        %get3A_369 = arith.index_cast %add3A_368 : i32 to index
        %get3A_370 = arith.constant 0 : index
        %get3A_371 = tpu.vector_load %arg7[%get3A_369, %get3A_370] {strides = array<i32>} : memref<200x32xf32, #tpu.memory_space<vmem>>, vector<1x16xf32>,
        %get3A_372 = vector.shape_cast %get3A_371 : vector<1x16xf32> to vector<16xf32>
        %add3A_373 = arith.addf %add3A_341, %get3A_372 : vector<16xf32>
        %add3A_374 = arith.constant 2 : i32
        %add3A_375 = arith.addi %mul3A_319, %add3A_374 : i32
        %add3A_376 = arith.constant 1 : i32
        %add3A_377 = arith.addi %add3A_375, %add3A_376 : i32
        %get3A_378 = arith.index_cast %add3A_377 : i32 to index
        %get3A_379 = arith.constant 16 : index
        %get3A_380 = tpu.vector_load %arg7[%get3A_378, %get3A_379] {strides = array<i32>} : memref<200x32xf32, #tpu.memory_space<vmem>>, vector<1x16xf32>,
        %get3A_381 = vector.shape_cast %get3A_380 : vector<1x16xf32> to vector<16xf32>
        %add3A_382 = arith.addf %add3A_350, %get3A_381 : vector<16xf32>
        %add3A_383 = arith.constant 4 : i32
        %add3A_384 = arith.addi %mul3A_319, %add3A_383 : i32
        %get3A_385 = arith.index_cast %add3A_384 : i32 to index
        %get3A_386 = arith.constant 0 : index
        %get3A_387 = tpu.vector_load %arg7[%get3A_385, %get3A_386] {strides = array<i32>} : memref<200x32xf32, #tpu.memory_space<vmem>>, vector<1x16xf32>,
        %get3A_388 = vector.shape_cast %get3A_387 : vector<1x16xf32> to vector<16xf32>
        %add3A_389 = arith.addf %add3A_357, %get3A_388 : vector<16xf32>
        %add3A_390 = arith.constant 4 : i32
        %add3A_391 = arith.addi %mul3A_319, %add3A_390 : i32
        %get3A_392 = arith.index_cast %add3A_391 : i32 to index
        %get3A_393 = arith.constant 16 : index
        %get3A_394 = tpu.vector_load %arg7[%get3A_392, %get3A_393] {strides = array<i32>} : memref<200x32xf32, #tpu.memory_space<vmem>>, vector<1x16xf32>,
        %get3A_395 = vector.shape_cast %get3A_394 : vector<1x16xf32> to vector<16xf32>
        %add3A_396 = arith.addf %add3A_364, %get3A_395 : vector<16xf32>
        %add3A_397 = arith.constant 4 : i32
        %add3A_398 = arith.addi %mul3A_319, %add3A_397 : i32
        %add3A_399 = arith.constant 1 : i32
        %add3A_400 = arith.addi %add3A_398, %add3A_399 : i32
        %get3A_401 = arith.index_cast %add3A_400 : i32 to index
        %get3A_402 = arith.constant 0 : index
        %get3A_403 = tpu.vector_load %arg7[%get3A_401, %get3A_402] {strides = array<i32>} : memref<200x32xf32, #tpu.memory_space<vmem>>, vector<1x16xf32>,
        %get3A_404 = vector.shape_cast %get3A_403 : vector<1x16xf32> to vector<16xf32>
        %add3A_405 = arith.addf %add3A_373, %get3A_404 : vector<16xf32>
        %add3A_406 = arith.constant 4 : i32
        %add3A_407 = arith.addi %mul3A_319, %add3A_406 : i32
        %add3A_408 = arith.constant 1 : i32
        %add3A_409 = arith.addi %add3A_407, %add3A_408 : i32
        %get3A_410 = arith.index_cast %add3A_409 : i32 to index
        %get3A_411 = arith.constant 16 : index
        %get3A_412 = tpu.vector_load %arg7[%get3A_410, %get3A_411] {strides = array<i32>} : memref<200x32xf32, #tpu.memory_space<vmem>>, vector<1x16xf32>,
        %get3A_413 = vector.shape_cast %get3A_412 : vector<1x16xf32> to vector<16xf32>
        %add3A_414 = arith.addf %add3A_382, %get3A_413 : vector<16xf32>
        %add3A_415 = arith.constant 6 : i32
        %add3A_416 = arith.addi %mul3A_319, %add3A_415 : i32
        %get3A_417 = arith.index_cast %add3A_416 : i32 to index
        %get3A_418 = arith.constant 0 : index
        %get3A_419 = tpu.vector_load %arg7[%get3A_417, %get3A_418] {strides = array<i32>} : memref<200x32xf32, #tpu.memory_space<vmem>>, vector<1x16xf32>,
        %get3A_420 = vector.shape_cast %get3A_419 : vector<1x16xf32> to vector<16xf32>
        %add3A_421 = arith.addf %add3A_389, %get3A_420 : vector<16xf32>
        %add3A_422 = arith.constant 6 : i32
        %add3A_423 = arith.addi %mul3A_319, %add3A_422 : i32
        %get3A_424 = arith.index_cast %add3A_423 : i32 to index
        %get3A_425 = arith.constant 16 : index
        %get3A_426 = tpu.vector_load %arg7[%get3A_424, %get3A_425] {strides = array<i32>} : memref<200x32xf32, #tpu.memory_space<vmem>>, vector<1x16xf32>,
        %get3A_427 = vector.shape_cast %get3A_426 : vector<1x16xf32> to vector<16xf32>
        %add3A_428 = arith.addf %add3A_396, %get3A_427 : vector<16xf32>
        %add3A_429 = arith.constant 6 : i32
        %add3A_430 = arith.addi %mul3A_319, %add3A_429 : i32
        %add3A_431 = arith.constant 1 : i32
        %add3A_432 = arith.addi %add3A_430, %add3A_431 : i32
        %get3A_433 = arith.index_cast %add3A_432 : i32 to index
        %get3A_434 = arith.constant 0 : index
        %get3A_435 = tpu.vector_load %arg7[%get3A_433, %get3A_434] {strides = array<i32>} : memref<200x32xf32, #tpu.memory_space<vmem>>, vector<1x16xf32>,
        %get3A_436 = vector.shape_cast %get3A_435 : vector<1x16xf32> to vector<16xf32>
        %add3A_437 = arith.addf %add3A_405, %get3A_436 : vector<16xf32>
        %add3A_438 = arith.constant 6 : i32
        %add3A_439 = arith.addi %mul3A_319, %add3A_438 : i32
        %add3A_440 = arith.constant 1 : i32
        %add3A_441 = arith.addi %add3A_439, %add3A_440 : i32
        %get3A_442 = arith.index_cast %add3A_441 : i32 to index
        %get3A_443 = arith.constant 16 : index
        %get3A_444 = tpu.vector_load %arg7[%get3A_442, %get3A_443] {strides = array<i32>} : memref<200x32xf32, #tpu.memory_space<vmem>>, vector<1x16xf32>,
        %get3A_445 = vector.shape_cast %get3A_444 : vector<1x16xf32> to vector<16xf32>
        %add3A_446 = arith.addf %add3A_414, %get3A_445 : vector<16xf32>
        scf.yield %add3A_421, %add3A_428, %add3A_437, %add3A_446 : vector<16xf32>, vector<16xf32>, vector<16xf32>, vector<16xf32>
      }
      %scan3A_216 = arith.constant 25 : i32
      %add3A_217 = arith.addf %scan3A_215#0, %scan3A_215#2 : vector<16xf32>
      %mul3A_218 = arith.constant 5.000000e-03 : f32
      %mul3A_219 = vector.broadcast %mul3A_218 : f32 to vector<16xf32>
      %mul3A_220 = arith.mulf %add3A_217, %mul3A_219 : vector<16xf32>
      %swap3A_221 = arith.index_cast %mul3A_208 : i32 to index
      %swap3A_222 = arith.constant 0 : index
      %swap3A_223 = tpu.vector_load %arg9[%swap3A_221, %swap3A_222] {strides = array<i32>} : memref<128x32xf32, #tpu.memory_space<vmem>>, vector<1x16xf32>,
      %swap3A_224 = vector.shape_cast %swap3A_223 : vector<1x16xf32> to vector<16xf32>
      %swap3A_225 = vector.shape_cast %mul3A_220 : vector<16xf32> to vector<1x16xf32>
      tpu.vector_store %arg9[%swap3A_221, %swap3A_222], %swap3A_225 {strides = array<i32>} : memref<128x32xf32, #tpu.memory_space<vmem>>, vector<1x16xf32>,
      %add3A_226 = arith.addf %scan3A_215#1, %scan3A_215#3 : vector<16xf32>
      %mul3A_227 = arith.constant 5.000000e-03 : f32
      %mul3A_228 = vector.broadcast %mul3A_227 : f32 to vector<16xf32>
      %mul3A_229 = arith.mulf %add3A_226, %mul3A_228 : vector<16xf32>
      %swap3A_230 = arith.index_cast %mul3A_208 : i32 to index
      %swap3A_231 = arith.constant 16 : index
      %swap3A_232 = tpu.vector_load %arg9[%swap3A_230, %swap3A_231] {strides = array<i32>} : memref<128x32xf32, #tpu.memory_space<vmem>>, vector<1x16xf32>,
      %swap3A_233 = vector.shape_cast %swap3A_232 : vector<1x16xf32> to vector<16xf32>
      %swap3A_234 = vector.shape_cast %mul3A_229 : vector<16xf32> to vector<1x16xf32>
      tpu.vector_store %arg9[%swap3A_230, %swap3A_231], %swap3A_234 {strides = array<i32>} : memref<128x32xf32, #tpu.memory_space<vmem>>, vector<1x16xf32>,
      %add3A_235 = arith.constant 2 : i32
      %add3A_236 = arith.addi %add3A_158, %add3A_235 : i32
      %dma_wait3A_237 = arith.constant 0 : i32
      %dma_wait3A_238 = tpu.memref_slice %arg2[%add3A_236, %dma_wait3A_237] : memref<4096x200xi32, #tpu.memory_space<hbm>> -> memref<1x200xi32, #tpu.memory_space<hbm>>
      %dma_wait3A_239 = tpu.memref_squeeze %dma_wait3A_238 : memref<1x200xi32, #tpu.memory_space<hbm>> -> memref<200xi32, #tpu.memory_space<hbm>>
      %dma_wait3A_240 = arith.constant 0 : i32
      %dma_wait3A_241 = tpu.memref_slice %arg2[%add3A_236, %dma_wait3A_240] : memref<4096x200xi32, #tpu.memory_space<hbm>> -> memref<1x200xi32, #tpu.memory_space<hbm>>
      %dma_wait3A_242 = tpu.memref_squeeze %dma_wait3A_241 : memref<1x200xi32, #tpu.memory_space<hbm>> -> memref<200xi32, #tpu.memory_space<hbm>>
      tpu.wait_dma2 semaphore(%arg10 : memref<!tpu.dma_semaphore, #tpu.memory_space<semaphore_mem>>) src(%dma_wait3A_242 : memref<200xi32, #tpu.memory_space<hbm>>) dst(%arg5 : memref<200xi32, #tpu.memory_space<vmem>>)
      %dma_start3A_243 = arith.constant 0 : i32
      %dma_start3A_244 = arith.constant 0 : i32
      %dma_start3A_245 = tpu.memref_slice %arg7[%dma_start3A_243, %dma_start3A_244] : memref<200x32xf32, #tpu.memory_space<vmem>> -> memref<104x32xf32, #tpu.memory_space<vmem>>
      %dma_start3A_246 = arith.constant 0 : i32
      %dma_start3A_247 = tpu.memref_slice %arg5[%dma_start3A_246] : memref<200xi32, #tpu.memory_space<vmem>> -> memref<104xi32, #tpu.memory_space<vmem>>
      %dma_start3A_248 = arith.constant 0 : i32
      %dma_start3A_249 = arith.constant 0 : i32
      %dma_start3A_250 = tpu.memref_slice %arg3[%dma_start3A_248, %dma_start3A_249] : memref<100000x32xf32, #tpu.memory_space<hbm>> -> memref<100000x32xf32, #tpu.memory_space<hbm>>
      tpu.enqueue_indirect_dma source(%dma_start3A_250 : memref<100000x32xf32, #tpu.memory_space<hbm>>) target(%dma_start3A_245 : memref<104x32xf32, #tpu.memory_space<vmem>>) offsets(%dma_start3A_247 : memref<104xi32, #tpu.memory_space<vmem>>) semaphore(%arg12 : memref<!tpu.dma_semaphore, #tpu.memory_space<semaphore_mem>>)
      %dma_start3A_251 = arith.constant 104 : i32
      %dma_start3A_252 = arith.constant 0 : i32
      %dma_start3A_253 = tpu.memref_slice %arg7[%dma_start3A_251, %dma_start3A_252] : memref<200x32xf32, #tpu.memory_space<vmem>> -> memref<96x32xf32, #tpu.memory_space<vmem>>
      %dma_start3A_254 = arith.constant 104 : i32
      %dma_start3A_255 = tpu.memref_slice %arg5[%dma_start3A_254] : memref<200xi32, #tpu.memory_space<vmem>> -> memref<96xi32, #tpu.memory_space<vmem>>
      %dma_start3A_256 = arith.constant 0 : i32
      %dma_start3A_257 = arith.constant 0 : i32
      %dma_start3A_258 = tpu.memref_slice %arg3[%dma_start3A_256, %dma_start3A_257] : memref<100000x32xf32, #tpu.memory_space<hbm>> -> memref<100000x32xf32, #tpu.memory_space<hbm>>
      tpu.enqueue_indirect_dma source(%dma_start3A_258 : memref<100000x32xf32, #tpu.memory_space<hbm>>) target(%dma_start3A_253 : memref<96x32xf32, #tpu.memory_space<vmem>>) offsets(%dma_start3A_255 : memref<96xi32, #tpu.memory_space<vmem>>) semaphore(%arg12 : memref<!tpu.dma_semaphore, #tpu.memory_space<semaphore_mem>>)
      %dma_wait3A_259 = arith.constant 0 : i32
      %dma_wait3A_260 = arith.constant 0 : i32
      %dma_wait3A_261 = tpu.memref_slice %arg8[%dma_wait3A_259, %dma_wait3A_260] : memref<200x32xf32, #tpu.memory_space<vmem>> -> memref<104x32xf32, #tpu.memory_space<vmem>>
      %dma_wait3A_262 = arith.constant 0 : i32
      %dma_wait3A_263 = tpu.memref_slice %arg6[%dma_wait3A_262] : memref<200xi32, #tpu.memory_space<vmem>> -> memref<104xi32, #tpu.memory_space<vmem>>
      %dma_wait3A_264 = arith.constant 0 : i32
      %dma_wait3A_265 = arith.constant 0 : i32
      %dma_wait3A_266 = tpu.memref_slice %arg3[%dma_wait3A_264, %dma_wait3A_265] : memref<100000x32xf32, #tpu.memory_space<hbm>> -> memref<100000x32xf32, #tpu.memory_space<hbm>>
      tpu.wait_indirect_dma semaphore(%arg13 : memref<!tpu.dma_semaphore, #tpu.memory_space<semaphore_mem>>) src(%dma_wait3A_266 : memref<100000x32xf32, #tpu.memory_space<hbm>>) dst(%dma_wait3A_261 : memref<104x32xf32, #tpu.memory_space<vmem>>)
      %dma_wait3A_267 = arith.constant 104 : i32
      %dma_wait3A_268 = arith.constant 0 : i32
      %dma_wait3A_269 = tpu.memref_slice %arg8[%dma_wait3A_267, %dma_wait3A_268] : memref<200x32xf32, #tpu.memory_space<vmem>> -> memref<96x32xf32, #tpu.memory_space<vmem>>
      %dma_wait3A_270 = arith.constant 104 : i32
      %dma_wait3A_271 = tpu.memref_slice %arg6[%dma_wait3A_270] : memref<200xi32, #tpu.memory_space<vmem>> -> memref<96xi32, #tpu.memory_space<vmem>>
      %dma_wait3A_272 = arith.constant 0 : i32
      %dma_wait3A_273 = arith.constant 0 : i32
      %dma_wait3A_274 = tpu.memref_slice %arg3[%dma_wait3A_272, %dma_wait3A_273] : memref<100000x32xf32, #tpu.memory_space<hbm>> -> memref<100000x32xf32, #tpu.memory_space<hbm>>
      tpu.wait_indirect_dma semaphore(%arg13 : memref<!tpu.dma_semaphore, #tpu.memory_space<semaphore_mem>>) src(%dma_wait3A_274 : memref<100000x32xf32, #tpu.memory_space<hbm>>) dst(%dma_wait3A_269 : memref<96x32xf32, #tpu.memory_space<vmem>>)
      %add3A_275 = arith.constant 3 : i32
      %add3A_276 = arith.addi %add3A_158, %add3A_275 : i32
      %dma_start3A_277 = arith.constant 0 : i32
      %dma_start3A_278 = tpu.memref_slice %arg2[%add3A_276, %dma_start3A_277] : memref<4096x200xi32, #tpu.memory_space<hbm>> -> memref<1x200xi32, #tpu.memory_space<hbm>>
      %dma_start3A_279 = tpu.memref_squeeze %dma_start3A_278 : memref<1x200xi32, #tpu.memory_space<hbm>> -> memref<200xi32, #tpu.memory_space<hbm>>
      %dma_start3A_280 = arith.constant 0 : i32
      %dma_start3A_281 = tpu.memref_slice %arg2[%add3A_276, %dma_start3A_280] : memref<4096x200xi32, #tpu.memory_space<hbm>> -> memref<1x200xi32, #tpu.memory_space<hbm>>
      %dma_start3A_282 = tpu.memref_squeeze %dma_start3A_281 : memref<1x200xi32, #tpu.memory_space<hbm>> -> memref<200xi32, #tpu.memory_space<hbm>>
      tpu.enqueue_dma source(%dma_start3A_282 : memref<200xi32, #tpu.memory_space<hbm>>) target(%arg6 : memref<200xi32, #tpu.memory_space<vmem>>) target_semaphore(%arg11 : memref<!tpu.dma_semaphore, #tpu.memory_space<semaphore_mem>>)
      %mul3A_283 = arith.constant 2 : i32
      %mul3A_284 = arith.muli %mul3A_283, %scan3A_155 : i32
      %add3A_285 = arith.constant 1 : i32
      %add3A_286 = arith.addi %mul3A_284, %add3A_285 : i32
      %broadcast_in_dim3A_287 = arith.constant 0.000000e+00 : f32
      %broadcast_in_dim3A_288 = vector.broadcast %broadcast_in_dim3A_287 : f32 to vector<16xf32>
      %scan3A_289 = arith.constant 0 : i32
      %scan3A_290 = arith.constant 25 : i32
      %scan3A_291 = arith.addi %scan3A_289, %scan3A_290 : i32
      %scan3A_292 = arith.constant 1 : i32
      %scan3A_293:4 = scf.for %scan3A_313 = %scan3A_289 to %scan3A_291 step %scan3A_292 iter_args(%scan3A_314 = %broadcast_in_dim3A_288, %scan3A_315 = %broadcast_in_dim3A_288, %scan3A_316 = %broadcast_in_dim3A_288, %scan3A_317 = %broadcast_in_dim3A_288) -> (vector<16xf32>, vector<16xf32>, vector<16xf32>, vector<16xf32>)  : i32 {
        %mul3A_318 = arith.constant 8 : i32
        %mul3A_319 = arith.muli %scan3A_313, %mul3A_318 : i32
        %add3A_320 = arith.constant 0 : i32
        %add3A_321 = arith.addi %mul3A_319, %add3A_320 : i32
        %get3A = arith.index_cast %add3A_321 : i32 to index
        %get3A_322 = arith.constant 0 : index
        %get3A_323 = tpu.vector_load %arg8[%get3A, %get3A_322] {strides = array<i32>} : memref<200x32xf32, #tpu.memory_space<vmem>>, vector<1x16xf32>,
        %get3A_324 = vector.shape_cast %get3A_323 : vector<1x16xf32> to vector<16xf32>
        %add3A_325 = arith.addf %scan3A_314, %get3A_324 : vector<16xf32>
        %add3A_326 = arith.constant 0 : i32
        %add3A_327 = arith.addi %mul3A_319, %add3A_326 : i32
        %get3A_328 = arith.index_cast %add3A_327 : i32 to index
        %get3A_329 = arith.constant 16 : index
        %get3A_330 = tpu.vector_load %arg8[%get3A_328, %get3A_329] {strides = array<i32>} : memref<200x32xf32, #tpu.memory_space<vmem>>, vector<1x16xf32>,
        %get3A_331 = vector.shape_cast %get3A_330 : vector<1x16xf32> to vector<16xf32>
        %add3A_332 = arith.addf %scan3A_315, %get3A_331 : vector<16xf32>
        %add3A_333 = arith.constant 0 : i32
        %add3A_334 = arith.addi %mul3A_319, %add3A_333 : i32
        %add3A_335 = arith.constant 1 : i32
        %add3A_336 = arith.addi %add3A_334, %add3A_335 : i32
        %get3A_337 = arith.index_cast %add3A_336 : i32 to index
        %get3A_338 = arith.constant 0 : index
        %get3A_339 = tpu.vector_load %arg8[%get3A_337, %get3A_338] {strides = array<i32>} : memref<200x32xf32, #tpu.memory_space<vmem>>, vector<1x16xf32>,
        %get3A_340 = vector.shape_cast %get3A_339 : vector<1x16xf32> to vector<16xf32>
        %add3A_341 = arith.addf %scan3A_316, %get3A_340 : vector<16xf32>
        %add3A_342 = arith.constant 0 : i32
        %add3A_343 = arith.addi %mul3A_319, %add3A_342 : i32
        %add3A_344 = arith.constant 1 : i32
        %add3A_345 = arith.addi %add3A_343, %add3A_344 : i32
        %get3A_346 = arith.index_cast %add3A_345 : i32 to index
        %get3A_347 = arith.constant 16 : index
        %get3A_348 = tpu.vector_load %arg8[%get3A_346, %get3A_347] {strides = array<i32>} : memref<200x32xf32, #tpu.memory_space<vmem>>, vector<1x16xf32>,
        %get3A_349 = vector.shape_cast %get3A_348 : vector<1x16xf32> to vector<16xf32>
        %add3A_350 = arith.addf %scan3A_317, %get3A_349 : vector<16xf32>
        %add3A_351 = arith.constant 2 : i32
        %add3A_352 = arith.addi %mul3A_319, %add3A_351 : i32
        %get3A_353 = arith.index_cast %add3A_352 : i32 to index
        %get3A_354 = arith.constant 0 : index
        %get3A_355 = tpu.vector_load %arg8[%get3A_353, %get3A_354] {strides = array<i32>} : memref<200x32xf32, #tpu.memory_space<vmem>>, vector<1x16xf32>,
        %get3A_356 = vector.shape_cast %get3A_355 : vector<1x16xf32> to vector<16xf32>
        %add3A_357 = arith.addf %add3A_325, %get3A_356 : vector<16xf32>
        %add3A_358 = arith.constant 2 : i32
        %add3A_359 = arith.addi %mul3A_319, %add3A_358 : i32
        %get3A_360 = arith.index_cast %add3A_359 : i32 to index
        %get3A_361 = arith.constant 16 : index
        %get3A_362 = tpu.vector_load %arg8[%get3A_360, %get3A_361] {strides = array<i32>} : memref<200x32xf32, #tpu.memory_space<vmem>>, vector<1x16xf32>,
        %get3A_363 = vector.shape_cast %get3A_362 : vector<1x16xf32> to vector<16xf32>
        %add3A_364 = arith.addf %add3A_332, %get3A_363 : vector<16xf32>
        %add3A_365 = arith.constant 2 : i32
        %add3A_366 = arith.addi %mul3A_319, %add3A_365 : i32
        %add3A_367 = arith.constant 1 : i32
        %add3A_368 = arith.addi %add3A_366, %add3A_367 : i32
        %get3A_369 = arith.index_cast %add3A_368 : i32 to index
        %get3A_370 = arith.constant 0 : index
        %get3A_371 = tpu.vector_load %arg8[%get3A_369, %get3A_370] {strides = array<i32>} : memref<200x32xf32, #tpu.memory_space<vmem>>, vector<1x16xf32>,
        %get3A_372 = vector.shape_cast %get3A_371 : vector<1x16xf32> to vector<16xf32>
        %add3A_373 = arith.addf %add3A_341, %get3A_372 : vector<16xf32>
        %add3A_374 = arith.constant 2 : i32
        %add3A_375 = arith.addi %mul3A_319, %add3A_374 : i32
        %add3A_376 = arith.constant 1 : i32
        %add3A_377 = arith.addi %add3A_375, %add3A_376 : i32
        %get3A_378 = arith.index_cast %add3A_377 : i32 to index
        %get3A_379 = arith.constant 16 : index
        %get3A_380 = tpu.vector_load %arg8[%get3A_378, %get3A_379] {strides = array<i32>} : memref<200x32xf32, #tpu.memory_space<vmem>>, vector<1x16xf32>,
        %get3A_381 = vector.shape_cast %get3A_380 : vector<1x16xf32> to vector<16xf32>
        %add3A_382 = arith.addf %add3A_350, %get3A_381 : vector<16xf32>
        %add3A_383 = arith.constant 4 : i32
        %add3A_384 = arith.addi %mul3A_319, %add3A_383 : i32
        %get3A_385 = arith.index_cast %add3A_384 : i32 to index
        %get3A_386 = arith.constant 0 : index
        %get3A_387 = tpu.vector_load %arg8[%get3A_385, %get3A_386] {strides = array<i32>} : memref<200x32xf32, #tpu.memory_space<vmem>>, vector<1x16xf32>,
        %get3A_388 = vector.shape_cast %get3A_387 : vector<1x16xf32> to vector<16xf32>
        %add3A_389 = arith.addf %add3A_357, %get3A_388 : vector<16xf32>
        %add3A_390 = arith.constant 4 : i32
        %add3A_391 = arith.addi %mul3A_319, %add3A_390 : i32
        %get3A_392 = arith.index_cast %add3A_391 : i32 to index
        %get3A_393 = arith.constant 16 : index
        %get3A_394 = tpu.vector_load %arg8[%get3A_392, %get3A_393] {strides = array<i32>} : memref<200x32xf32, #tpu.memory_space<vmem>>, vector<1x16xf32>,
        %get3A_395 = vector.shape_cast %get3A_394 : vector<1x16xf32> to vector<16xf32>
        %add3A_396 = arith.addf %add3A_364, %get3A_395 : vector<16xf32>
        %add3A_397 = arith.constant 4 : i32
        %add3A_398 = arith.addi %mul3A_319, %add3A_397 : i32
        %add3A_399 = arith.constant 1 : i32
        %add3A_400 = arith.addi %add3A_398, %add3A_399 : i32
        %get3A_401 = arith.index_cast %add3A_400 : i32 to index
        %get3A_402 = arith.constant 0 : index
        %get3A_403 = tpu.vector_load %arg8[%get3A_401, %get3A_402] {strides = array<i32>} : memref<200x32xf32, #tpu.memory_space<vmem>>, vector<1x16xf32>,
        %get3A_404 = vector.shape_cast %get3A_403 : vector<1x16xf32> to vector<16xf32>
        %add3A_405 = arith.addf %add3A_373, %get3A_404 : vector<16xf32>
        %add3A_406 = arith.constant 4 : i32
        %add3A_407 = arith.addi %mul3A_319, %add3A_406 : i32
        %add3A_408 = arith.constant 1 : i32
        %add3A_409 = arith.addi %add3A_407, %add3A_408 : i32
        %get3A_410 = arith.index_cast %add3A_409 : i32 to index
        %get3A_411 = arith.constant 16 : index
        %get3A_412 = tpu.vector_load %arg8[%get3A_410, %get3A_411] {strides = array<i32>} : memref<200x32xf32, #tpu.memory_space<vmem>>, vector<1x16xf32>,
        %get3A_413 = vector.shape_cast %get3A_412 : vector<1x16xf32> to vector<16xf32>
        %add3A_414 = arith.addf %add3A_382, %get3A_413 : vector<16xf32>
        %add3A_415 = arith.constant 6 : i32
        %add3A_416 = arith.addi %mul3A_319, %add3A_415 : i32
        %get3A_417 = arith.index_cast %add3A_416 : i32 to index
        %get3A_418 = arith.constant 0 : index
        %get3A_419 = tpu.vector_load %arg8[%get3A_417, %get3A_418] {strides = array<i32>} : memref<200x32xf32, #tpu.memory_space<vmem>>, vector<1x16xf32>,
        %get3A_420 = vector.shape_cast %get3A_419 : vector<1x16xf32> to vector<16xf32>
        %add3A_421 = arith.addf %add3A_389, %get3A_420 : vector<16xf32>
        %add3A_422 = arith.constant 6 : i32
        %add3A_423 = arith.addi %mul3A_319, %add3A_422 : i32
        %get3A_424 = arith.index_cast %add3A_423 : i32 to index
        %get3A_425 = arith.constant 16 : index
        %get3A_426 = tpu.vector_load %arg8[%get3A_424, %get3A_425] {strides = array<i32>} : memref<200x32xf32, #tpu.memory_space<vmem>>, vector<1x16xf32>,
        %get3A_427 = vector.shape_cast %get3A_426 : vector<1x16xf32> to vector<16xf32>
        %add3A_428 = arith.addf %add3A_396, %get3A_427 : vector<16xf32>
        %add3A_429 = arith.constant 6 : i32
        %add3A_430 = arith.addi %mul3A_319, %add3A_429 : i32
        %add3A_431 = arith.constant 1 : i32
        %add3A_432 = arith.addi %add3A_430, %add3A_431 : i32
        %get3A_433 = arith.index_cast %add3A_432 : i32 to index
        %get3A_434 = arith.constant 0 : index
        %get3A_435 = tpu.vector_load %arg8[%get3A_433, %get3A_434] {strides = array<i32>} : memref<200x32xf32, #tpu.memory_space<vmem>>, vector<1x16xf32>,
        %get3A_436 = vector.shape_cast %get3A_435 : vector<1x16xf32> to vector<16xf32>
        %add3A_437 = arith.addf %add3A_405, %get3A_436 : vector<16xf32>
        %add3A_438 = arith.constant 6 : i32
        %add3A_439 = arith.addi %mul3A_319, %add3A_438 : i32
        %add3A_440 = arith.constant 1 : i32
        %add3A_441 = arith.addi %add3A_439, %add3A_440 : i32
        %get3A_442 = arith.index_cast %add3A_441 : i32 to index
        %get3A_443 = arith.constant 16 : index
        %get3A_444 = tpu.vector_load %arg8[%get3A_442, %get3A_443] {strides = array<i32>} : memref<200x32xf32, #tpu.memory_space<vmem>>, vector<1x16xf32>,
        %get3A_445 = vector.shape_cast %get3A_444 : vector<1x16xf32> to vector<16xf32>
        %add3A_446 = arith.addf %add3A_414, %get3A_445 : vector<16xf32>
        scf.yield %add3A_421, %add3A_428, %add3A_437, %add3A_446 : vector<16xf32>, vector<16xf32>, vector<16xf32>, vector<16xf32>
      }
      %scan3A_294 = arith.constant 25 : i32
      %add3A_295 = arith.addf %scan3A_293#0, %scan3A_293#2 : vector<16xf32>
      %mul3A_296 = arith.constant 5.000000e-03 : f32
      %mul3A_297 = vector.broadcast %mul3A_296 : f32 to vector<16xf32>
      %mul3A_298 = arith.mulf %add3A_295, %mul3A_297 : vector<16xf32>
      %swap3A_299 = arith.index_cast %add3A_286 : i32 to index
      %swap3A_300 = arith.constant 0 : index
      %swap3A_301 = tpu.vector_load %arg9[%swap3A_299, %swap3A_300] {strides = array<i32>} : memref<128x32xf32, #tpu.memory_space<vmem>>, vector<1x16xf32>,
      %swap3A_302 = vector.shape_cast %swap3A_301 : vector<1x16xf32> to vector<16xf32>
      %swap3A_303 = vector.shape_cast %mul3A_298 : vector<16xf32> to vector<1x16xf32>
      tpu.vector_store %arg9[%swap3A_299, %swap3A_300], %swap3A_303 {strides = array<i32>} : memref<128x32xf32, #tpu.memory_space<vmem>>, vector<1x16xf32>,
      %add3A_304 = arith.addf %scan3A_293#1, %scan3A_293#3 : vector<16xf32>
      %mul3A_305 = arith.constant 5.000000e-03 : f32
      %mul3A_306 = vector.broadcast %mul3A_305 : f32 to vector<16xf32>
      %mul3A_307 = arith.mulf %add3A_304, %mul3A_306 : vector<16xf32>
      %swap3A_308 = arith.index_cast %add3A_286 : i32 to index
      %swap3A_309 = arith.constant 16 : index
      %swap3A_310 = tpu.vector_load %arg9[%swap3A_308, %swap3A_309] {strides = array<i32>} : memref<128x32xf32, #tpu.memory_space<vmem>>, vector<1x16xf32>,
      %swap3A_311 = vector.shape_cast %swap3A_310 : vector<1x16xf32> to vector<16xf32>
      %swap3A_312 = vector.shape_cast %mul3A_307 : vector<16xf32> to vector<1x16xf32>
      tpu.vector_store %arg9[%swap3A_308, %swap3A_309], %swap3A_312 {strides = array<i32>} : memref<128x32xf32, #tpu.memory_space<vmem>>, vector<1x16xf32>,
    }
    %scan3A_41 = arith.constant 63 : i32
    %add3A_42 = arith.constant 128 : i32
    %add3A_43 = arith.addi %mul3A_2, %add3A_42 : i32
    %sub3A = arith.constant 2 : i32
    %sub3A_44 = arith.subi %add3A_43, %sub3A : i32
    %add3A_45 = arith.constant 1 : i32
    %add3A_46 = arith.addi %sub3A_44, %add3A_45 : i32
    %dma_wait3A_47 = arith.constant 0 : i32
    %dma_wait3A_48 = tpu.memref_slice %arg2[%add3A_46, %dma_wait3A_47] : memref<4096x200xi32, #tpu.memory_space<hbm>> -> memref<1x200xi32, #tpu.memory_space<hbm>>
    %dma_wait3A_49 = tpu.memref_squeeze %dma_wait3A_48 : memref<1x200xi32, #tpu.memory_space<hbm>> -> memref<200xi32, #tpu.memory_space<hbm>>
    %dma_wait3A_50 = arith.constant 0 : i32
    %dma_wait3A_51 = tpu.memref_slice %arg2[%add3A_46, %dma_wait3A_50] : memref<4096x200xi32, #tpu.memory_space<hbm>> -> memref<1x200xi32, #tpu.memory_space<hbm>>
    %dma_wait3A_52 = tpu.memref_squeeze %dma_wait3A_51 : memref<1x200xi32, #tpu.memory_space<hbm>> -> memref<200xi32, #tpu.memory_space<hbm>>
    tpu.wait_dma2 semaphore(%arg11 : memref<!tpu.dma_semaphore, #tpu.memory_space<semaphore_mem>>) src(%dma_wait3A_52 : memref<200xi32, #tpu.memory_space<hbm>>) dst(%arg6 : memref<200xi32, #tpu.memory_space<vmem>>)
    %dma_start3A_53 = arith.constant 0 : i32
    %dma_start3A_54 = arith.constant 0 : i32
    %dma_start3A_55 = tpu.memref_slice %arg8[%dma_start3A_53, %dma_start3A_54] : memref<200x32xf32, #tpu.memory_space<vmem>> -> memref<104x32xf32, #tpu.memory_space<vmem>>
    %dma_start3A_56 = arith.constant 0 : i32
    %dma_start3A_57 = tpu.memref_slice %arg6[%dma_start3A_56] : memref<200xi32, #tpu.memory_space<vmem>> -> memref<104xi32, #tpu.memory_space<vmem>>
    %dma_start3A_58 = arith.constant 0 : i32
    %dma_start3A_59 = arith.constant 0 : i32
    %dma_start3A_60 = tpu.memref_slice %arg3[%dma_start3A_58, %dma_start3A_59] : memref<100000x32xf32, #tpu.memory_space<hbm>> -> memref<100000x32xf32, #tpu.memory_space<hbm>>
    tpu.enqueue_indirect_dma source(%dma_start3A_60 : memref<100000x32xf32, #tpu.memory_space<hbm>>) target(%dma_start3A_55 : memref<104x32xf32, #tpu.memory_space<vmem>>) offsets(%dma_start3A_57 : memref<104xi32, #tpu.memory_space<vmem>>) semaphore(%arg13 : memref<!tpu.dma_semaphore, #tpu.memory_space<semaphore_mem>>)
    %dma_start3A_61 = arith.constant 104 : i32
    %dma_start3A_62 = arith.constant 0 : i32
    %dma_start3A_63 = tpu.memref_slice %arg8[%dma_start3A_61, %dma_start3A_62] : memref<200x32xf32, #tpu.memory_space<vmem>> -> memref<96x32xf32, #tpu.memory_space<vmem>>
    %dma_start3A_64 = arith.constant 104 : i32
    %dma_start3A_65 = tpu.memref_slice %arg6[%dma_start3A_64] : memref<200xi32, #tpu.memory_space<vmem>> -> memref<96xi32, #tpu.memory_space<vmem>>
    %dma_start3A_66 = arith.constant 0 : i32
    %dma_start3A_67 = arith.constant 0 : i32
    %dma_start3A_68 = tpu.memref_slice %arg3[%dma_start3A_66, %dma_start3A_67] : memref<100000x32xf32, #tpu.memory_space<hbm>> -> memref<100000x32xf32, #tpu.memory_space<hbm>>
    tpu.enqueue_indirect_dma source(%dma_start3A_68 : memref<100000x32xf32, #tpu.memory_space<hbm>>) target(%dma_start3A_63 : memref<96x32xf32, #tpu.memory_space<vmem>>) offsets(%dma_start3A_65 : memref<96xi32, #tpu.memory_space<vmem>>) semaphore(%arg13 : memref<!tpu.dma_semaphore, #tpu.memory_space<semaphore_mem>>)
    %dma_wait3A_69 = arith.constant 0 : i32
    %dma_wait3A_70 = arith.constant 0 : i32
    %dma_wait3A_71 = tpu.memref_slice %arg7[%dma_wait3A_69, %dma_wait3A_70] : memref<200x32xf32, #tpu.memory_space<vmem>> -> memref<104x32xf32, #tpu.memory_space<vmem>>
    %dma_wait3A_72 = arith.constant 0 : i32
    %dma_wait3A_73 = tpu.memref_slice %arg5[%dma_wait3A_72] : memref<200xi32, #tpu.memory_space<vmem>> -> memref<104xi32, #tpu.memory_space<vmem>>
    %dma_wait3A_74 = arith.constant 0 : i32
    %dma_wait3A_75 = arith.constant 0 : i32
    %dma_wait3A_76 = tpu.memref_slice %arg3[%dma_wait3A_74, %dma_wait3A_75] : memref<100000x32xf32, #tpu.memory_space<hbm>> -> memref<100000x32xf32, #tpu.memory_space<hbm>>
    tpu.wait_indirect_dma semaphore(%arg12 : memref<!tpu.dma_semaphore, #tpu.memory_space<semaphore_mem>>) src(%dma_wait3A_76 : memref<100000x32xf32, #tpu.memory_space<hbm>>) dst(%dma_wait3A_71 : memref<104x32xf32, #tpu.memory_space<vmem>>)
    %dma_wait3A_77 = arith.constant 104 : i32
    %dma_wait3A_78 = arith.constant 0 : i32
    %dma_wait3A_79 = tpu.memref_slice %arg7[%dma_wait3A_77, %dma_wait3A_78] : memref<200x32xf32, #tpu.memory_space<vmem>> -> memref<96x32xf32, #tpu.memory_space<vmem>>
    %dma_wait3A_80 = arith.constant 104 : i32
    %dma_wait3A_81 = tpu.memref_slice %arg5[%dma_wait3A_80] : memref<200xi32, #tpu.memory_space<vmem>> -> memref<96xi32, #tpu.memory_space<vmem>>
    %dma_wait3A_82 = arith.constant 0 : i32
    %dma_wait3A_83 = arith.constant 0 : i32
    %dma_wait3A_84 = tpu.memref_slice %arg3[%dma_wait3A_82, %dma_wait3A_83] : memref<100000x32xf32, #tpu.memory_space<hbm>> -> memref<100000x32xf32, #tpu.memory_space<hbm>>
    tpu.wait_indirect_dma semaphore(%arg12 : memref<!tpu.dma_semaphore, #tpu.memory_space<semaphore_mem>>) src(%dma_wait3A_84 : memref<100000x32xf32, #tpu.memory_space<hbm>>) dst(%dma_wait3A_79 : memref<96x32xf32, #tpu.memory_space<vmem>>)
    %broadcast_in_dim3A = arith.constant 0.000000e+00 : f32
    %broadcast_in_dim3A_85 = vector.broadcast %broadcast_in_dim3A : f32 to vector<16xf32>
    %scan3A_86 = arith.constant 0 : i32
    %scan3A_87 = arith.constant 25 : i32
    %scan3A_88 = arith.addi %scan3A_86, %scan3A_87 : i32
    %scan3A_89 = arith.constant 1 : i32
    %scan3A_90:4 = scf.for %scan3A_155 = %scan3A_86 to %scan3A_88 step %scan3A_89 iter_args(%scan3A_156 = %broadcast_in_dim3A_85, %scan3A_157 = %broadcast_in_dim3A_85, %scan3A_158 = %broadcast_in_dim3A_85, %scan3A_159 = %broadcast_in_dim3A_85) -> (vector<16xf32>, vector<16xf32>, vector<16xf32>, vector<16xf32>)  : i32 {
      %mul3A_160 = arith.constant 8 : i32
      %mul3A_161 = arith.muli %scan3A_155, %mul3A_160 : i32
      %add3A_162 = arith.constant 0 : i32
      %add3A_163 = arith.addi %mul3A_161, %add3A_162 : i32
      %get3A = arith.index_cast %add3A_163 : i32 to index
      %get3A_164 = arith.constant 0 : index
      %get3A_165 = tpu.vector_load %arg7[%get3A, %get3A_164] {strides = array<i32>} : memref<200x32xf32, #tpu.memory_space<vmem>>, vector<1x16xf32>,
      %get3A_166 = vector.shape_cast %get3A_165 : vector<1x16xf32> to vector<16xf32>
      %add3A_167 = arith.addf %scan3A_156, %get3A_166 : vector<16xf32>
      %add3A_168 = arith.constant 0 : i32
      %add3A_169 = arith.addi %mul3A_161, %add3A_168 : i32
      %get3A_170 = arith.index_cast %add3A_169 : i32 to index
      %get3A_171 = arith.constant 16 : index
      %get3A_172 = tpu.vector_load %arg7[%get3A_170, %get3A_171] {strides = array<i32>} : memref<200x32xf32, #tpu.memory_space<vmem>>, vector<1x16xf32>,
      %get3A_173 = vector.shape_cast %get3A_172 : vector<1x16xf32> to vector<16xf32>
      %add3A_174 = arith.addf %scan3A_157, %get3A_173 : vector<16xf32>
      %add3A_175 = arith.constant 0 : i32
      %add3A_176 = arith.addi %mul3A_161, %add3A_175 : i32
      %add3A_177 = arith.constant 1 : i32
      %add3A_178 = arith.addi %add3A_176, %add3A_177 : i32
      %get3A_179 = arith.index_cast %add3A_178 : i32 to index
      %get3A_180 = arith.constant 0 : index
      %get3A_181 = tpu.vector_load %arg7[%get3A_179, %get3A_180] {strides = array<i32>} : memref<200x32xf32, #tpu.memory_space<vmem>>, vector<1x16xf32>,
      %get3A_182 = vector.shape_cast %get3A_181 : vector<1x16xf32> to vector<16xf32>
      %add3A_183 = arith.addf %scan3A_158, %get3A_182 : vector<16xf32>
      %add3A_184 = arith.constant 0 : i32
      %add3A_185 = arith.addi %mul3A_161, %add3A_184 : i32
      %add3A_186 = arith.constant 1 : i32
      %add3A_187 = arith.addi %add3A_185, %add3A_186 : i32
      %get3A_188 = arith.index_cast %add3A_187 : i32 to index
      %get3A_189 = arith.constant 16 : index
      %get3A_190 = tpu.vector_load %arg7[%get3A_188, %get3A_189] {strides = array<i32>} : memref<200x32xf32, #tpu.memory_space<vmem>>, vector<1x16xf32>,
      %get3A_191 = vector.shape_cast %get3A_190 : vector<1x16xf32> to vector<16xf32>
      %add3A_192 = arith.addf %scan3A_159, %get3A_191 : vector<16xf32>
      %add3A_193 = arith.constant 2 : i32
      %add3A_194 = arith.addi %mul3A_161, %add3A_193 : i32
      %get3A_195 = arith.index_cast %add3A_194 : i32 to index
      %get3A_196 = arith.constant 0 : index
      %get3A_197 = tpu.vector_load %arg7[%get3A_195, %get3A_196] {strides = array<i32>} : memref<200x32xf32, #tpu.memory_space<vmem>>, vector<1x16xf32>,
      %get3A_198 = vector.shape_cast %get3A_197 : vector<1x16xf32> to vector<16xf32>
      %add3A_199 = arith.addf %add3A_167, %get3A_198 : vector<16xf32>
      %add3A_200 = arith.constant 2 : i32
      %add3A_201 = arith.addi %mul3A_161, %add3A_200 : i32
      %get3A_202 = arith.index_cast %add3A_201 : i32 to index
      %get3A_203 = arith.constant 16 : index
      %get3A_204 = tpu.vector_load %arg7[%get3A_202, %get3A_203] {strides = array<i32>} : memref<200x32xf32, #tpu.memory_space<vmem>>, vector<1x16xf32>,
      %get3A_205 = vector.shape_cast %get3A_204 : vector<1x16xf32> to vector<16xf32>
      %add3A_206 = arith.addf %add3A_174, %get3A_205 : vector<16xf32>
      %add3A_207 = arith.constant 2 : i32
      %add3A_208 = arith.addi %mul3A_161, %add3A_207 : i32
      %add3A_209 = arith.constant 1 : i32
      %add3A_210 = arith.addi %add3A_208, %add3A_209 : i32
      %get3A_211 = arith.index_cast %add3A_210 : i32 to index
      %get3A_212 = arith.constant 0 : index
      %get3A_213 = tpu.vector_load %arg7[%get3A_211, %get3A_212] {strides = array<i32>} : memref<200x32xf32, #tpu.memory_space<vmem>>, vector<1x16xf32>,
      %get3A_214 = vector.shape_cast %get3A_213 : vector<1x16xf32> to vector<16xf32>
      %add3A_215 = arith.addf %add3A_183, %get3A_214 : vector<16xf32>
      %add3A_216 = arith.constant 2 : i32
      %add3A_217 = arith.addi %mul3A_161, %add3A_216 : i32
      %add3A_218 = arith.constant 1 : i32
      %add3A_219 = arith.addi %add3A_217, %add3A_218 : i32
      %get3A_220 = arith.index_cast %add3A_219 : i32 to index
      %get3A_221 = arith.constant 16 : index
      %get3A_222 = tpu.vector_load %arg7[%get3A_220, %get3A_221] {strides = array<i32>} : memref<200x32xf32, #tpu.memory_space<vmem>>, vector<1x16xf32>,
      %get3A_223 = vector.shape_cast %get3A_222 : vector<1x16xf32> to vector<16xf32>
      %add3A_224 = arith.addf %add3A_192, %get3A_223 : vector<16xf32>
      %add3A_225 = arith.constant 4 : i32
      %add3A_226 = arith.addi %mul3A_161, %add3A_225 : i32
      %get3A_227 = arith.index_cast %add3A_226 : i32 to index
      %get3A_228 = arith.constant 0 : index
      %get3A_229 = tpu.vector_load %arg7[%get3A_227, %get3A_228] {strides = array<i32>} : memref<200x32xf32, #tpu.memory_space<vmem>>, vector<1x16xf32>,
      %get3A_230 = vector.shape_cast %get3A_229 : vector<1x16xf32> to vector<16xf32>
      %add3A_231 = arith.addf %add3A_199, %get3A_230 : vector<16xf32>
      %add3A_232 = arith.constant 4 : i32
      %add3A_233 = arith.addi %mul3A_161, %add3A_232 : i32
      %get3A_234 = arith.index_cast %add3A_233 : i32 to index
      %get3A_235 = arith.constant 16 : index
      %get3A_236 = tpu.vector_load %arg7[%get3A_234, %get3A_235] {strides = array<i32>} : memref<200x32xf32, #tpu.memory_space<vmem>>, vector<1x16xf32>,
      %get3A_237 = vector.shape_cast %get3A_236 : vector<1x16xf32> to vector<16xf32>
      %add3A_238 = arith.addf %add3A_206, %get3A_237 : vector<16xf32>
      %add3A_239 = arith.constant 4 : i32
      %add3A_240 = arith.addi %mul3A_161, %add3A_239 : i32
      %add3A_241 = arith.constant 1 : i32
      %add3A_242 = arith.addi %add3A_240, %add3A_241 : i32
      %get3A_243 = arith.index_cast %add3A_242 : i32 to index
      %get3A_244 = arith.constant 0 : index
      %get3A_245 = tpu.vector_load %arg7[%get3A_243, %get3A_244] {strides = array<i32>} : memref<200x32xf32, #tpu.memory_space<vmem>>, vector<1x16xf32>,
      %get3A_246 = vector.shape_cast %get3A_245 : vector<1x16xf32> to vector<16xf32>
      %add3A_247 = arith.addf %add3A_215, %get3A_246 : vector<16xf32>
      %add3A_248 = arith.constant 4 : i32
      %add3A_249 = arith.addi %mul3A_161, %add3A_248 : i32
      %add3A_250 = arith.constant 1 : i32
      %add3A_251 = arith.addi %add3A_249, %add3A_250 : i32
      %get3A_252 = arith.index_cast %add3A_251 : i32 to index
      %get3A_253 = arith.constant 16 : index
      %get3A_254 = tpu.vector_load %arg7[%get3A_252, %get3A_253] {strides = array<i32>} : memref<200x32xf32, #tpu.memory_space<vmem>>, vector<1x16xf32>,
      %get3A_255 = vector.shape_cast %get3A_254 : vector<1x16xf32> to vector<16xf32>
      %add3A_256 = arith.addf %add3A_224, %get3A_255 : vector<16xf32>
      %add3A_257 = arith.constant 6 : i32
      %add3A_258 = arith.addi %mul3A_161, %add3A_257 : i32
      %get3A_259 = arith.index_cast %add3A_258 : i32 to index
      %get3A_260 = arith.constant 0 : index
      %get3A_261 = tpu.vector_load %arg7[%get3A_259, %get3A_260] {strides = array<i32>} : memref<200x32xf32, #tpu.memory_space<vmem>>, vector<1x16xf32>,
      %get3A_262 = vector.shape_cast %get3A_261 : vector<1x16xf32> to vector<16xf32>
      %add3A_263 = arith.addf %add3A_231, %get3A_262 : vector<16xf32>
      %add3A_264 = arith.constant 6 : i32
      %add3A_265 = arith.addi %mul3A_161, %add3A_264 : i32
      %get3A_266 = arith.index_cast %add3A_265 : i32 to index
      %get3A_267 = arith.constant 16 : index
      %get3A_268 = tpu.vector_load %arg7[%get3A_266, %get3A_267] {strides = array<i32>} : memref<200x32xf32, #tpu.memory_space<vmem>>, vector<1x16xf32>,
      %get3A_269 = vector.shape_cast %get3A_268 : vector<1x16xf32> to vector<16xf32>
      %add3A_270 = arith.addf %add3A_238, %get3A_269 : vector<16xf32>
      %add3A_271 = arith.constant 6 : i32
      %add3A_272 = arith.addi %mul3A_161, %add3A_271 : i32
      %add3A_273 = arith.constant 1 : i32
      %add3A_274 = arith.addi %add3A_272, %add3A_273 : i32
      %get3A_275 = arith.index_cast %add3A_274 : i32 to index
      %get3A_276 = arith.constant 0 : index
      %get3A_277 = tpu.vector_load %arg7[%get3A_275, %get3A_276] {strides = array<i32>} : memref<200x32xf32, #tpu.memory_space<vmem>>, vector<1x16xf32>,
      %get3A_278 = vector.shape_cast %get3A_277 : vector<1x16xf32> to vector<16xf32>
      %add3A_279 = arith.addf %add3A_247, %get3A_278 : vector<16xf32>
      %add3A_280 = arith.constant 6 : i32
      %add3A_281 = arith.addi %mul3A_161, %add3A_280 : i32
      %add3A_282 = arith.constant 1 : i32
      %add3A_283 = arith.addi %add3A_281, %add3A_282 : i32
      %get3A_284 = arith.index_cast %add3A_283 : i32 to index
      %get3A_285 = arith.constant 16 : index
      %get3A_286 = tpu.vector_load %arg7[%get3A_284, %get3A_285] {strides = array<i32>} : memref<200x32xf32, #tpu.memory_space<vmem>>, vector<1x16xf32>,
      %get3A_287 = vector.shape_cast %get3A_286 : vector<1x16xf32> to vector<16xf32>
      %add3A_288 = arith.addf %add3A_256, %get3A_287 : vector<16xf32>
      scf.yield %add3A_263, %add3A_270, %add3A_279, %add3A_288 : vector<16xf32>, vector<16xf32>, vector<16xf32>, vector<16xf32>
    }
    %scan3A_91 = arith.constant 25 : i32
    %add3A_92 = arith.addf %scan3A_90#0, %scan3A_90#2 : vector<16xf32>
    %mul3A_93 = arith.constant 5.000000e-03 : f32
    %mul3A_94 = vector.broadcast %mul3A_93 : f32 to vector<16xf32>
    %mul3A_95 = arith.mulf %add3A_92, %mul3A_94 : vector<16xf32>
    %swap3A = arith.constant 126 : i32
    %swap3A_96 = arith.index_cast %swap3A : i32 to index
    %swap3A_97 = arith.constant 0 : index
    %swap3A_98 = tpu.vector_load %arg9[%swap3A_96, %swap3A_97] {strides = array<i32>} : memref<128x32xf32, #tpu.memory_space<vmem>>, vector<1x16xf32>,
    %swap3A_99 = vector.shape_cast %swap3A_98 : vector<1x16xf32> to vector<16xf32>
    %swap3A_100 = vector.shape_cast %mul3A_95 : vector<16xf32> to vector<1x16xf32>
    tpu.vector_store %arg9[%swap3A_96, %swap3A_97], %swap3A_100 {strides = array<i32>} : memref<128x32xf32, #tpu.memory_space<vmem>>, vector<1x16xf32>,
    %add3A_101 = arith.addf %scan3A_90#1, %scan3A_90#3 : vector<16xf32>
    %mul3A_102 = arith.constant 5.000000e-03 : f32
    %mul3A_103 = vector.broadcast %mul3A_102 : f32 to vector<16xf32>
    %mul3A_104 = arith.mulf %add3A_101, %mul3A_103 : vector<16xf32>
    %swap3A_105 = arith.constant 126 : i32
    %swap3A_106 = arith.index_cast %swap3A_105 : i32 to index
    %swap3A_107 = arith.constant 16 : index
    %swap3A_108 = tpu.vector_load %arg9[%swap3A_106, %swap3A_107] {strides = array<i32>} : memref<128x32xf32, #tpu.memory_space<vmem>>, vector<1x16xf32>,
    %swap3A_109 = vector.shape_cast %swap3A_108 : vector<1x16xf32> to vector<16xf32>
    %swap3A_110 = vector.shape_cast %mul3A_104 : vector<16xf32> to vector<1x16xf32>
    tpu.vector_store %arg9[%swap3A_106, %swap3A_107], %swap3A_110 {strides = array<i32>} : memref<128x32xf32, #tpu.memory_space<vmem>>, vector<1x16xf32>,
    %dma_wait3A_111 = arith.constant 0 : i32
    %dma_wait3A_112 = arith.constant 0 : i32
    %dma_wait3A_113 = tpu.memref_slice %arg8[%dma_wait3A_111, %dma_wait3A_112] : memref<200x32xf32, #tpu.memory_space<vmem>> -> memref<104x32xf32, #tpu.memory_space<vmem>>
    %dma_wait3A_114 = arith.constant 0 : i32
    %dma_wait3A_115 = tpu.memref_slice %arg6[%dma_wait3A_114] : memref<200xi32, #tpu.memory_space<vmem>> -> memref<104xi32, #tpu.memory_space<vmem>>
    %dma_wait3A_116 = arith.constant 0 : i32
    %dma_wait3A_117 = arith.constant 0 : i32
    %dma_wait3A_118 = tpu.memref_slice %arg3[%dma_wait3A_116, %dma_wait3A_117] : memref<100000x32xf32, #tpu.memory_space<hbm>> -> memref<100000x32xf32, #tpu.memory_space<hbm>>
    tpu.wait_indirect_dma semaphore(%arg13 : memref<!tpu.dma_semaphore, #tpu.memory_space<semaphore_mem>>) src(%dma_wait3A_118 : memref<100000x32xf32, #tpu.memory_space<hbm>>) dst(%dma_wait3A_113 : memref<104x32xf32, #tpu.memory_space<vmem>>)
    %dma_wait3A_119 = arith.constant 104 : i32
    %dma_wait3A_120 = arith.constant 0 : i32
    %dma_wait3A_121 = tpu.memref_slice %arg8[%dma_wait3A_119, %dma_wait3A_120] : memref<200x32xf32, #tpu.memory_space<vmem>> -> memref<96x32xf32, #tpu.memory_space<vmem>>
    %dma_wait3A_122 = arith.constant 104 : i32
    %dma_wait3A_123 = tpu.memref_slice %arg6[%dma_wait3A_122] : memref<200xi32, #tpu.memory_space<vmem>> -> memref<96xi32, #tpu.memory_space<vmem>>
    %dma_wait3A_124 = arith.constant 0 : i32
    %dma_wait3A_125 = arith.constant 0 : i32
    %dma_wait3A_126 = tpu.memref_slice %arg3[%dma_wait3A_124, %dma_wait3A_125] : memref<100000x32xf32, #tpu.memory_space<hbm>> -> memref<100000x32xf32, #tpu.memory_space<hbm>>
    tpu.wait_indirect_dma semaphore(%arg13 : memref<!tpu.dma_semaphore, #tpu.memory_space<semaphore_mem>>) src(%dma_wait3A_126 : memref<100000x32xf32, #tpu.memory_space<hbm>>) dst(%dma_wait3A_121 : memref<96x32xf32, #tpu.memory_space<vmem>>)
    %broadcast_in_dim3A_127 = arith.constant 0.000000e+00 : f32
    %broadcast_in_dim3A_128 = vector.broadcast %broadcast_in_dim3A_127 : f32 to vector<16xf32>
    %scan3A_129 = arith.constant 0 : i32
    %scan3A_130 = arith.constant 25 : i32
    %scan3A_131 = arith.addi %scan3A_129, %scan3A_130 : i32
    %scan3A_132 = arith.constant 1 : i32
    %scan3A_133:4 = scf.for %scan3A_155 = %scan3A_129 to %scan3A_131 step %scan3A_132 iter_args(%scan3A_156 = %broadcast_in_dim3A_128, %scan3A_157 = %broadcast_in_dim3A_128, %scan3A_158 = %broadcast_in_dim3A_128, %scan3A_159 = %broadcast_in_dim3A_128) -> (vector<16xf32>, vector<16xf32>, vector<16xf32>, vector<16xf32>)  : i32 {
      %mul3A_160 = arith.constant 8 : i32
      %mul3A_161 = arith.muli %scan3A_155, %mul3A_160 : i32
      %add3A_162 = arith.constant 0 : i32
      %add3A_163 = arith.addi %mul3A_161, %add3A_162 : i32
      %get3A = arith.index_cast %add3A_163 : i32 to index
      %get3A_164 = arith.constant 0 : index
      %get3A_165 = tpu.vector_load %arg8[%get3A, %get3A_164] {strides = array<i32>} : memref<200x32xf32, #tpu.memory_space<vmem>>, vector<1x16xf32>,
      %get3A_166 = vector.shape_cast %get3A_165 : vector<1x16xf32> to vector<16xf32>
      %add3A_167 = arith.addf %scan3A_156, %get3A_166 : vector<16xf32>
      %add3A_168 = arith.constant 0 : i32
      %add3A_169 = arith.addi %mul3A_161, %add3A_168 : i32
      %get3A_170 = arith.index_cast %add3A_169 : i32 to index
      %get3A_171 = arith.constant 16 : index
      %get3A_172 = tpu.vector_load %arg8[%get3A_170, %get3A_171] {strides = array<i32>} : memref<200x32xf32, #tpu.memory_space<vmem>>, vector<1x16xf32>,
      %get3A_173 = vector.shape_cast %get3A_172 : vector<1x16xf32> to vector<16xf32>
      %add3A_174 = arith.addf %scan3A_157, %get3A_173 : vector<16xf32>
      %add3A_175 = arith.constant 0 : i32
      %add3A_176 = arith.addi %mul3A_161, %add3A_175 : i32
      %add3A_177 = arith.constant 1 : i32
      %add3A_178 = arith.addi %add3A_176, %add3A_177 : i32
      %get3A_179 = arith.index_cast %add3A_178 : i32 to index
      %get3A_180 = arith.constant 0 : index
      %get3A_181 = tpu.vector_load %arg8[%get3A_179, %get3A_180] {strides = array<i32>} : memref<200x32xf32, #tpu.memory_space<vmem>>, vector<1x16xf32>,
      %get3A_182 = vector.shape_cast %get3A_181 : vector<1x16xf32> to vector<16xf32>
      %add3A_183 = arith.addf %scan3A_158, %get3A_182 : vector<16xf32>
      %add3A_184 = arith.constant 0 : i32
      %add3A_185 = arith.addi %mul3A_161, %add3A_184 : i32
      %add3A_186 = arith.constant 1 : i32
      %add3A_187 = arith.addi %add3A_185, %add3A_186 : i32
      %get3A_188 = arith.index_cast %add3A_187 : i32 to index
      %get3A_189 = arith.constant 16 : index
      %get3A_190 = tpu.vector_load %arg8[%get3A_188, %get3A_189] {strides = array<i32>} : memref<200x32xf32, #tpu.memory_space<vmem>>, vector<1x16xf32>,
      %get3A_191 = vector.shape_cast %get3A_190 : vector<1x16xf32> to vector<16xf32>
      %add3A_192 = arith.addf %scan3A_159, %get3A_191 : vector<16xf32>
      %add3A_193 = arith.constant 2 : i32
      %add3A_194 = arith.addi %mul3A_161, %add3A_193 : i32
      %get3A_195 = arith.index_cast %add3A_194 : i32 to index
      %get3A_196 = arith.constant 0 : index
      %get3A_197 = tpu.vector_load %arg8[%get3A_195, %get3A_196] {strides = array<i32>} : memref<200x32xf32, #tpu.memory_space<vmem>>, vector<1x16xf32>,
      %get3A_198 = vector.shape_cast %get3A_197 : vector<1x16xf32> to vector<16xf32>
      %add3A_199 = arith.addf %add3A_167, %get3A_198 : vector<16xf32>
      %add3A_200 = arith.constant 2 : i32
      %add3A_201 = arith.addi %mul3A_161, %add3A_200 : i32
      %get3A_202 = arith.index_cast %add3A_201 : i32 to index
      %get3A_203 = arith.constant 16 : index
      %get3A_204 = tpu.vector_load %arg8[%get3A_202, %get3A_203] {strides = array<i32>} : memref<200x32xf32, #tpu.memory_space<vmem>>, vector<1x16xf32>,
      %get3A_205 = vector.shape_cast %get3A_204 : vector<1x16xf32> to vector<16xf32>
      %add3A_206 = arith.addf %add3A_174, %get3A_205 : vector<16xf32>
      %add3A_207 = arith.constant 2 : i32
      %add3A_208 = arith.addi %mul3A_161, %add3A_207 : i32
      %add3A_209 = arith.constant 1 : i32
      %add3A_210 = arith.addi %add3A_208, %add3A_209 : i32
      %get3A_211 = arith.index_cast %add3A_210 : i32 to index
      %get3A_212 = arith.constant 0 : index
      %get3A_213 = tpu.vector_load %arg8[%get3A_211, %get3A_212] {strides = array<i32>} : memref<200x32xf32, #tpu.memory_space<vmem>>, vector<1x16xf32>,
      %get3A_214 = vector.shape_cast %get3A_213 : vector<1x16xf32> to vector<16xf32>
      %add3A_215 = arith.addf %add3A_183, %get3A_214 : vector<16xf32>
      %add3A_216 = arith.constant 2 : i32
      %add3A_217 = arith.addi %mul3A_161, %add3A_216 : i32
      %add3A_218 = arith.constant 1 : i32
      %add3A_219 = arith.addi %add3A_217, %add3A_218 : i32
      %get3A_220 = arith.index_cast %add3A_219 : i32 to index
      %get3A_221 = arith.constant 16 : index
      %get3A_222 = tpu.vector_load %arg8[%get3A_220, %get3A_221] {strides = array<i32>} : memref<200x32xf32, #tpu.memory_space<vmem>>, vector<1x16xf32>,
      %get3A_223 = vector.shape_cast %get3A_222 : vector<1x16xf32> to vector<16xf32>
      %add3A_224 = arith.addf %add3A_192, %get3A_223 : vector<16xf32>
      %add3A_225 = arith.constant 4 : i32
      %add3A_226 = arith.addi %mul3A_161, %add3A_225 : i32
      %get3A_227 = arith.index_cast %add3A_226 : i32 to index
      %get3A_228 = arith.constant 0 : index
      %get3A_229 = tpu.vector_load %arg8[%get3A_227, %get3A_228] {strides = array<i32>} : memref<200x32xf32, #tpu.memory_space<vmem>>, vector<1x16xf32>,
      %get3A_230 = vector.shape_cast %get3A_229 : vector<1x16xf32> to vector<16xf32>
      %add3A_231 = arith.addf %add3A_199, %get3A_230 : vector<16xf32>
      %add3A_232 = arith.constant 4 : i32
      %add3A_233 = arith.addi %mul3A_161, %add3A_232 : i32
      %get3A_234 = arith.index_cast %add3A_233 : i32 to index
      %get3A_235 = arith.constant 16 : index
      %get3A_236 = tpu.vector_load %arg8[%get3A_234, %get3A_235] {strides = array<i32>} : memref<200x32xf32, #tpu.memory_space<vmem>>, vector<1x16xf32>,
      %get3A_237 = vector.shape_cast %get3A_236 : vector<1x16xf32> to vector<16xf32>
      %add3A_238 = arith.addf %add3A_206, %get3A_237 : vector<16xf32>
      %add3A_239 = arith.constant 4 : i32
      %add3A_240 = arith.addi %mul3A_161, %add3A_239 : i32
      %add3A_241 = arith.constant 1 : i32
      %add3A_242 = arith.addi %add3A_240, %add3A_241 : i32
      %get3A_243 = arith.index_cast %add3A_242 : i32 to index
      %get3A_244 = arith.constant 0 : index
      %get3A_245 = tpu.vector_load %arg8[%get3A_243, %get3A_244] {strides = array<i32>} : memref<200x32xf32, #tpu.memory_space<vmem>>, vector<1x16xf32>,
      %get3A_246 = vector.shape_cast %get3A_245 : vector<1x16xf32> to vector<16xf32>
      %add3A_247 = arith.addf %add3A_215, %get3A_246 : vector<16xf32>
      %add3A_248 = arith.constant 4 : i32
      %add3A_249 = arith.addi %mul3A_161, %add3A_248 : i32
      %add3A_250 = arith.constant 1 : i32
      %add3A_251 = arith.addi %add3A_249, %add3A_250 : i32
      %get3A_252 = arith.index_cast %add3A_251 : i32 to index
      %get3A_253 = arith.constant 16 : index
      %get3A_254 = tpu.vector_load %arg8[%get3A_252, %get3A_253] {strides = array<i32>} : memref<200x32xf32, #tpu.memory_space<vmem>>, vector<1x16xf32>,
      %get3A_255 = vector.shape_cast %get3A_254 : vector<1x16xf32> to vector<16xf32>
      %add3A_256 = arith.addf %add3A_224, %get3A_255 : vector<16xf32>
      %add3A_257 = arith.constant 6 : i32
      %add3A_258 = arith.addi %mul3A_161, %add3A_257 : i32
      %get3A_259 = arith.index_cast %add3A_258 : i32 to index
      %get3A_260 = arith.constant 0 : index
      %get3A_261 = tpu.vector_load %arg8[%get3A_259, %get3A_260] {strides = array<i32>} : memref<200x32xf32, #tpu.memory_space<vmem>>, vector<1x16xf32>,
      %get3A_262 = vector.shape_cast %get3A_261 : vector<1x16xf32> to vector<16xf32>
      %add3A_263 = arith.addf %add3A_231, %get3A_262 : vector<16xf32>
      %add3A_264 = arith.constant 6 : i32
      %add3A_265 = arith.addi %mul3A_161, %add3A_264 : i32
      %get3A_266 = arith.index_cast %add3A_265 : i32 to index
      %get3A_267 = arith.constant 16 : index
      %get3A_268 = tpu.vector_load %arg8[%get3A_266, %get3A_267] {strides = array<i32>} : memref<200x32xf32, #tpu.memory_space<vmem>>, vector<1x16xf32>,
      %get3A_269 = vector.shape_cast %get3A_268 : vector<1x16xf32> to vector<16xf32>
      %add3A_270 = arith.addf %add3A_238, %get3A_269 : vector<16xf32>
      %add3A_271 = arith.constant 6 : i32
      %add3A_272 = arith.addi %mul3A_161, %add3A_271 : i32
      %add3A_273 = arith.constant 1 : i32
      %add3A_274 = arith.addi %add3A_272, %add3A_273 : i32
      %get3A_275 = arith.index_cast %add3A_274 : i32 to index
      %get3A_276 = arith.constant 0 : index
      %get3A_277 = tpu.vector_load %arg8[%get3A_275, %get3A_276] {strides = array<i32>} : memref<200x32xf32, #tpu.memory_space<vmem>>, vector<1x16xf32>,
      %get3A_278 = vector.shape_cast %get3A_277 : vector<1x16xf32> to vector<16xf32>
      %add3A_279 = arith.addf %add3A_247, %get3A_278 : vector<16xf32>
      %add3A_280 = arith.constant 6 : i32
      %add3A_281 = arith.addi %mul3A_161, %add3A_280 : i32
      %add3A_282 = arith.constant 1 : i32
      %add3A_283 = arith.addi %add3A_281, %add3A_282 : i32
      %get3A_284 = arith.index_cast %add3A_283 : i32 to index
      %get3A_285 = arith.constant 16 : index
      %get3A_286 = tpu.vector_load %arg8[%get3A_284, %get3A_285] {strides = array<i32>} : memref<200x32xf32, #tpu.memory_space<vmem>>, vector<1x16xf32>,
      %get3A_287 = vector.shape_cast %get3A_286 : vector<1x16xf32> to vector<16xf32>
      %add3A_288 = arith.addf %add3A_256, %get3A_287 : vector<16xf32>
      scf.yield %add3A_263, %add3A_270, %add3A_279, %add3A_288 : vector<16xf32>, vector<16xf32>, vector<16xf32>, vector<16xf32>
    }
    %scan3A_134 = arith.constant 25 : i32
    %add3A_135 = arith.addf %scan3A_133#0, %scan3A_133#2 : vector<16xf32>
    %mul3A_136 = arith.constant 5.000000e-03 : f32
    %mul3A_137 = vector.broadcast %mul3A_136 : f32 to vector<16xf32>
    %mul3A_138 = arith.mulf %add3A_135, %mul3A_137 : vector<16xf32>
    %swap3A_139 = arith.constant 127 : i32
    %swap3A_140 = arith.index_cast %swap3A_139 : i32 to index
    %swap3A_141 = arith.constant 0 : index
    %swap3A_142 = tpu.vector_load %arg9[%swap3A_140, %swap3A_141] {strides = array<i32>} : memref<128x32xf32, #tpu.memory_space<vmem>>, vector<1x16xf32>,
    %swap3A_143 = vector.shape_cast %swap3A_142 : vector<1x16xf32> to vector<16xf32>
    %swap3A_144 = vector.shape_cast %mul3A_138 : vector<16xf32> to vector<1x16xf32>
    tpu.vector_store %arg9[%swap3A_140, %swap3A_141], %swap3A_144 {strides = array<i32>} : memref<128x32xf32, #tpu.memory_space<vmem>>, vector<1x16xf32>,
    %add3A_145 = arith.addf %scan3A_133#1, %scan3A_133#3 : vector<16xf32>
    %mul3A_146 = arith.constant 5.000000e-03 : f32
    %mul3A_147 = vector.broadcast %mul3A_146 : f32 to vector<16xf32>
    %mul3A_148 = arith.mulf %add3A_145, %mul3A_147 : vector<16xf32>
    %swap3A_149 = arith.constant 127 : i32
    %swap3A_150 = arith.index_cast %swap3A_149 : i32 to index
    %swap3A_151 = arith.constant 16 : index
    %swap3A_152 = tpu.vector_load %arg9[%swap3A_150, %swap3A_151] {strides = array<i32>} : memref<128x32xf32, #tpu.memory_space<vmem>>, vector<1x16xf32>,
    %swap3A_153 = vector.shape_cast %swap3A_152 : vector<1x16xf32> to vector<16xf32>
    %swap3A_154 = vector.shape_cast %mul3A_148 : vector<16xf32> to vector<1x16xf32>
    tpu.vector_store %arg9[%swap3A_150, %swap3A_151], %swap3A_154 {strides = array<i32>} : memref<128x32xf32, #tpu.memory_space<vmem>>, vector<1x16xf32>,
    "tpu.region"() ({
      %run_scoped3A = tpu.sem_alloc : memref<!tpu.dma_semaphore, #tpu.memory_space<semaphore_mem>>
      %dma_start3A_155 = arith.constant 0 : i32
      %dma_start3A_156 = tpu.memref_slice %arg4[%mul3A_2, %dma_start3A_155] : memref<4096x32xf32, #tpu.memory_space<hbm>> -> memref<128x32xf32, #tpu.memory_space<hbm>>
      %dma_start3A_157 = arith.constant 0 : i32
      %dma_start3A_158 = tpu.memref_slice %arg4[%mul3A_2, %dma_start3A_157] : memref<4096x32xf32, #tpu.memory_space<hbm>> -> memref<128x32xf32, #tpu.memory_space<hbm>>
      tpu.enqueue_dma source(%arg9 : memref<128x32xf32, #tpu.memory_space<vmem>>) target(%dma_start3A_158 : memref<128x32xf32, #tpu.memory_space<hbm>>) target_semaphore(%run_scoped3A : memref<!tpu.dma_semaphore, #tpu.memory_space<semaphore_mem>>)
      %dma_wait3A_159 = arith.constant 0 : i32
      %dma_wait3A_160 = tpu.memref_slice %arg4[%mul3A_2, %dma_wait3A_159] : memref<4096x32xf32, #tpu.memory_space<hbm>> -> memref<128x32xf32, #tpu.memory_space<hbm>>
      %dma_wait3A_161 = arith.constant 0 : i32
      %dma_wait3A_162 = tpu.memref_slice %arg4[%mul3A_2, %dma_wait3A_161] : memref<4096x32xf32, #tpu.memory_space<hbm>> -> memref<128x32xf32, #tpu.memory_space<hbm>>
      tpu.wait_dma2 semaphore(%run_scoped3A : memref<!tpu.dma_semaphore, #tpu.memory_space<semaphore_mem>>) src(%arg9 : memref<128x32xf32, #tpu.memory_space<vmem>>) dst(%dma_wait3A_162 : memref<128x32xf32, #tpu.memory_space<hbm>>)
      tpu.yield
    }) : () -> ()
    return
  }
}

#map = affine_map<(d0, d1) -> (0, 0)>
module attributes {stable_mosaic.version = 14 : i64} {
  func.func @_pool_body(%arg0: i32, %arg1: i32, %arg2: memref<4096x200xi32, #tpu.memory_space<hbm>>, %arg3: memref<1000000x32xf32, #tpu.memory_space<hbm>>, %arg4: memref<4096x32xf32, #tpu.memory_space<hbm>>, %arg5: memref<200xi32, #tpu.memory_space<vmem>>, %arg6: memref<200xi32, #tpu.memory_space<vmem>>, %arg7: memref<200x32xf32, #tpu.memory_space<vmem>>, %arg8: memref<200x32xf32, #tpu.memory_space<vmem>>, %arg9: memref<128x32xf32, #tpu.memory_space<vmem>>, %arg10: memref<!tpu.dma_semaphore, #tpu.memory_space<semaphore_mem>>, %arg11: memref<!tpu.dma_semaphore, #tpu.memory_space<semaphore_mem>>, %arg12: memref<!tpu.dma_semaphore, #tpu.memory_space<semaphore_mem>>, %arg13: memref<!tpu.dma_semaphore, #tpu.memory_space<semaphore_mem>>) attributes {dimension_semantics = [#tpu.dimension_semantics<core_parallel>, #tpu.dimension_semantics<subcore_parallel>], iteration_bounds = array<i64: 2, 16>, scalar_prefetch = 0 : i64, scratch_operands = 9 : i64, tpu.core_type = #tpu.core_type<sc_vector_subcore>, window_params = [{transform_indices = #map}, {transform_indices = #map}, {transform_indices = #map}]} {
    %mul3A = arith.constant 2 : i32
    %mul3A_0 = arith.muli %arg1, %mul3A : i32
    %add3A = arith.addi %mul3A_0, %arg0 : i32
    %mul3A_1 = arith.constant 128 : i32
    %mul3A_2 = arith.muli %add3A, %mul3A_1 : i32
    %dma_start3A = arith.constant 0 : i32
    %dma_start3A_3 = tpu.memref_slice %arg2[%mul3A_2, %dma_start3A] : memref<4096x200xi32, #tpu.memory_space<hbm>> -> memref<1x200xi32, #tpu.memory_space<hbm>>
    %dma_start3A_4 = tpu.memref_squeeze %dma_start3A_3 : memref<1x200xi32, #tpu.memory_space<hbm>> -> memref<200xi32, #tpu.memory_space<hbm>>
    %dma_start3A_5 = arith.constant 0 : i32
    %dma_start3A_6 = tpu.memref_slice %arg2[%mul3A_2, %dma_start3A_5] : memref<4096x200xi32, #tpu.memory_space<hbm>> -> memref<1x200xi32, #tpu.memory_space<hbm>>
    %dma_start3A_7 = tpu.memref_squeeze %dma_start3A_6 : memref<1x200xi32, #tpu.memory_space<hbm>> -> memref<200xi32, #tpu.memory_space<hbm>>
    tpu.enqueue_dma source(%dma_start3A_7 : memref<200xi32, #tpu.memory_space<hbm>>) target(%arg5 : memref<200xi32, #tpu.memory_space<vmem>>) target_semaphore(%arg10 : memref<!tpu.dma_semaphore, #tpu.memory_space<semaphore_mem>>)
    %dma_wait3A = arith.constant 0 : i32
    %dma_wait3A_8 = tpu.memref_slice %arg2[%mul3A_2, %dma_wait3A] : memref<4096x200xi32, #tpu.memory_space<hbm>> -> memref<1x200xi32, #tpu.memory_space<hbm>>
    %dma_wait3A_9 = tpu.memref_squeeze %dma_wait3A_8 : memref<1x200xi32, #tpu.memory_space<hbm>> -> memref<200xi32, #tpu.memory_space<hbm>>
    %dma_wait3A_10 = arith.constant 0 : i32
    %dma_wait3A_11 = tpu.memref_slice %arg2[%mul3A_2, %dma_wait3A_10] : memref<4096x200xi32, #tpu.memory_space<hbm>> -> memref<1x200xi32, #tpu.memory_space<hbm>>
    %dma_wait3A_12 = tpu.memref_squeeze %dma_wait3A_11 : memref<1x200xi32, #tpu.memory_space<hbm>> -> memref<200xi32, #tpu.memory_space<hbm>>
    tpu.wait_dma2 semaphore(%arg10 : memref<!tpu.dma_semaphore, #tpu.memory_space<semaphore_mem>>) src(%dma_wait3A_12 : memref<200xi32, #tpu.memory_space<hbm>>) dst(%arg5 : memref<200xi32, #tpu.memory_space<vmem>>)
    %dma_start3A_13 = arith.constant 0 : i32
    %dma_start3A_14 = arith.constant 0 : i32
    %dma_start3A_15 = tpu.memref_slice %arg7[%dma_start3A_13, %dma_start3A_14] : memref<200x32xf32, #tpu.memory_space<vmem>> -> memref<104x32xf32, #tpu.memory_space<vmem>>
    %dma_start3A_16 = arith.constant 0 : i32
    %dma_start3A_17 = tpu.memref_slice %arg5[%dma_start3A_16] : memref<200xi32, #tpu.memory_space<vmem>> -> memref<104xi32, #tpu.memory_space<vmem>>
    %dma_start3A_18 = arith.constant 0 : i32
    %dma_start3A_19 = arith.constant 0 : i32
    %dma_start3A_20 = tpu.memref_slice %arg3[%dma_start3A_18, %dma_start3A_19] : memref<1000000x32xf32, #tpu.memory_space<hbm>> -> memref<1000000x32xf32, #tpu.memory_space<hbm>>
    tpu.enqueue_indirect_dma source(%dma_start3A_20 : memref<1000000x32xf32, #tpu.memory_space<hbm>>) target(%dma_start3A_15 : memref<104x32xf32, #tpu.memory_space<vmem>>) offsets(%dma_start3A_17 : memref<104xi32, #tpu.memory_space<vmem>>) semaphore(%arg12 : memref<!tpu.dma_semaphore, #tpu.memory_space<semaphore_mem>>)
    %dma_start3A_21 = arith.constant 104 : i32
    %dma_start3A_22 = arith.constant 0 : i32
    %dma_start3A_23 = tpu.memref_slice %arg7[%dma_start3A_21, %dma_start3A_22] : memref<200x32xf32, #tpu.memory_space<vmem>> -> memref<96x32xf32, #tpu.memory_space<vmem>>
    %dma_start3A_24 = arith.constant 104 : i32
    %dma_start3A_25 = tpu.memref_slice %arg5[%dma_start3A_24] : memref<200xi32, #tpu.memory_space<vmem>> -> memref<96xi32, #tpu.memory_space<vmem>>
    %dma_start3A_26 = arith.constant 0 : i32
    %dma_start3A_27 = arith.constant 0 : i32
    %dma_start3A_28 = tpu.memref_slice %arg3[%dma_start3A_26, %dma_start3A_27] : memref<1000000x32xf32, #tpu.memory_space<hbm>> -> memref<1000000x32xf32, #tpu.memory_space<hbm>>
    tpu.enqueue_indirect_dma source(%dma_start3A_28 : memref<1000000x32xf32, #tpu.memory_space<hbm>>) target(%dma_start3A_23 : memref<96x32xf32, #tpu.memory_space<vmem>>) offsets(%dma_start3A_25 : memref<96xi32, #tpu.memory_space<vmem>>) semaphore(%arg12 : memref<!tpu.dma_semaphore, #tpu.memory_space<semaphore_mem>>)
    %add3A_29 = arith.constant 1 : i32
    %add3A_30 = arith.addi %mul3A_2, %add3A_29 : i32
    %dma_start3A_31 = arith.constant 0 : i32
    %dma_start3A_32 = tpu.memref_slice %arg2[%add3A_30, %dma_start3A_31] : memref<4096x200xi32, #tpu.memory_space<hbm>> -> memref<1x200xi32, #tpu.memory_space<hbm>>
    %dma_start3A_33 = tpu.memref_squeeze %dma_start3A_32 : memref<1x200xi32, #tpu.memory_space<hbm>> -> memref<200xi32, #tpu.memory_space<hbm>>
    %dma_start3A_34 = arith.constant 0 : i32
    %dma_start3A_35 = tpu.memref_slice %arg2[%add3A_30, %dma_start3A_34] : memref<4096x200xi32, #tpu.memory_space<hbm>> -> memref<1x200xi32, #tpu.memory_space<hbm>>
    %dma_start3A_36 = tpu.memref_squeeze %dma_start3A_35 : memref<1x200xi32, #tpu.memory_space<hbm>> -> memref<200xi32, #tpu.memory_space<hbm>>
    tpu.enqueue_dma source(%dma_start3A_36 : memref<200xi32, #tpu.memory_space<hbm>>) target(%arg6 : memref<200xi32, #tpu.memory_space<vmem>>) target_semaphore(%arg11 : memref<!tpu.dma_semaphore, #tpu.memory_space<semaphore_mem>>)
    %scan3A = arith.constant 0 : i32
    %scan3A_37 = arith.constant 0 : i32
    %scan3A_38 = arith.constant 63 : i32
    %scan3A_39 = arith.addi %scan3A_37, %scan3A_38 : i32
    %scan3A_40 = arith.constant 1 : i32
    scf.for %scan3A_155 = %scan3A_37 to %scan3A_39 step %scan3A_40  : i32 {
      %mul3A_156 = arith.constant 2 : i32
      %mul3A_157 = arith.muli %mul3A_156, %scan3A_155 : i32
      %add3A_158 = arith.addi %mul3A_2, %mul3A_157 : i32
      %add3A_159 = arith.constant 1 : i32
      %add3A_160 = arith.addi %add3A_158, %add3A_159 : i32
      %dma_wait3A_161 = arith.constant 0 : i32
      %dma_wait3A_162 = tpu.memref_slice %arg2[%add3A_160, %dma_wait3A_161] : memref<4096x200xi32, #tpu.memory_space<hbm>> -> memref<1x200xi32, #tpu.memory_space<hbm>>
      %dma_wait3A_163 = tpu.memref_squeeze %dma_wait3A_162 : memref<1x200xi32, #tpu.memory_space<hbm>> -> memref<200xi32, #tpu.memory_space<hbm>>
      %dma_wait3A_164 = arith.constant 0 : i32
      %dma_wait3A_165 = tpu.memref_slice %arg2[%add3A_160, %dma_wait3A_164] : memref<4096x200xi32, #tpu.memory_space<hbm>> -> memref<1x200xi32, #tpu.memory_space<hbm>>
      %dma_wait3A_166 = tpu.memref_squeeze %dma_wait3A_165 : memref<1x200xi32, #tpu.memory_space<hbm>> -> memref<200xi32, #tpu.memory_space<hbm>>
      tpu.wait_dma2 semaphore(%arg11 : memref<!tpu.dma_semaphore, #tpu.memory_space<semaphore_mem>>) src(%dma_wait3A_166 : memref<200xi32, #tpu.memory_space<hbm>>) dst(%arg6 : memref<200xi32, #tpu.memory_space<vmem>>)
      %dma_start3A_167 = arith.constant 0 : i32
      %dma_start3A_168 = arith.constant 0 : i32
      %dma_start3A_169 = tpu.memref_slice %arg8[%dma_start3A_167, %dma_start3A_168] : memref<200x32xf32, #tpu.memory_space<vmem>> -> memref<104x32xf32, #tpu.memory_space<vmem>>
      %dma_start3A_170 = arith.constant 0 : i32
      %dma_start3A_171 = tpu.memref_slice %arg6[%dma_start3A_170] : memref<200xi32, #tpu.memory_space<vmem>> -> memref<104xi32, #tpu.memory_space<vmem>>
      %dma_start3A_172 = arith.constant 0 : i32
      %dma_start3A_173 = arith.constant 0 : i32
      %dma_start3A_174 = tpu.memref_slice %arg3[%dma_start3A_172, %dma_start3A_173] : memref<1000000x32xf32, #tpu.memory_space<hbm>> -> memref<1000000x32xf32, #tpu.memory_space<hbm>>
      tpu.enqueue_indirect_dma source(%dma_start3A_174 : memref<1000000x32xf32, #tpu.memory_space<hbm>>) target(%dma_start3A_169 : memref<104x32xf32, #tpu.memory_space<vmem>>) offsets(%dma_start3A_171 : memref<104xi32, #tpu.memory_space<vmem>>) semaphore(%arg13 : memref<!tpu.dma_semaphore, #tpu.memory_space<semaphore_mem>>)
      %dma_start3A_175 = arith.constant 104 : i32
      %dma_start3A_176 = arith.constant 0 : i32
      %dma_start3A_177 = tpu.memref_slice %arg8[%dma_start3A_175, %dma_start3A_176] : memref<200x32xf32, #tpu.memory_space<vmem>> -> memref<96x32xf32, #tpu.memory_space<vmem>>
      %dma_start3A_178 = arith.constant 104 : i32
      %dma_start3A_179 = tpu.memref_slice %arg6[%dma_start3A_178] : memref<200xi32, #tpu.memory_space<vmem>> -> memref<96xi32, #tpu.memory_space<vmem>>
      %dma_start3A_180 = arith.constant 0 : i32
      %dma_start3A_181 = arith.constant 0 : i32
      %dma_start3A_182 = tpu.memref_slice %arg3[%dma_start3A_180, %dma_start3A_181] : memref<1000000x32xf32, #tpu.memory_space<hbm>> -> memref<1000000x32xf32, #tpu.memory_space<hbm>>
      tpu.enqueue_indirect_dma source(%dma_start3A_182 : memref<1000000x32xf32, #tpu.memory_space<hbm>>) target(%dma_start3A_177 : memref<96x32xf32, #tpu.memory_space<vmem>>) offsets(%dma_start3A_179 : memref<96xi32, #tpu.memory_space<vmem>>) semaphore(%arg13 : memref<!tpu.dma_semaphore, #tpu.memory_space<semaphore_mem>>)
      %dma_wait3A_183 = arith.constant 0 : i32
      %dma_wait3A_184 = arith.constant 0 : i32
      %dma_wait3A_185 = tpu.memref_slice %arg7[%dma_wait3A_183, %dma_wait3A_184] : memref<200x32xf32, #tpu.memory_space<vmem>> -> memref<104x32xf32, #tpu.memory_space<vmem>>
      %dma_wait3A_186 = arith.constant 0 : i32
      %dma_wait3A_187 = tpu.memref_slice %arg5[%dma_wait3A_186] : memref<200xi32, #tpu.memory_space<vmem>> -> memref<104xi32, #tpu.memory_space<vmem>>
      %dma_wait3A_188 = arith.constant 0 : i32
      %dma_wait3A_189 = arith.constant 0 : i32
      %dma_wait3A_190 = tpu.memref_slice %arg3[%dma_wait3A_188, %dma_wait3A_189] : memref<1000000x32xf32, #tpu.memory_space<hbm>> -> memref<1000000x32xf32, #tpu.memory_space<hbm>>
      tpu.wait_indirect_dma semaphore(%arg12 : memref<!tpu.dma_semaphore, #tpu.memory_space<semaphore_mem>>) src(%dma_wait3A_190 : memref<1000000x32xf32, #tpu.memory_space<hbm>>) dst(%dma_wait3A_185 : memref<104x32xf32, #tpu.memory_space<vmem>>)
      %dma_wait3A_191 = arith.constant 104 : i32
      %dma_wait3A_192 = arith.constant 0 : i32
      %dma_wait3A_193 = tpu.memref_slice %arg7[%dma_wait3A_191, %dma_wait3A_192] : memref<200x32xf32, #tpu.memory_space<vmem>> -> memref<96x32xf32, #tpu.memory_space<vmem>>
      %dma_wait3A_194 = arith.constant 104 : i32
      %dma_wait3A_195 = tpu.memref_slice %arg5[%dma_wait3A_194] : memref<200xi32, #tpu.memory_space<vmem>> -> memref<96xi32, #tpu.memory_space<vmem>>
      %dma_wait3A_196 = arith.constant 0 : i32
      %dma_wait3A_197 = arith.constant 0 : i32
      %dma_wait3A_198 = tpu.memref_slice %arg3[%dma_wait3A_196, %dma_wait3A_197] : memref<1000000x32xf32, #tpu.memory_space<hbm>> -> memref<1000000x32xf32, #tpu.memory_space<hbm>>
      tpu.wait_indirect_dma semaphore(%arg12 : memref<!tpu.dma_semaphore, #tpu.memory_space<semaphore_mem>>) src(%dma_wait3A_198 : memref<1000000x32xf32, #tpu.memory_space<hbm>>) dst(%dma_wait3A_193 : memref<96x32xf32, #tpu.memory_space<vmem>>)
      %add3A_199 = arith.constant 2 : i32
      %add3A_200 = arith.addi %add3A_158, %add3A_199 : i32
      %dma_start3A_201 = arith.constant 0 : i32
      %dma_start3A_202 = tpu.memref_slice %arg2[%add3A_200, %dma_start3A_201] : memref<4096x200xi32, #tpu.memory_space<hbm>> -> memref<1x200xi32, #tpu.memory_space<hbm>>
      %dma_start3A_203 = tpu.memref_squeeze %dma_start3A_202 : memref<1x200xi32, #tpu.memory_space<hbm>> -> memref<200xi32, #tpu.memory_space<hbm>>
      %dma_start3A_204 = arith.constant 0 : i32
      %dma_start3A_205 = tpu.memref_slice %arg2[%add3A_200, %dma_start3A_204] : memref<4096x200xi32, #tpu.memory_space<hbm>> -> memref<1x200xi32, #tpu.memory_space<hbm>>
      %dma_start3A_206 = tpu.memref_squeeze %dma_start3A_205 : memref<1x200xi32, #tpu.memory_space<hbm>> -> memref<200xi32, #tpu.memory_space<hbm>>
      tpu.enqueue_dma source(%dma_start3A_206 : memref<200xi32, #tpu.memory_space<hbm>>) target(%arg5 : memref<200xi32, #tpu.memory_space<vmem>>) target_semaphore(%arg10 : memref<!tpu.dma_semaphore, #tpu.memory_space<semaphore_mem>>)
      %mul3A_207 = arith.constant 2 : i32
      %mul3A_208 = arith.muli %mul3A_207, %scan3A_155 : i32
      %broadcast_in_dim3A_209 = arith.constant 0.000000e+00 : f32
      %broadcast_in_dim3A_210 = vector.broadcast %broadcast_in_dim3A_209 : f32 to vector<16xf32>
      %scan3A_211 = arith.constant 0 : i32
      %scan3A_212 = arith.constant 25 : i32
      %scan3A_213 = arith.addi %scan3A_211, %scan3A_212 : i32
      %scan3A_214 = arith.constant 1 : i32
      %scan3A_215:4 = scf.for %scan3A_313 = %scan3A_211 to %scan3A_213 step %scan3A_214 iter_args(%scan3A_314 = %broadcast_in_dim3A_210, %scan3A_315 = %broadcast_in_dim3A_210, %scan3A_316 = %broadcast_in_dim3A_210, %scan3A_317 = %broadcast_in_dim3A_210) -> (vector<16xf32>, vector<16xf32>, vector<16xf32>, vector<16xf32>)  : i32 {
        %mul3A_318 = arith.constant 8 : i32
        %mul3A_319 = arith.muli %scan3A_313, %mul3A_318 : i32
        %add3A_320 = arith.constant 0 : i32
        %add3A_321 = arith.addi %mul3A_319, %add3A_320 : i32
        %get3A = arith.index_cast %add3A_321 : i32 to index
        %get3A_322 = arith.constant 0 : index
        %get3A_323 = tpu.vector_load %arg7[%get3A, %get3A_322] {strides = array<i32>} : memref<200x32xf32, #tpu.memory_space<vmem>>, vector<1x16xf32>,
        %get3A_324 = vector.shape_cast %get3A_323 : vector<1x16xf32> to vector<16xf32>
        %add3A_325 = arith.addf %scan3A_314, %get3A_324 : vector<16xf32>
        %add3A_326 = arith.constant 0 : i32
        %add3A_327 = arith.addi %mul3A_319, %add3A_326 : i32
        %get3A_328 = arith.index_cast %add3A_327 : i32 to index
        %get3A_329 = arith.constant 16 : index
        %get3A_330 = tpu.vector_load %arg7[%get3A_328, %get3A_329] {strides = array<i32>} : memref<200x32xf32, #tpu.memory_space<vmem>>, vector<1x16xf32>,
        %get3A_331 = vector.shape_cast %get3A_330 : vector<1x16xf32> to vector<16xf32>
        %add3A_332 = arith.addf %scan3A_315, %get3A_331 : vector<16xf32>
        %add3A_333 = arith.constant 0 : i32
        %add3A_334 = arith.addi %mul3A_319, %add3A_333 : i32
        %add3A_335 = arith.constant 1 : i32
        %add3A_336 = arith.addi %add3A_334, %add3A_335 : i32
        %get3A_337 = arith.index_cast %add3A_336 : i32 to index
        %get3A_338 = arith.constant 0 : index
        %get3A_339 = tpu.vector_load %arg7[%get3A_337, %get3A_338] {strides = array<i32>} : memref<200x32xf32, #tpu.memory_space<vmem>>, vector<1x16xf32>,
        %get3A_340 = vector.shape_cast %get3A_339 : vector<1x16xf32> to vector<16xf32>
        %add3A_341 = arith.addf %scan3A_316, %get3A_340 : vector<16xf32>
        %add3A_342 = arith.constant 0 : i32
        %add3A_343 = arith.addi %mul3A_319, %add3A_342 : i32
        %add3A_344 = arith.constant 1 : i32
        %add3A_345 = arith.addi %add3A_343, %add3A_344 : i32
        %get3A_346 = arith.index_cast %add3A_345 : i32 to index
        %get3A_347 = arith.constant 16 : index
        %get3A_348 = tpu.vector_load %arg7[%get3A_346, %get3A_347] {strides = array<i32>} : memref<200x32xf32, #tpu.memory_space<vmem>>, vector<1x16xf32>,
        %get3A_349 = vector.shape_cast %get3A_348 : vector<1x16xf32> to vector<16xf32>
        %add3A_350 = arith.addf %scan3A_317, %get3A_349 : vector<16xf32>
        %add3A_351 = arith.constant 2 : i32
        %add3A_352 = arith.addi %mul3A_319, %add3A_351 : i32
        %get3A_353 = arith.index_cast %add3A_352 : i32 to index
        %get3A_354 = arith.constant 0 : index
        %get3A_355 = tpu.vector_load %arg7[%get3A_353, %get3A_354] {strides = array<i32>} : memref<200x32xf32, #tpu.memory_space<vmem>>, vector<1x16xf32>,
        %get3A_356 = vector.shape_cast %get3A_355 : vector<1x16xf32> to vector<16xf32>
        %add3A_357 = arith.addf %add3A_325, %get3A_356 : vector<16xf32>
        %add3A_358 = arith.constant 2 : i32
        %add3A_359 = arith.addi %mul3A_319, %add3A_358 : i32
        %get3A_360 = arith.index_cast %add3A_359 : i32 to index
        %get3A_361 = arith.constant 16 : index
        %get3A_362 = tpu.vector_load %arg7[%get3A_360, %get3A_361] {strides = array<i32>} : memref<200x32xf32, #tpu.memory_space<vmem>>, vector<1x16xf32>,
        %get3A_363 = vector.shape_cast %get3A_362 : vector<1x16xf32> to vector<16xf32>
        %add3A_364 = arith.addf %add3A_332, %get3A_363 : vector<16xf32>
        %add3A_365 = arith.constant 2 : i32
        %add3A_366 = arith.addi %mul3A_319, %add3A_365 : i32
        %add3A_367 = arith.constant 1 : i32
        %add3A_368 = arith.addi %add3A_366, %add3A_367 : i32
        %get3A_369 = arith.index_cast %add3A_368 : i32 to index
        %get3A_370 = arith.constant 0 : index
        %get3A_371 = tpu.vector_load %arg7[%get3A_369, %get3A_370] {strides = array<i32>} : memref<200x32xf32, #tpu.memory_space<vmem>>, vector<1x16xf32>,
        %get3A_372 = vector.shape_cast %get3A_371 : vector<1x16xf32> to vector<16xf32>
        %add3A_373 = arith.addf %add3A_341, %get3A_372 : vector<16xf32>
        %add3A_374 = arith.constant 2 : i32
        %add3A_375 = arith.addi %mul3A_319, %add3A_374 : i32
        %add3A_376 = arith.constant 1 : i32
        %add3A_377 = arith.addi %add3A_375, %add3A_376 : i32
        %get3A_378 = arith.index_cast %add3A_377 : i32 to index
        %get3A_379 = arith.constant 16 : index
        %get3A_380 = tpu.vector_load %arg7[%get3A_378, %get3A_379] {strides = array<i32>} : memref<200x32xf32, #tpu.memory_space<vmem>>, vector<1x16xf32>,
        %get3A_381 = vector.shape_cast %get3A_380 : vector<1x16xf32> to vector<16xf32>
        %add3A_382 = arith.addf %add3A_350, %get3A_381 : vector<16xf32>
        %add3A_383 = arith.constant 4 : i32
        %add3A_384 = arith.addi %mul3A_319, %add3A_383 : i32
        %get3A_385 = arith.index_cast %add3A_384 : i32 to index
        %get3A_386 = arith.constant 0 : index
        %get3A_387 = tpu.vector_load %arg7[%get3A_385, %get3A_386] {strides = array<i32>} : memref<200x32xf32, #tpu.memory_space<vmem>>, vector<1x16xf32>,
        %get3A_388 = vector.shape_cast %get3A_387 : vector<1x16xf32> to vector<16xf32>
        %add3A_389 = arith.addf %add3A_357, %get3A_388 : vector<16xf32>
        %add3A_390 = arith.constant 4 : i32
        %add3A_391 = arith.addi %mul3A_319, %add3A_390 : i32
        %get3A_392 = arith.index_cast %add3A_391 : i32 to index
        %get3A_393 = arith.constant 16 : index
        %get3A_394 = tpu.vector_load %arg7[%get3A_392, %get3A_393] {strides = array<i32>} : memref<200x32xf32, #tpu.memory_space<vmem>>, vector<1x16xf32>,
        %get3A_395 = vector.shape_cast %get3A_394 : vector<1x16xf32> to vector<16xf32>
        %add3A_396 = arith.addf %add3A_364, %get3A_395 : vector<16xf32>
        %add3A_397 = arith.constant 4 : i32
        %add3A_398 = arith.addi %mul3A_319, %add3A_397 : i32
        %add3A_399 = arith.constant 1 : i32
        %add3A_400 = arith.addi %add3A_398, %add3A_399 : i32
        %get3A_401 = arith.index_cast %add3A_400 : i32 to index
        %get3A_402 = arith.constant 0 : index
        %get3A_403 = tpu.vector_load %arg7[%get3A_401, %get3A_402] {strides = array<i32>} : memref<200x32xf32, #tpu.memory_space<vmem>>, vector<1x16xf32>,
        %get3A_404 = vector.shape_cast %get3A_403 : vector<1x16xf32> to vector<16xf32>
        %add3A_405 = arith.addf %add3A_373, %get3A_404 : vector<16xf32>
        %add3A_406 = arith.constant 4 : i32
        %add3A_407 = arith.addi %mul3A_319, %add3A_406 : i32
        %add3A_408 = arith.constant 1 : i32
        %add3A_409 = arith.addi %add3A_407, %add3A_408 : i32
        %get3A_410 = arith.index_cast %add3A_409 : i32 to index
        %get3A_411 = arith.constant 16 : index
        %get3A_412 = tpu.vector_load %arg7[%get3A_410, %get3A_411] {strides = array<i32>} : memref<200x32xf32, #tpu.memory_space<vmem>>, vector<1x16xf32>,
        %get3A_413 = vector.shape_cast %get3A_412 : vector<1x16xf32> to vector<16xf32>
        %add3A_414 = arith.addf %add3A_382, %get3A_413 : vector<16xf32>
        %add3A_415 = arith.constant 6 : i32
        %add3A_416 = arith.addi %mul3A_319, %add3A_415 : i32
        %get3A_417 = arith.index_cast %add3A_416 : i32 to index
        %get3A_418 = arith.constant 0 : index
        %get3A_419 = tpu.vector_load %arg7[%get3A_417, %get3A_418] {strides = array<i32>} : memref<200x32xf32, #tpu.memory_space<vmem>>, vector<1x16xf32>,
        %get3A_420 = vector.shape_cast %get3A_419 : vector<1x16xf32> to vector<16xf32>
        %add3A_421 = arith.addf %add3A_389, %get3A_420 : vector<16xf32>
        %add3A_422 = arith.constant 6 : i32
        %add3A_423 = arith.addi %mul3A_319, %add3A_422 : i32
        %get3A_424 = arith.index_cast %add3A_423 : i32 to index
        %get3A_425 = arith.constant 16 : index
        %get3A_426 = tpu.vector_load %arg7[%get3A_424, %get3A_425] {strides = array<i32>} : memref<200x32xf32, #tpu.memory_space<vmem>>, vector<1x16xf32>,
        %get3A_427 = vector.shape_cast %get3A_426 : vector<1x16xf32> to vector<16xf32>
        %add3A_428 = arith.addf %add3A_396, %get3A_427 : vector<16xf32>
        %add3A_429 = arith.constant 6 : i32
        %add3A_430 = arith.addi %mul3A_319, %add3A_429 : i32
        %add3A_431 = arith.constant 1 : i32
        %add3A_432 = arith.addi %add3A_430, %add3A_431 : i32
        %get3A_433 = arith.index_cast %add3A_432 : i32 to index
        %get3A_434 = arith.constant 0 : index
        %get3A_435 = tpu.vector_load %arg7[%get3A_433, %get3A_434] {strides = array<i32>} : memref<200x32xf32, #tpu.memory_space<vmem>>, vector<1x16xf32>,
        %get3A_436 = vector.shape_cast %get3A_435 : vector<1x16xf32> to vector<16xf32>
        %add3A_437 = arith.addf %add3A_405, %get3A_436 : vector<16xf32>
        %add3A_438 = arith.constant 6 : i32
        %add3A_439 = arith.addi %mul3A_319, %add3A_438 : i32
        %add3A_440 = arith.constant 1 : i32
        %add3A_441 = arith.addi %add3A_439, %add3A_440 : i32
        %get3A_442 = arith.index_cast %add3A_441 : i32 to index
        %get3A_443 = arith.constant 16 : index
        %get3A_444 = tpu.vector_load %arg7[%get3A_442, %get3A_443] {strides = array<i32>} : memref<200x32xf32, #tpu.memory_space<vmem>>, vector<1x16xf32>,
        %get3A_445 = vector.shape_cast %get3A_444 : vector<1x16xf32> to vector<16xf32>
        %add3A_446 = arith.addf %add3A_414, %get3A_445 : vector<16xf32>
        scf.yield %add3A_421, %add3A_428, %add3A_437, %add3A_446 : vector<16xf32>, vector<16xf32>, vector<16xf32>, vector<16xf32>
      }
      %scan3A_216 = arith.constant 25 : i32
      %add3A_217 = arith.addf %scan3A_215#0, %scan3A_215#2 : vector<16xf32>
      %mul3A_218 = arith.constant 5.000000e-03 : f32
      %mul3A_219 = vector.broadcast %mul3A_218 : f32 to vector<16xf32>
      %mul3A_220 = arith.mulf %add3A_217, %mul3A_219 : vector<16xf32>
      %swap3A_221 = arith.index_cast %mul3A_208 : i32 to index
      %swap3A_222 = arith.constant 0 : index
      %swap3A_223 = tpu.vector_load %arg9[%swap3A_221, %swap3A_222] {strides = array<i32>} : memref<128x32xf32, #tpu.memory_space<vmem>>, vector<1x16xf32>,
      %swap3A_224 = vector.shape_cast %swap3A_223 : vector<1x16xf32> to vector<16xf32>
      %swap3A_225 = vector.shape_cast %mul3A_220 : vector<16xf32> to vector<1x16xf32>
      tpu.vector_store %arg9[%swap3A_221, %swap3A_222], %swap3A_225 {strides = array<i32>} : memref<128x32xf32, #tpu.memory_space<vmem>>, vector<1x16xf32>,
      %add3A_226 = arith.addf %scan3A_215#1, %scan3A_215#3 : vector<16xf32>
      %mul3A_227 = arith.constant 5.000000e-03 : f32
      %mul3A_228 = vector.broadcast %mul3A_227 : f32 to vector<16xf32>
      %mul3A_229 = arith.mulf %add3A_226, %mul3A_228 : vector<16xf32>
      %swap3A_230 = arith.index_cast %mul3A_208 : i32 to index
      %swap3A_231 = arith.constant 16 : index
      %swap3A_232 = tpu.vector_load %arg9[%swap3A_230, %swap3A_231] {strides = array<i32>} : memref<128x32xf32, #tpu.memory_space<vmem>>, vector<1x16xf32>,
      %swap3A_233 = vector.shape_cast %swap3A_232 : vector<1x16xf32> to vector<16xf32>
      %swap3A_234 = vector.shape_cast %mul3A_229 : vector<16xf32> to vector<1x16xf32>
      tpu.vector_store %arg9[%swap3A_230, %swap3A_231], %swap3A_234 {strides = array<i32>} : memref<128x32xf32, #tpu.memory_space<vmem>>, vector<1x16xf32>,
      %add3A_235 = arith.constant 2 : i32
      %add3A_236 = arith.addi %add3A_158, %add3A_235 : i32
      %dma_wait3A_237 = arith.constant 0 : i32
      %dma_wait3A_238 = tpu.memref_slice %arg2[%add3A_236, %dma_wait3A_237] : memref<4096x200xi32, #tpu.memory_space<hbm>> -> memref<1x200xi32, #tpu.memory_space<hbm>>
      %dma_wait3A_239 = tpu.memref_squeeze %dma_wait3A_238 : memref<1x200xi32, #tpu.memory_space<hbm>> -> memref<200xi32, #tpu.memory_space<hbm>>
      %dma_wait3A_240 = arith.constant 0 : i32
      %dma_wait3A_241 = tpu.memref_slice %arg2[%add3A_236, %dma_wait3A_240] : memref<4096x200xi32, #tpu.memory_space<hbm>> -> memref<1x200xi32, #tpu.memory_space<hbm>>
      %dma_wait3A_242 = tpu.memref_squeeze %dma_wait3A_241 : memref<1x200xi32, #tpu.memory_space<hbm>> -> memref<200xi32, #tpu.memory_space<hbm>>
      tpu.wait_dma2 semaphore(%arg10 : memref<!tpu.dma_semaphore, #tpu.memory_space<semaphore_mem>>) src(%dma_wait3A_242 : memref<200xi32, #tpu.memory_space<hbm>>) dst(%arg5 : memref<200xi32, #tpu.memory_space<vmem>>)
      %dma_start3A_243 = arith.constant 0 : i32
      %dma_start3A_244 = arith.constant 0 : i32
      %dma_start3A_245 = tpu.memref_slice %arg7[%dma_start3A_243, %dma_start3A_244] : memref<200x32xf32, #tpu.memory_space<vmem>> -> memref<104x32xf32, #tpu.memory_space<vmem>>
      %dma_start3A_246 = arith.constant 0 : i32
      %dma_start3A_247 = tpu.memref_slice %arg5[%dma_start3A_246] : memref<200xi32, #tpu.memory_space<vmem>> -> memref<104xi32, #tpu.memory_space<vmem>>
      %dma_start3A_248 = arith.constant 0 : i32
      %dma_start3A_249 = arith.constant 0 : i32
      %dma_start3A_250 = tpu.memref_slice %arg3[%dma_start3A_248, %dma_start3A_249] : memref<1000000x32xf32, #tpu.memory_space<hbm>> -> memref<1000000x32xf32, #tpu.memory_space<hbm>>
      tpu.enqueue_indirect_dma source(%dma_start3A_250 : memref<1000000x32xf32, #tpu.memory_space<hbm>>) target(%dma_start3A_245 : memref<104x32xf32, #tpu.memory_space<vmem>>) offsets(%dma_start3A_247 : memref<104xi32, #tpu.memory_space<vmem>>) semaphore(%arg12 : memref<!tpu.dma_semaphore, #tpu.memory_space<semaphore_mem>>)
      %dma_start3A_251 = arith.constant 104 : i32
      %dma_start3A_252 = arith.constant 0 : i32
      %dma_start3A_253 = tpu.memref_slice %arg7[%dma_start3A_251, %dma_start3A_252] : memref<200x32xf32, #tpu.memory_space<vmem>> -> memref<96x32xf32, #tpu.memory_space<vmem>>
      %dma_start3A_254 = arith.constant 104 : i32
      %dma_start3A_255 = tpu.memref_slice %arg5[%dma_start3A_254] : memref<200xi32, #tpu.memory_space<vmem>> -> memref<96xi32, #tpu.memory_space<vmem>>
      %dma_start3A_256 = arith.constant 0 : i32
      %dma_start3A_257 = arith.constant 0 : i32
      %dma_start3A_258 = tpu.memref_slice %arg3[%dma_start3A_256, %dma_start3A_257] : memref<1000000x32xf32, #tpu.memory_space<hbm>> -> memref<1000000x32xf32, #tpu.memory_space<hbm>>
      tpu.enqueue_indirect_dma source(%dma_start3A_258 : memref<1000000x32xf32, #tpu.memory_space<hbm>>) target(%dma_start3A_253 : memref<96x32xf32, #tpu.memory_space<vmem>>) offsets(%dma_start3A_255 : memref<96xi32, #tpu.memory_space<vmem>>) semaphore(%arg12 : memref<!tpu.dma_semaphore, #tpu.memory_space<semaphore_mem>>)
      %dma_wait3A_259 = arith.constant 0 : i32
      %dma_wait3A_260 = arith.constant 0 : i32
      %dma_wait3A_261 = tpu.memref_slice %arg8[%dma_wait3A_259, %dma_wait3A_260] : memref<200x32xf32, #tpu.memory_space<vmem>> -> memref<104x32xf32, #tpu.memory_space<vmem>>
      %dma_wait3A_262 = arith.constant 0 : i32
      %dma_wait3A_263 = tpu.memref_slice %arg6[%dma_wait3A_262] : memref<200xi32, #tpu.memory_space<vmem>> -> memref<104xi32, #tpu.memory_space<vmem>>
      %dma_wait3A_264 = arith.constant 0 : i32
      %dma_wait3A_265 = arith.constant 0 : i32
      %dma_wait3A_266 = tpu.memref_slice %arg3[%dma_wait3A_264, %dma_wait3A_265] : memref<1000000x32xf32, #tpu.memory_space<hbm>> -> memref<1000000x32xf32, #tpu.memory_space<hbm>>
      tpu.wait_indirect_dma semaphore(%arg13 : memref<!tpu.dma_semaphore, #tpu.memory_space<semaphore_mem>>) src(%dma_wait3A_266 : memref<1000000x32xf32, #tpu.memory_space<hbm>>) dst(%dma_wait3A_261 : memref<104x32xf32, #tpu.memory_space<vmem>>)
      %dma_wait3A_267 = arith.constant 104 : i32
      %dma_wait3A_268 = arith.constant 0 : i32
      %dma_wait3A_269 = tpu.memref_slice %arg8[%dma_wait3A_267, %dma_wait3A_268] : memref<200x32xf32, #tpu.memory_space<vmem>> -> memref<96x32xf32, #tpu.memory_space<vmem>>
      %dma_wait3A_270 = arith.constant 104 : i32
      %dma_wait3A_271 = tpu.memref_slice %arg6[%dma_wait3A_270] : memref<200xi32, #tpu.memory_space<vmem>> -> memref<96xi32, #tpu.memory_space<vmem>>
      %dma_wait3A_272 = arith.constant 0 : i32
      %dma_wait3A_273 = arith.constant 0 : i32
      %dma_wait3A_274 = tpu.memref_slice %arg3[%dma_wait3A_272, %dma_wait3A_273] : memref<1000000x32xf32, #tpu.memory_space<hbm>> -> memref<1000000x32xf32, #tpu.memory_space<hbm>>
      tpu.wait_indirect_dma semaphore(%arg13 : memref<!tpu.dma_semaphore, #tpu.memory_space<semaphore_mem>>) src(%dma_wait3A_274 : memref<1000000x32xf32, #tpu.memory_space<hbm>>) dst(%dma_wait3A_269 : memref<96x32xf32, #tpu.memory_space<vmem>>)
      %add3A_275 = arith.constant 3 : i32
      %add3A_276 = arith.addi %add3A_158, %add3A_275 : i32
      %dma_start3A_277 = arith.constant 0 : i32
      %dma_start3A_278 = tpu.memref_slice %arg2[%add3A_276, %dma_start3A_277] : memref<4096x200xi32, #tpu.memory_space<hbm>> -> memref<1x200xi32, #tpu.memory_space<hbm>>
      %dma_start3A_279 = tpu.memref_squeeze %dma_start3A_278 : memref<1x200xi32, #tpu.memory_space<hbm>> -> memref<200xi32, #tpu.memory_space<hbm>>
      %dma_start3A_280 = arith.constant 0 : i32
      %dma_start3A_281 = tpu.memref_slice %arg2[%add3A_276, %dma_start3A_280] : memref<4096x200xi32, #tpu.memory_space<hbm>> -> memref<1x200xi32, #tpu.memory_space<hbm>>
      %dma_start3A_282 = tpu.memref_squeeze %dma_start3A_281 : memref<1x200xi32, #tpu.memory_space<hbm>> -> memref<200xi32, #tpu.memory_space<hbm>>
      tpu.enqueue_dma source(%dma_start3A_282 : memref<200xi32, #tpu.memory_space<hbm>>) target(%arg6 : memref<200xi32, #tpu.memory_space<vmem>>) target_semaphore(%arg11 : memref<!tpu.dma_semaphore, #tpu.memory_space<semaphore_mem>>)
      %mul3A_283 = arith.constant 2 : i32
      %mul3A_284 = arith.muli %mul3A_283, %scan3A_155 : i32
      %add3A_285 = arith.constant 1 : i32
      %add3A_286 = arith.addi %mul3A_284, %add3A_285 : i32
      %broadcast_in_dim3A_287 = arith.constant 0.000000e+00 : f32
      %broadcast_in_dim3A_288 = vector.broadcast %broadcast_in_dim3A_287 : f32 to vector<16xf32>
      %scan3A_289 = arith.constant 0 : i32
      %scan3A_290 = arith.constant 25 : i32
      %scan3A_291 = arith.addi %scan3A_289, %scan3A_290 : i32
      %scan3A_292 = arith.constant 1 : i32
      %scan3A_293:4 = scf.for %scan3A_313 = %scan3A_289 to %scan3A_291 step %scan3A_292 iter_args(%scan3A_314 = %broadcast_in_dim3A_288, %scan3A_315 = %broadcast_in_dim3A_288, %scan3A_316 = %broadcast_in_dim3A_288, %scan3A_317 = %broadcast_in_dim3A_288) -> (vector<16xf32>, vector<16xf32>, vector<16xf32>, vector<16xf32>)  : i32 {
        %mul3A_318 = arith.constant 8 : i32
        %mul3A_319 = arith.muli %scan3A_313, %mul3A_318 : i32
        %add3A_320 = arith.constant 0 : i32
        %add3A_321 = arith.addi %mul3A_319, %add3A_320 : i32
        %get3A = arith.index_cast %add3A_321 : i32 to index
        %get3A_322 = arith.constant 0 : index
        %get3A_323 = tpu.vector_load %arg8[%get3A, %get3A_322] {strides = array<i32>} : memref<200x32xf32, #tpu.memory_space<vmem>>, vector<1x16xf32>,
        %get3A_324 = vector.shape_cast %get3A_323 : vector<1x16xf32> to vector<16xf32>
        %add3A_325 = arith.addf %scan3A_314, %get3A_324 : vector<16xf32>
        %add3A_326 = arith.constant 0 : i32
        %add3A_327 = arith.addi %mul3A_319, %add3A_326 : i32
        %get3A_328 = arith.index_cast %add3A_327 : i32 to index
        %get3A_329 = arith.constant 16 : index
        %get3A_330 = tpu.vector_load %arg8[%get3A_328, %get3A_329] {strides = array<i32>} : memref<200x32xf32, #tpu.memory_space<vmem>>, vector<1x16xf32>,
        %get3A_331 = vector.shape_cast %get3A_330 : vector<1x16xf32> to vector<16xf32>
        %add3A_332 = arith.addf %scan3A_315, %get3A_331 : vector<16xf32>
        %add3A_333 = arith.constant 0 : i32
        %add3A_334 = arith.addi %mul3A_319, %add3A_333 : i32
        %add3A_335 = arith.constant 1 : i32
        %add3A_336 = arith.addi %add3A_334, %add3A_335 : i32
        %get3A_337 = arith.index_cast %add3A_336 : i32 to index
        %get3A_338 = arith.constant 0 : index
        %get3A_339 = tpu.vector_load %arg8[%get3A_337, %get3A_338] {strides = array<i32>} : memref<200x32xf32, #tpu.memory_space<vmem>>, vector<1x16xf32>,
        %get3A_340 = vector.shape_cast %get3A_339 : vector<1x16xf32> to vector<16xf32>
        %add3A_341 = arith.addf %scan3A_316, %get3A_340 : vector<16xf32>
        %add3A_342 = arith.constant 0 : i32
        %add3A_343 = arith.addi %mul3A_319, %add3A_342 : i32
        %add3A_344 = arith.constant 1 : i32
        %add3A_345 = arith.addi %add3A_343, %add3A_344 : i32
        %get3A_346 = arith.index_cast %add3A_345 : i32 to index
        %get3A_347 = arith.constant 16 : index
        %get3A_348 = tpu.vector_load %arg8[%get3A_346, %get3A_347] {strides = array<i32>} : memref<200x32xf32, #tpu.memory_space<vmem>>, vector<1x16xf32>,
        %get3A_349 = vector.shape_cast %get3A_348 : vector<1x16xf32> to vector<16xf32>
        %add3A_350 = arith.addf %scan3A_317, %get3A_349 : vector<16xf32>
        %add3A_351 = arith.constant 2 : i32
        %add3A_352 = arith.addi %mul3A_319, %add3A_351 : i32
        %get3A_353 = arith.index_cast %add3A_352 : i32 to index
        %get3A_354 = arith.constant 0 : index
        %get3A_355 = tpu.vector_load %arg8[%get3A_353, %get3A_354] {strides = array<i32>} : memref<200x32xf32, #tpu.memory_space<vmem>>, vector<1x16xf32>,
        %get3A_356 = vector.shape_cast %get3A_355 : vector<1x16xf32> to vector<16xf32>
        %add3A_357 = arith.addf %add3A_325, %get3A_356 : vector<16xf32>
        %add3A_358 = arith.constant 2 : i32
        %add3A_359 = arith.addi %mul3A_319, %add3A_358 : i32
        %get3A_360 = arith.index_cast %add3A_359 : i32 to index
        %get3A_361 = arith.constant 16 : index
        %get3A_362 = tpu.vector_load %arg8[%get3A_360, %get3A_361] {strides = array<i32>} : memref<200x32xf32, #tpu.memory_space<vmem>>, vector<1x16xf32>,
        %get3A_363 = vector.shape_cast %get3A_362 : vector<1x16xf32> to vector<16xf32>
        %add3A_364 = arith.addf %add3A_332, %get3A_363 : vector<16xf32>
        %add3A_365 = arith.constant 2 : i32
        %add3A_366 = arith.addi %mul3A_319, %add3A_365 : i32
        %add3A_367 = arith.constant 1 : i32
        %add3A_368 = arith.addi %add3A_366, %add3A_367 : i32
        %get3A_369 = arith.index_cast %add3A_368 : i32 to index
        %get3A_370 = arith.constant 0 : index
        %get3A_371 = tpu.vector_load %arg8[%get3A_369, %get3A_370] {strides = array<i32>} : memref<200x32xf32, #tpu.memory_space<vmem>>, vector<1x16xf32>,
        %get3A_372 = vector.shape_cast %get3A_371 : vector<1x16xf32> to vector<16xf32>
        %add3A_373 = arith.addf %add3A_341, %get3A_372 : vector<16xf32>
        %add3A_374 = arith.constant 2 : i32
        %add3A_375 = arith.addi %mul3A_319, %add3A_374 : i32
        %add3A_376 = arith.constant 1 : i32
        %add3A_377 = arith.addi %add3A_375, %add3A_376 : i32
        %get3A_378 = arith.index_cast %add3A_377 : i32 to index
        %get3A_379 = arith.constant 16 : index
        %get3A_380 = tpu.vector_load %arg8[%get3A_378, %get3A_379] {strides = array<i32>} : memref<200x32xf32, #tpu.memory_space<vmem>>, vector<1x16xf32>,
        %get3A_381 = vector.shape_cast %get3A_380 : vector<1x16xf32> to vector<16xf32>
        %add3A_382 = arith.addf %add3A_350, %get3A_381 : vector<16xf32>
        %add3A_383 = arith.constant 4 : i32
        %add3A_384 = arith.addi %mul3A_319, %add3A_383 : i32
        %get3A_385 = arith.index_cast %add3A_384 : i32 to index
        %get3A_386 = arith.constant 0 : index
        %get3A_387 = tpu.vector_load %arg8[%get3A_385, %get3A_386] {strides = array<i32>} : memref<200x32xf32, #tpu.memory_space<vmem>>, vector<1x16xf32>,
        %get3A_388 = vector.shape_cast %get3A_387 : vector<1x16xf32> to vector<16xf32>
        %add3A_389 = arith.addf %add3A_357, %get3A_388 : vector<16xf32>
        %add3A_390 = arith.constant 4 : i32
        %add3A_391 = arith.addi %mul3A_319, %add3A_390 : i32
        %get3A_392 = arith.index_cast %add3A_391 : i32 to index
        %get3A_393 = arith.constant 16 : index
        %get3A_394 = tpu.vector_load %arg8[%get3A_392, %get3A_393] {strides = array<i32>} : memref<200x32xf32, #tpu.memory_space<vmem>>, vector<1x16xf32>,
        %get3A_395 = vector.shape_cast %get3A_394 : vector<1x16xf32> to vector<16xf32>
        %add3A_396 = arith.addf %add3A_364, %get3A_395 : vector<16xf32>
        %add3A_397 = arith.constant 4 : i32
        %add3A_398 = arith.addi %mul3A_319, %add3A_397 : i32
        %add3A_399 = arith.constant 1 : i32
        %add3A_400 = arith.addi %add3A_398, %add3A_399 : i32
        %get3A_401 = arith.index_cast %add3A_400 : i32 to index
        %get3A_402 = arith.constant 0 : index
        %get3A_403 = tpu.vector_load %arg8[%get3A_401, %get3A_402] {strides = array<i32>} : memref<200x32xf32, #tpu.memory_space<vmem>>, vector<1x16xf32>,
        %get3A_404 = vector.shape_cast %get3A_403 : vector<1x16xf32> to vector<16xf32>
        %add3A_405 = arith.addf %add3A_373, %get3A_404 : vector<16xf32>
        %add3A_406 = arith.constant 4 : i32
        %add3A_407 = arith.addi %mul3A_319, %add3A_406 : i32
        %add3A_408 = arith.constant 1 : i32
        %add3A_409 = arith.addi %add3A_407, %add3A_408 : i32
        %get3A_410 = arith.index_cast %add3A_409 : i32 to index
        %get3A_411 = arith.constant 16 : index
        %get3A_412 = tpu.vector_load %arg8[%get3A_410, %get3A_411] {strides = array<i32>} : memref<200x32xf32, #tpu.memory_space<vmem>>, vector<1x16xf32>,
        %get3A_413 = vector.shape_cast %get3A_412 : vector<1x16xf32> to vector<16xf32>
        %add3A_414 = arith.addf %add3A_382, %get3A_413 : vector<16xf32>
        %add3A_415 = arith.constant 6 : i32
        %add3A_416 = arith.addi %mul3A_319, %add3A_415 : i32
        %get3A_417 = arith.index_cast %add3A_416 : i32 to index
        %get3A_418 = arith.constant 0 : index
        %get3A_419 = tpu.vector_load %arg8[%get3A_417, %get3A_418] {strides = array<i32>} : memref<200x32xf32, #tpu.memory_space<vmem>>, vector<1x16xf32>,
        %get3A_420 = vector.shape_cast %get3A_419 : vector<1x16xf32> to vector<16xf32>
        %add3A_421 = arith.addf %add3A_389, %get3A_420 : vector<16xf32>
        %add3A_422 = arith.constant 6 : i32
        %add3A_423 = arith.addi %mul3A_319, %add3A_422 : i32
        %get3A_424 = arith.index_cast %add3A_423 : i32 to index
        %get3A_425 = arith.constant 16 : index
        %get3A_426 = tpu.vector_load %arg8[%get3A_424, %get3A_425] {strides = array<i32>} : memref<200x32xf32, #tpu.memory_space<vmem>>, vector<1x16xf32>,
        %get3A_427 = vector.shape_cast %get3A_426 : vector<1x16xf32> to vector<16xf32>
        %add3A_428 = arith.addf %add3A_396, %get3A_427 : vector<16xf32>
        %add3A_429 = arith.constant 6 : i32
        %add3A_430 = arith.addi %mul3A_319, %add3A_429 : i32
        %add3A_431 = arith.constant 1 : i32
        %add3A_432 = arith.addi %add3A_430, %add3A_431 : i32
        %get3A_433 = arith.index_cast %add3A_432 : i32 to index
        %get3A_434 = arith.constant 0 : index
        %get3A_435 = tpu.vector_load %arg8[%get3A_433, %get3A_434] {strides = array<i32>} : memref<200x32xf32, #tpu.memory_space<vmem>>, vector<1x16xf32>,
        %get3A_436 = vector.shape_cast %get3A_435 : vector<1x16xf32> to vector<16xf32>
        %add3A_437 = arith.addf %add3A_405, %get3A_436 : vector<16xf32>
        %add3A_438 = arith.constant 6 : i32
        %add3A_439 = arith.addi %mul3A_319, %add3A_438 : i32
        %add3A_440 = arith.constant 1 : i32
        %add3A_441 = arith.addi %add3A_439, %add3A_440 : i32
        %get3A_442 = arith.index_cast %add3A_441 : i32 to index
        %get3A_443 = arith.constant 16 : index
        %get3A_444 = tpu.vector_load %arg8[%get3A_442, %get3A_443] {strides = array<i32>} : memref<200x32xf32, #tpu.memory_space<vmem>>, vector<1x16xf32>,
        %get3A_445 = vector.shape_cast %get3A_444 : vector<1x16xf32> to vector<16xf32>
        %add3A_446 = arith.addf %add3A_414, %get3A_445 : vector<16xf32>
        scf.yield %add3A_421, %add3A_428, %add3A_437, %add3A_446 : vector<16xf32>, vector<16xf32>, vector<16xf32>, vector<16xf32>
      }
      %scan3A_294 = arith.constant 25 : i32
      %add3A_295 = arith.addf %scan3A_293#0, %scan3A_293#2 : vector<16xf32>
      %mul3A_296 = arith.constant 5.000000e-03 : f32
      %mul3A_297 = vector.broadcast %mul3A_296 : f32 to vector<16xf32>
      %mul3A_298 = arith.mulf %add3A_295, %mul3A_297 : vector<16xf32>
      %swap3A_299 = arith.index_cast %add3A_286 : i32 to index
      %swap3A_300 = arith.constant 0 : index
      %swap3A_301 = tpu.vector_load %arg9[%swap3A_299, %swap3A_300] {strides = array<i32>} : memref<128x32xf32, #tpu.memory_space<vmem>>, vector<1x16xf32>,
      %swap3A_302 = vector.shape_cast %swap3A_301 : vector<1x16xf32> to vector<16xf32>
      %swap3A_303 = vector.shape_cast %mul3A_298 : vector<16xf32> to vector<1x16xf32>
      tpu.vector_store %arg9[%swap3A_299, %swap3A_300], %swap3A_303 {strides = array<i32>} : memref<128x32xf32, #tpu.memory_space<vmem>>, vector<1x16xf32>,
      %add3A_304 = arith.addf %scan3A_293#1, %scan3A_293#3 : vector<16xf32>
      %mul3A_305 = arith.constant 5.000000e-03 : f32
      %mul3A_306 = vector.broadcast %mul3A_305 : f32 to vector<16xf32>
      %mul3A_307 = arith.mulf %add3A_304, %mul3A_306 : vector<16xf32>
      %swap3A_308 = arith.index_cast %add3A_286 : i32 to index
      %swap3A_309 = arith.constant 16 : index
      %swap3A_310 = tpu.vector_load %arg9[%swap3A_308, %swap3A_309] {strides = array<i32>} : memref<128x32xf32, #tpu.memory_space<vmem>>, vector<1x16xf32>,
      %swap3A_311 = vector.shape_cast %swap3A_310 : vector<1x16xf32> to vector<16xf32>
      %swap3A_312 = vector.shape_cast %mul3A_307 : vector<16xf32> to vector<1x16xf32>
      tpu.vector_store %arg9[%swap3A_308, %swap3A_309], %swap3A_312 {strides = array<i32>} : memref<128x32xf32, #tpu.memory_space<vmem>>, vector<1x16xf32>,
    }
    %scan3A_41 = arith.constant 63 : i32
    %add3A_42 = arith.constant 128 : i32
    %add3A_43 = arith.addi %mul3A_2, %add3A_42 : i32
    %sub3A = arith.constant 2 : i32
    %sub3A_44 = arith.subi %add3A_43, %sub3A : i32
    %add3A_45 = arith.constant 1 : i32
    %add3A_46 = arith.addi %sub3A_44, %add3A_45 : i32
    %dma_wait3A_47 = arith.constant 0 : i32
    %dma_wait3A_48 = tpu.memref_slice %arg2[%add3A_46, %dma_wait3A_47] : memref<4096x200xi32, #tpu.memory_space<hbm>> -> memref<1x200xi32, #tpu.memory_space<hbm>>
    %dma_wait3A_49 = tpu.memref_squeeze %dma_wait3A_48 : memref<1x200xi32, #tpu.memory_space<hbm>> -> memref<200xi32, #tpu.memory_space<hbm>>
    %dma_wait3A_50 = arith.constant 0 : i32
    %dma_wait3A_51 = tpu.memref_slice %arg2[%add3A_46, %dma_wait3A_50] : memref<4096x200xi32, #tpu.memory_space<hbm>> -> memref<1x200xi32, #tpu.memory_space<hbm>>
    %dma_wait3A_52 = tpu.memref_squeeze %dma_wait3A_51 : memref<1x200xi32, #tpu.memory_space<hbm>> -> memref<200xi32, #tpu.memory_space<hbm>>
    tpu.wait_dma2 semaphore(%arg11 : memref<!tpu.dma_semaphore, #tpu.memory_space<semaphore_mem>>) src(%dma_wait3A_52 : memref<200xi32, #tpu.memory_space<hbm>>) dst(%arg6 : memref<200xi32, #tpu.memory_space<vmem>>)
    %dma_start3A_53 = arith.constant 0 : i32
    %dma_start3A_54 = arith.constant 0 : i32
    %dma_start3A_55 = tpu.memref_slice %arg8[%dma_start3A_53, %dma_start3A_54] : memref<200x32xf32, #tpu.memory_space<vmem>> -> memref<104x32xf32, #tpu.memory_space<vmem>>
    %dma_start3A_56 = arith.constant 0 : i32
    %dma_start3A_57 = tpu.memref_slice %arg6[%dma_start3A_56] : memref<200xi32, #tpu.memory_space<vmem>> -> memref<104xi32, #tpu.memory_space<vmem>>
    %dma_start3A_58 = arith.constant 0 : i32
    %dma_start3A_59 = arith.constant 0 : i32
    %dma_start3A_60 = tpu.memref_slice %arg3[%dma_start3A_58, %dma_start3A_59] : memref<1000000x32xf32, #tpu.memory_space<hbm>> -> memref<1000000x32xf32, #tpu.memory_space<hbm>>
    tpu.enqueue_indirect_dma source(%dma_start3A_60 : memref<1000000x32xf32, #tpu.memory_space<hbm>>) target(%dma_start3A_55 : memref<104x32xf32, #tpu.memory_space<vmem>>) offsets(%dma_start3A_57 : memref<104xi32, #tpu.memory_space<vmem>>) semaphore(%arg13 : memref<!tpu.dma_semaphore, #tpu.memory_space<semaphore_mem>>)
    %dma_start3A_61 = arith.constant 104 : i32
    %dma_start3A_62 = arith.constant 0 : i32
    %dma_start3A_63 = tpu.memref_slice %arg8[%dma_start3A_61, %dma_start3A_62] : memref<200x32xf32, #tpu.memory_space<vmem>> -> memref<96x32xf32, #tpu.memory_space<vmem>>
    %dma_start3A_64 = arith.constant 104 : i32
    %dma_start3A_65 = tpu.memref_slice %arg6[%dma_start3A_64] : memref<200xi32, #tpu.memory_space<vmem>> -> memref<96xi32, #tpu.memory_space<vmem>>
    %dma_start3A_66 = arith.constant 0 : i32
    %dma_start3A_67 = arith.constant 0 : i32
    %dma_start3A_68 = tpu.memref_slice %arg3[%dma_start3A_66, %dma_start3A_67] : memref<1000000x32xf32, #tpu.memory_space<hbm>> -> memref<1000000x32xf32, #tpu.memory_space<hbm>>
    tpu.enqueue_indirect_dma source(%dma_start3A_68 : memref<1000000x32xf32, #tpu.memory_space<hbm>>) target(%dma_start3A_63 : memref<96x32xf32, #tpu.memory_space<vmem>>) offsets(%dma_start3A_65 : memref<96xi32, #tpu.memory_space<vmem>>) semaphore(%arg13 : memref<!tpu.dma_semaphore, #tpu.memory_space<semaphore_mem>>)
    %dma_wait3A_69 = arith.constant 0 : i32
    %dma_wait3A_70 = arith.constant 0 : i32
    %dma_wait3A_71 = tpu.memref_slice %arg7[%dma_wait3A_69, %dma_wait3A_70] : memref<200x32xf32, #tpu.memory_space<vmem>> -> memref<104x32xf32, #tpu.memory_space<vmem>>
    %dma_wait3A_72 = arith.constant 0 : i32
    %dma_wait3A_73 = tpu.memref_slice %arg5[%dma_wait3A_72] : memref<200xi32, #tpu.memory_space<vmem>> -> memref<104xi32, #tpu.memory_space<vmem>>
    %dma_wait3A_74 = arith.constant 0 : i32
    %dma_wait3A_75 = arith.constant 0 : i32
    %dma_wait3A_76 = tpu.memref_slice %arg3[%dma_wait3A_74, %dma_wait3A_75] : memref<1000000x32xf32, #tpu.memory_space<hbm>> -> memref<1000000x32xf32, #tpu.memory_space<hbm>>
    tpu.wait_indirect_dma semaphore(%arg12 : memref<!tpu.dma_semaphore, #tpu.memory_space<semaphore_mem>>) src(%dma_wait3A_76 : memref<1000000x32xf32, #tpu.memory_space<hbm>>) dst(%dma_wait3A_71 : memref<104x32xf32, #tpu.memory_space<vmem>>)
    %dma_wait3A_77 = arith.constant 104 : i32
    %dma_wait3A_78 = arith.constant 0 : i32
    %dma_wait3A_79 = tpu.memref_slice %arg7[%dma_wait3A_77, %dma_wait3A_78] : memref<200x32xf32, #tpu.memory_space<vmem>> -> memref<96x32xf32, #tpu.memory_space<vmem>>
    %dma_wait3A_80 = arith.constant 104 : i32
    %dma_wait3A_81 = tpu.memref_slice %arg5[%dma_wait3A_80] : memref<200xi32, #tpu.memory_space<vmem>> -> memref<96xi32, #tpu.memory_space<vmem>>
    %dma_wait3A_82 = arith.constant 0 : i32
    %dma_wait3A_83 = arith.constant 0 : i32
    %dma_wait3A_84 = tpu.memref_slice %arg3[%dma_wait3A_82, %dma_wait3A_83] : memref<1000000x32xf32, #tpu.memory_space<hbm>> -> memref<1000000x32xf32, #tpu.memory_space<hbm>>
    tpu.wait_indirect_dma semaphore(%arg12 : memref<!tpu.dma_semaphore, #tpu.memory_space<semaphore_mem>>) src(%dma_wait3A_84 : memref<1000000x32xf32, #tpu.memory_space<hbm>>) dst(%dma_wait3A_79 : memref<96x32xf32, #tpu.memory_space<vmem>>)
    %broadcast_in_dim3A = arith.constant 0.000000e+00 : f32
    %broadcast_in_dim3A_85 = vector.broadcast %broadcast_in_dim3A : f32 to vector<16xf32>
    %scan3A_86 = arith.constant 0 : i32
    %scan3A_87 = arith.constant 25 : i32
    %scan3A_88 = arith.addi %scan3A_86, %scan3A_87 : i32
    %scan3A_89 = arith.constant 1 : i32
    %scan3A_90:4 = scf.for %scan3A_155 = %scan3A_86 to %scan3A_88 step %scan3A_89 iter_args(%scan3A_156 = %broadcast_in_dim3A_85, %scan3A_157 = %broadcast_in_dim3A_85, %scan3A_158 = %broadcast_in_dim3A_85, %scan3A_159 = %broadcast_in_dim3A_85) -> (vector<16xf32>, vector<16xf32>, vector<16xf32>, vector<16xf32>)  : i32 {
      %mul3A_160 = arith.constant 8 : i32
      %mul3A_161 = arith.muli %scan3A_155, %mul3A_160 : i32
      %add3A_162 = arith.constant 0 : i32
      %add3A_163 = arith.addi %mul3A_161, %add3A_162 : i32
      %get3A = arith.index_cast %add3A_163 : i32 to index
      %get3A_164 = arith.constant 0 : index
      %get3A_165 = tpu.vector_load %arg7[%get3A, %get3A_164] {strides = array<i32>} : memref<200x32xf32, #tpu.memory_space<vmem>>, vector<1x16xf32>,
      %get3A_166 = vector.shape_cast %get3A_165 : vector<1x16xf32> to vector<16xf32>
      %add3A_167 = arith.addf %scan3A_156, %get3A_166 : vector<16xf32>
      %add3A_168 = arith.constant 0 : i32
      %add3A_169 = arith.addi %mul3A_161, %add3A_168 : i32
      %get3A_170 = arith.index_cast %add3A_169 : i32 to index
      %get3A_171 = arith.constant 16 : index
      %get3A_172 = tpu.vector_load %arg7[%get3A_170, %get3A_171] {strides = array<i32>} : memref<200x32xf32, #tpu.memory_space<vmem>>, vector<1x16xf32>,
      %get3A_173 = vector.shape_cast %get3A_172 : vector<1x16xf32> to vector<16xf32>
      %add3A_174 = arith.addf %scan3A_157, %get3A_173 : vector<16xf32>
      %add3A_175 = arith.constant 0 : i32
      %add3A_176 = arith.addi %mul3A_161, %add3A_175 : i32
      %add3A_177 = arith.constant 1 : i32
      %add3A_178 = arith.addi %add3A_176, %add3A_177 : i32
      %get3A_179 = arith.index_cast %add3A_178 : i32 to index
      %get3A_180 = arith.constant 0 : index
      %get3A_181 = tpu.vector_load %arg7[%get3A_179, %get3A_180] {strides = array<i32>} : memref<200x32xf32, #tpu.memory_space<vmem>>, vector<1x16xf32>,
      %get3A_182 = vector.shape_cast %get3A_181 : vector<1x16xf32> to vector<16xf32>
      %add3A_183 = arith.addf %scan3A_158, %get3A_182 : vector<16xf32>
      %add3A_184 = arith.constant 0 : i32
      %add3A_185 = arith.addi %mul3A_161, %add3A_184 : i32
      %add3A_186 = arith.constant 1 : i32
      %add3A_187 = arith.addi %add3A_185, %add3A_186 : i32
      %get3A_188 = arith.index_cast %add3A_187 : i32 to index
      %get3A_189 = arith.constant 16 : index
      %get3A_190 = tpu.vector_load %arg7[%get3A_188, %get3A_189] {strides = array<i32>} : memref<200x32xf32, #tpu.memory_space<vmem>>, vector<1x16xf32>,
      %get3A_191 = vector.shape_cast %get3A_190 : vector<1x16xf32> to vector<16xf32>
      %add3A_192 = arith.addf %scan3A_159, %get3A_191 : vector<16xf32>
      %add3A_193 = arith.constant 2 : i32
      %add3A_194 = arith.addi %mul3A_161, %add3A_193 : i32
      %get3A_195 = arith.index_cast %add3A_194 : i32 to index
      %get3A_196 = arith.constant 0 : index
      %get3A_197 = tpu.vector_load %arg7[%get3A_195, %get3A_196] {strides = array<i32>} : memref<200x32xf32, #tpu.memory_space<vmem>>, vector<1x16xf32>,
      %get3A_198 = vector.shape_cast %get3A_197 : vector<1x16xf32> to vector<16xf32>
      %add3A_199 = arith.addf %add3A_167, %get3A_198 : vector<16xf32>
      %add3A_200 = arith.constant 2 : i32
      %add3A_201 = arith.addi %mul3A_161, %add3A_200 : i32
      %get3A_202 = arith.index_cast %add3A_201 : i32 to index
      %get3A_203 = arith.constant 16 : index
      %get3A_204 = tpu.vector_load %arg7[%get3A_202, %get3A_203] {strides = array<i32>} : memref<200x32xf32, #tpu.memory_space<vmem>>, vector<1x16xf32>,
      %get3A_205 = vector.shape_cast %get3A_204 : vector<1x16xf32> to vector<16xf32>
      %add3A_206 = arith.addf %add3A_174, %get3A_205 : vector<16xf32>
      %add3A_207 = arith.constant 2 : i32
      %add3A_208 = arith.addi %mul3A_161, %add3A_207 : i32
      %add3A_209 = arith.constant 1 : i32
      %add3A_210 = arith.addi %add3A_208, %add3A_209 : i32
      %get3A_211 = arith.index_cast %add3A_210 : i32 to index
      %get3A_212 = arith.constant 0 : index
      %get3A_213 = tpu.vector_load %arg7[%get3A_211, %get3A_212] {strides = array<i32>} : memref<200x32xf32, #tpu.memory_space<vmem>>, vector<1x16xf32>,
      %get3A_214 = vector.shape_cast %get3A_213 : vector<1x16xf32> to vector<16xf32>
      %add3A_215 = arith.addf %add3A_183, %get3A_214 : vector<16xf32>
      %add3A_216 = arith.constant 2 : i32
      %add3A_217 = arith.addi %mul3A_161, %add3A_216 : i32
      %add3A_218 = arith.constant 1 : i32
      %add3A_219 = arith.addi %add3A_217, %add3A_218 : i32
      %get3A_220 = arith.index_cast %add3A_219 : i32 to index
      %get3A_221 = arith.constant 16 : index
      %get3A_222 = tpu.vector_load %arg7[%get3A_220, %get3A_221] {strides = array<i32>} : memref<200x32xf32, #tpu.memory_space<vmem>>, vector<1x16xf32>,
      %get3A_223 = vector.shape_cast %get3A_222 : vector<1x16xf32> to vector<16xf32>
      %add3A_224 = arith.addf %add3A_192, %get3A_223 : vector<16xf32>
      %add3A_225 = arith.constant 4 : i32
      %add3A_226 = arith.addi %mul3A_161, %add3A_225 : i32
      %get3A_227 = arith.index_cast %add3A_226 : i32 to index
      %get3A_228 = arith.constant 0 : index
      %get3A_229 = tpu.vector_load %arg7[%get3A_227, %get3A_228] {strides = array<i32>} : memref<200x32xf32, #tpu.memory_space<vmem>>, vector<1x16xf32>,
      %get3A_230 = vector.shape_cast %get3A_229 : vector<1x16xf32> to vector<16xf32>
      %add3A_231 = arith.addf %add3A_199, %get3A_230 : vector<16xf32>
      %add3A_232 = arith.constant 4 : i32
      %add3A_233 = arith.addi %mul3A_161, %add3A_232 : i32
      %get3A_234 = arith.index_cast %add3A_233 : i32 to index
      %get3A_235 = arith.constant 16 : index
      %get3A_236 = tpu.vector_load %arg7[%get3A_234, %get3A_235] {strides = array<i32>} : memref<200x32xf32, #tpu.memory_space<vmem>>, vector<1x16xf32>,
      %get3A_237 = vector.shape_cast %get3A_236 : vector<1x16xf32> to vector<16xf32>
      %add3A_238 = arith.addf %add3A_206, %get3A_237 : vector<16xf32>
      %add3A_239 = arith.constant 4 : i32
      %add3A_240 = arith.addi %mul3A_161, %add3A_239 : i32
      %add3A_241 = arith.constant 1 : i32
      %add3A_242 = arith.addi %add3A_240, %add3A_241 : i32
      %get3A_243 = arith.index_cast %add3A_242 : i32 to index
      %get3A_244 = arith.constant 0 : index
      %get3A_245 = tpu.vector_load %arg7[%get3A_243, %get3A_244] {strides = array<i32>} : memref<200x32xf32, #tpu.memory_space<vmem>>, vector<1x16xf32>,
      %get3A_246 = vector.shape_cast %get3A_245 : vector<1x16xf32> to vector<16xf32>
      %add3A_247 = arith.addf %add3A_215, %get3A_246 : vector<16xf32>
      %add3A_248 = arith.constant 4 : i32
      %add3A_249 = arith.addi %mul3A_161, %add3A_248 : i32
      %add3A_250 = arith.constant 1 : i32
      %add3A_251 = arith.addi %add3A_249, %add3A_250 : i32
      %get3A_252 = arith.index_cast %add3A_251 : i32 to index
      %get3A_253 = arith.constant 16 : index
      %get3A_254 = tpu.vector_load %arg7[%get3A_252, %get3A_253] {strides = array<i32>} : memref<200x32xf32, #tpu.memory_space<vmem>>, vector<1x16xf32>,
      %get3A_255 = vector.shape_cast %get3A_254 : vector<1x16xf32> to vector<16xf32>
      %add3A_256 = arith.addf %add3A_224, %get3A_255 : vector<16xf32>
      %add3A_257 = arith.constant 6 : i32
      %add3A_258 = arith.addi %mul3A_161, %add3A_257 : i32
      %get3A_259 = arith.index_cast %add3A_258 : i32 to index
      %get3A_260 = arith.constant 0 : index
      %get3A_261 = tpu.vector_load %arg7[%get3A_259, %get3A_260] {strides = array<i32>} : memref<200x32xf32, #tpu.memory_space<vmem>>, vector<1x16xf32>,
      %get3A_262 = vector.shape_cast %get3A_261 : vector<1x16xf32> to vector<16xf32>
      %add3A_263 = arith.addf %add3A_231, %get3A_262 : vector<16xf32>
      %add3A_264 = arith.constant 6 : i32
      %add3A_265 = arith.addi %mul3A_161, %add3A_264 : i32
      %get3A_266 = arith.index_cast %add3A_265 : i32 to index
      %get3A_267 = arith.constant 16 : index
      %get3A_268 = tpu.vector_load %arg7[%get3A_266, %get3A_267] {strides = array<i32>} : memref<200x32xf32, #tpu.memory_space<vmem>>, vector<1x16xf32>,
      %get3A_269 = vector.shape_cast %get3A_268 : vector<1x16xf32> to vector<16xf32>
      %add3A_270 = arith.addf %add3A_238, %get3A_269 : vector<16xf32>
      %add3A_271 = arith.constant 6 : i32
      %add3A_272 = arith.addi %mul3A_161, %add3A_271 : i32
      %add3A_273 = arith.constant 1 : i32
      %add3A_274 = arith.addi %add3A_272, %add3A_273 : i32
      %get3A_275 = arith.index_cast %add3A_274 : i32 to index
      %get3A_276 = arith.constant 0 : index
      %get3A_277 = tpu.vector_load %arg7[%get3A_275, %get3A_276] {strides = array<i32>} : memref<200x32xf32, #tpu.memory_space<vmem>>, vector<1x16xf32>,
      %get3A_278 = vector.shape_cast %get3A_277 : vector<1x16xf32> to vector<16xf32>
      %add3A_279 = arith.addf %add3A_247, %get3A_278 : vector<16xf32>
      %add3A_280 = arith.constant 6 : i32
      %add3A_281 = arith.addi %mul3A_161, %add3A_280 : i32
      %add3A_282 = arith.constant 1 : i32
      %add3A_283 = arith.addi %add3A_281, %add3A_282 : i32
      %get3A_284 = arith.index_cast %add3A_283 : i32 to index
      %get3A_285 = arith.constant 16 : index
      %get3A_286 = tpu.vector_load %arg7[%get3A_284, %get3A_285] {strides = array<i32>} : memref<200x32xf32, #tpu.memory_space<vmem>>, vector<1x16xf32>,
      %get3A_287 = vector.shape_cast %get3A_286 : vector<1x16xf32> to vector<16xf32>
      %add3A_288 = arith.addf %add3A_256, %get3A_287 : vector<16xf32>
      scf.yield %add3A_263, %add3A_270, %add3A_279, %add3A_288 : vector<16xf32>, vector<16xf32>, vector<16xf32>, vector<16xf32>
    }
    %scan3A_91 = arith.constant 25 : i32
    %add3A_92 = arith.addf %scan3A_90#0, %scan3A_90#2 : vector<16xf32>
    %mul3A_93 = arith.constant 5.000000e-03 : f32
    %mul3A_94 = vector.broadcast %mul3A_93 : f32 to vector<16xf32>
    %mul3A_95 = arith.mulf %add3A_92, %mul3A_94 : vector<16xf32>
    %swap3A = arith.constant 126 : i32
    %swap3A_96 = arith.index_cast %swap3A : i32 to index
    %swap3A_97 = arith.constant 0 : index
    %swap3A_98 = tpu.vector_load %arg9[%swap3A_96, %swap3A_97] {strides = array<i32>} : memref<128x32xf32, #tpu.memory_space<vmem>>, vector<1x16xf32>,
    %swap3A_99 = vector.shape_cast %swap3A_98 : vector<1x16xf32> to vector<16xf32>
    %swap3A_100 = vector.shape_cast %mul3A_95 : vector<16xf32> to vector<1x16xf32>
    tpu.vector_store %arg9[%swap3A_96, %swap3A_97], %swap3A_100 {strides = array<i32>} : memref<128x32xf32, #tpu.memory_space<vmem>>, vector<1x16xf32>,
    %add3A_101 = arith.addf %scan3A_90#1, %scan3A_90#3 : vector<16xf32>
    %mul3A_102 = arith.constant 5.000000e-03 : f32
    %mul3A_103 = vector.broadcast %mul3A_102 : f32 to vector<16xf32>
    %mul3A_104 = arith.mulf %add3A_101, %mul3A_103 : vector<16xf32>
    %swap3A_105 = arith.constant 126 : i32
    %swap3A_106 = arith.index_cast %swap3A_105 : i32 to index
    %swap3A_107 = arith.constant 16 : index
    %swap3A_108 = tpu.vector_load %arg9[%swap3A_106, %swap3A_107] {strides = array<i32>} : memref<128x32xf32, #tpu.memory_space<vmem>>, vector<1x16xf32>,
    %swap3A_109 = vector.shape_cast %swap3A_108 : vector<1x16xf32> to vector<16xf32>
    %swap3A_110 = vector.shape_cast %mul3A_104 : vector<16xf32> to vector<1x16xf32>
    tpu.vector_store %arg9[%swap3A_106, %swap3A_107], %swap3A_110 {strides = array<i32>} : memref<128x32xf32, #tpu.memory_space<vmem>>, vector<1x16xf32>,
    %dma_wait3A_111 = arith.constant 0 : i32
    %dma_wait3A_112 = arith.constant 0 : i32
    %dma_wait3A_113 = tpu.memref_slice %arg8[%dma_wait3A_111, %dma_wait3A_112] : memref<200x32xf32, #tpu.memory_space<vmem>> -> memref<104x32xf32, #tpu.memory_space<vmem>>
    %dma_wait3A_114 = arith.constant 0 : i32
    %dma_wait3A_115 = tpu.memref_slice %arg6[%dma_wait3A_114] : memref<200xi32, #tpu.memory_space<vmem>> -> memref<104xi32, #tpu.memory_space<vmem>>
    %dma_wait3A_116 = arith.constant 0 : i32
    %dma_wait3A_117 = arith.constant 0 : i32
    %dma_wait3A_118 = tpu.memref_slice %arg3[%dma_wait3A_116, %dma_wait3A_117] : memref<1000000x32xf32, #tpu.memory_space<hbm>> -> memref<1000000x32xf32, #tpu.memory_space<hbm>>
    tpu.wait_indirect_dma semaphore(%arg13 : memref<!tpu.dma_semaphore, #tpu.memory_space<semaphore_mem>>) src(%dma_wait3A_118 : memref<1000000x32xf32, #tpu.memory_space<hbm>>) dst(%dma_wait3A_113 : memref<104x32xf32, #tpu.memory_space<vmem>>)
    %dma_wait3A_119 = arith.constant 104 : i32
    %dma_wait3A_120 = arith.constant 0 : i32
    %dma_wait3A_121 = tpu.memref_slice %arg8[%dma_wait3A_119, %dma_wait3A_120] : memref<200x32xf32, #tpu.memory_space<vmem>> -> memref<96x32xf32, #tpu.memory_space<vmem>>
    %dma_wait3A_122 = arith.constant 104 : i32
    %dma_wait3A_123 = tpu.memref_slice %arg6[%dma_wait3A_122] : memref<200xi32, #tpu.memory_space<vmem>> -> memref<96xi32, #tpu.memory_space<vmem>>
    %dma_wait3A_124 = arith.constant 0 : i32
    %dma_wait3A_125 = arith.constant 0 : i32
    %dma_wait3A_126 = tpu.memref_slice %arg3[%dma_wait3A_124, %dma_wait3A_125] : memref<1000000x32xf32, #tpu.memory_space<hbm>> -> memref<1000000x32xf32, #tpu.memory_space<hbm>>
    tpu.wait_indirect_dma semaphore(%arg13 : memref<!tpu.dma_semaphore, #tpu.memory_space<semaphore_mem>>) src(%dma_wait3A_126 : memref<1000000x32xf32, #tpu.memory_space<hbm>>) dst(%dma_wait3A_121 : memref<96x32xf32, #tpu.memory_space<vmem>>)
    %broadcast_in_dim3A_127 = arith.constant 0.000000e+00 : f32
    %broadcast_in_dim3A_128 = vector.broadcast %broadcast_in_dim3A_127 : f32 to vector<16xf32>
    %scan3A_129 = arith.constant 0 : i32
    %scan3A_130 = arith.constant 25 : i32
    %scan3A_131 = arith.addi %scan3A_129, %scan3A_130 : i32
    %scan3A_132 = arith.constant 1 : i32
    %scan3A_133:4 = scf.for %scan3A_155 = %scan3A_129 to %scan3A_131 step %scan3A_132 iter_args(%scan3A_156 = %broadcast_in_dim3A_128, %scan3A_157 = %broadcast_in_dim3A_128, %scan3A_158 = %broadcast_in_dim3A_128, %scan3A_159 = %broadcast_in_dim3A_128) -> (vector<16xf32>, vector<16xf32>, vector<16xf32>, vector<16xf32>)  : i32 {
      %mul3A_160 = arith.constant 8 : i32
      %mul3A_161 = arith.muli %scan3A_155, %mul3A_160 : i32
      %add3A_162 = arith.constant 0 : i32
      %add3A_163 = arith.addi %mul3A_161, %add3A_162 : i32
      %get3A = arith.index_cast %add3A_163 : i32 to index
      %get3A_164 = arith.constant 0 : index
      %get3A_165 = tpu.vector_load %arg8[%get3A, %get3A_164] {strides = array<i32>} : memref<200x32xf32, #tpu.memory_space<vmem>>, vector<1x16xf32>,
      %get3A_166 = vector.shape_cast %get3A_165 : vector<1x16xf32> to vector<16xf32>
      %add3A_167 = arith.addf %scan3A_156, %get3A_166 : vector<16xf32>
      %add3A_168 = arith.constant 0 : i32
      %add3A_169 = arith.addi %mul3A_161, %add3A_168 : i32
      %get3A_170 = arith.index_cast %add3A_169 : i32 to index
      %get3A_171 = arith.constant 16 : index
      %get3A_172 = tpu.vector_load %arg8[%get3A_170, %get3A_171] {strides = array<i32>} : memref<200x32xf32, #tpu.memory_space<vmem>>, vector<1x16xf32>,
      %get3A_173 = vector.shape_cast %get3A_172 : vector<1x16xf32> to vector<16xf32>
      %add3A_174 = arith.addf %scan3A_157, %get3A_173 : vector<16xf32>
      %add3A_175 = arith.constant 0 : i32
      %add3A_176 = arith.addi %mul3A_161, %add3A_175 : i32
      %add3A_177 = arith.constant 1 : i32
      %add3A_178 = arith.addi %add3A_176, %add3A_177 : i32
      %get3A_179 = arith.index_cast %add3A_178 : i32 to index
      %get3A_180 = arith.constant 0 : index
      %get3A_181 = tpu.vector_load %arg8[%get3A_179, %get3A_180] {strides = array<i32>} : memref<200x32xf32, #tpu.memory_space<vmem>>, vector<1x16xf32>,
      %get3A_182 = vector.shape_cast %get3A_181 : vector<1x16xf32> to vector<16xf32>
      %add3A_183 = arith.addf %scan3A_158, %get3A_182 : vector<16xf32>
      %add3A_184 = arith.constant 0 : i32
      %add3A_185 = arith.addi %mul3A_161, %add3A_184 : i32
      %add3A_186 = arith.constant 1 : i32
      %add3A_187 = arith.addi %add3A_185, %add3A_186 : i32
      %get3A_188 = arith.index_cast %add3A_187 : i32 to index
      %get3A_189 = arith.constant 16 : index
      %get3A_190 = tpu.vector_load %arg8[%get3A_188, %get3A_189] {strides = array<i32>} : memref<200x32xf32, #tpu.memory_space<vmem>>, vector<1x16xf32>,
      %get3A_191 = vector.shape_cast %get3A_190 : vector<1x16xf32> to vector<16xf32>
      %add3A_192 = arith.addf %scan3A_159, %get3A_191 : vector<16xf32>
      %add3A_193 = arith.constant 2 : i32
      %add3A_194 = arith.addi %mul3A_161, %add3A_193 : i32
      %get3A_195 = arith.index_cast %add3A_194 : i32 to index
      %get3A_196 = arith.constant 0 : index
      %get3A_197 = tpu.vector_load %arg8[%get3A_195, %get3A_196] {strides = array<i32>} : memref<200x32xf32, #tpu.memory_space<vmem>>, vector<1x16xf32>,
      %get3A_198 = vector.shape_cast %get3A_197 : vector<1x16xf32> to vector<16xf32>
      %add3A_199 = arith.addf %add3A_167, %get3A_198 : vector<16xf32>
      %add3A_200 = arith.constant 2 : i32
      %add3A_201 = arith.addi %mul3A_161, %add3A_200 : i32
      %get3A_202 = arith.index_cast %add3A_201 : i32 to index
      %get3A_203 = arith.constant 16 : index
      %get3A_204 = tpu.vector_load %arg8[%get3A_202, %get3A_203] {strides = array<i32>} : memref<200x32xf32, #tpu.memory_space<vmem>>, vector<1x16xf32>,
      %get3A_205 = vector.shape_cast %get3A_204 : vector<1x16xf32> to vector<16xf32>
      %add3A_206 = arith.addf %add3A_174, %get3A_205 : vector<16xf32>
      %add3A_207 = arith.constant 2 : i32
      %add3A_208 = arith.addi %mul3A_161, %add3A_207 : i32
      %add3A_209 = arith.constant 1 : i32
      %add3A_210 = arith.addi %add3A_208, %add3A_209 : i32
      %get3A_211 = arith.index_cast %add3A_210 : i32 to index
      %get3A_212 = arith.constant 0 : index
      %get3A_213 = tpu.vector_load %arg8[%get3A_211, %get3A_212] {strides = array<i32>} : memref<200x32xf32, #tpu.memory_space<vmem>>, vector<1x16xf32>,
      %get3A_214 = vector.shape_cast %get3A_213 : vector<1x16xf32> to vector<16xf32>
      %add3A_215 = arith.addf %add3A_183, %get3A_214 : vector<16xf32>
      %add3A_216 = arith.constant 2 : i32
      %add3A_217 = arith.addi %mul3A_161, %add3A_216 : i32
      %add3A_218 = arith.constant 1 : i32
      %add3A_219 = arith.addi %add3A_217, %add3A_218 : i32
      %get3A_220 = arith.index_cast %add3A_219 : i32 to index
      %get3A_221 = arith.constant 16 : index
      %get3A_222 = tpu.vector_load %arg8[%get3A_220, %get3A_221] {strides = array<i32>} : memref<200x32xf32, #tpu.memory_space<vmem>>, vector<1x16xf32>,
      %get3A_223 = vector.shape_cast %get3A_222 : vector<1x16xf32> to vector<16xf32>
      %add3A_224 = arith.addf %add3A_192, %get3A_223 : vector<16xf32>
      %add3A_225 = arith.constant 4 : i32
      %add3A_226 = arith.addi %mul3A_161, %add3A_225 : i32
      %get3A_227 = arith.index_cast %add3A_226 : i32 to index
      %get3A_228 = arith.constant 0 : index
      %get3A_229 = tpu.vector_load %arg8[%get3A_227, %get3A_228] {strides = array<i32>} : memref<200x32xf32, #tpu.memory_space<vmem>>, vector<1x16xf32>,
      %get3A_230 = vector.shape_cast %get3A_229 : vector<1x16xf32> to vector<16xf32>
      %add3A_231 = arith.addf %add3A_199, %get3A_230 : vector<16xf32>
      %add3A_232 = arith.constant 4 : i32
      %add3A_233 = arith.addi %mul3A_161, %add3A_232 : i32
      %get3A_234 = arith.index_cast %add3A_233 : i32 to index
      %get3A_235 = arith.constant 16 : index
      %get3A_236 = tpu.vector_load %arg8[%get3A_234, %get3A_235] {strides = array<i32>} : memref<200x32xf32, #tpu.memory_space<vmem>>, vector<1x16xf32>,
      %get3A_237 = vector.shape_cast %get3A_236 : vector<1x16xf32> to vector<16xf32>
      %add3A_238 = arith.addf %add3A_206, %get3A_237 : vector<16xf32>
      %add3A_239 = arith.constant 4 : i32
      %add3A_240 = arith.addi %mul3A_161, %add3A_239 : i32
      %add3A_241 = arith.constant 1 : i32
      %add3A_242 = arith.addi %add3A_240, %add3A_241 : i32
      %get3A_243 = arith.index_cast %add3A_242 : i32 to index
      %get3A_244 = arith.constant 0 : index
      %get3A_245 = tpu.vector_load %arg8[%get3A_243, %get3A_244] {strides = array<i32>} : memref<200x32xf32, #tpu.memory_space<vmem>>, vector<1x16xf32>,
      %get3A_246 = vector.shape_cast %get3A_245 : vector<1x16xf32> to vector<16xf32>
      %add3A_247 = arith.addf %add3A_215, %get3A_246 : vector<16xf32>
      %add3A_248 = arith.constant 4 : i32
      %add3A_249 = arith.addi %mul3A_161, %add3A_248 : i32
      %add3A_250 = arith.constant 1 : i32
      %add3A_251 = arith.addi %add3A_249, %add3A_250 : i32
      %get3A_252 = arith.index_cast %add3A_251 : i32 to index
      %get3A_253 = arith.constant 16 : index
      %get3A_254 = tpu.vector_load %arg8[%get3A_252, %get3A_253] {strides = array<i32>} : memref<200x32xf32, #tpu.memory_space<vmem>>, vector<1x16xf32>,
      %get3A_255 = vector.shape_cast %get3A_254 : vector<1x16xf32> to vector<16xf32>
      %add3A_256 = arith.addf %add3A_224, %get3A_255 : vector<16xf32>
      %add3A_257 = arith.constant 6 : i32
      %add3A_258 = arith.addi %mul3A_161, %add3A_257 : i32
      %get3A_259 = arith.index_cast %add3A_258 : i32 to index
      %get3A_260 = arith.constant 0 : index
      %get3A_261 = tpu.vector_load %arg8[%get3A_259, %get3A_260] {strides = array<i32>} : memref<200x32xf32, #tpu.memory_space<vmem>>, vector<1x16xf32>,
      %get3A_262 = vector.shape_cast %get3A_261 : vector<1x16xf32> to vector<16xf32>
      %add3A_263 = arith.addf %add3A_231, %get3A_262 : vector<16xf32>
      %add3A_264 = arith.constant 6 : i32
      %add3A_265 = arith.addi %mul3A_161, %add3A_264 : i32
      %get3A_266 = arith.index_cast %add3A_265 : i32 to index
      %get3A_267 = arith.constant 16 : index
      %get3A_268 = tpu.vector_load %arg8[%get3A_266, %get3A_267] {strides = array<i32>} : memref<200x32xf32, #tpu.memory_space<vmem>>, vector<1x16xf32>,
      %get3A_269 = vector.shape_cast %get3A_268 : vector<1x16xf32> to vector<16xf32>
      %add3A_270 = arith.addf %add3A_238, %get3A_269 : vector<16xf32>
      %add3A_271 = arith.constant 6 : i32
      %add3A_272 = arith.addi %mul3A_161, %add3A_271 : i32
      %add3A_273 = arith.constant 1 : i32
      %add3A_274 = arith.addi %add3A_272, %add3A_273 : i32
      %get3A_275 = arith.index_cast %add3A_274 : i32 to index
      %get3A_276 = arith.constant 0 : index
      %get3A_277 = tpu.vector_load %arg8[%get3A_275, %get3A_276] {strides = array<i32>} : memref<200x32xf32, #tpu.memory_space<vmem>>, vector<1x16xf32>,
      %get3A_278 = vector.shape_cast %get3A_277 : vector<1x16xf32> to vector<16xf32>
      %add3A_279 = arith.addf %add3A_247, %get3A_278 : vector<16xf32>
      %add3A_280 = arith.constant 6 : i32
      %add3A_281 = arith.addi %mul3A_161, %add3A_280 : i32
      %add3A_282 = arith.constant 1 : i32
      %add3A_283 = arith.addi %add3A_281, %add3A_282 : i32
      %get3A_284 = arith.index_cast %add3A_283 : i32 to index
      %get3A_285 = arith.constant 16 : index
      %get3A_286 = tpu.vector_load %arg8[%get3A_284, %get3A_285] {strides = array<i32>} : memref<200x32xf32, #tpu.memory_space<vmem>>, vector<1x16xf32>,
      %get3A_287 = vector.shape_cast %get3A_286 : vector<1x16xf32> to vector<16xf32>
      %add3A_288 = arith.addf %add3A_256, %get3A_287 : vector<16xf32>
      scf.yield %add3A_263, %add3A_270, %add3A_279, %add3A_288 : vector<16xf32>, vector<16xf32>, vector<16xf32>, vector<16xf32>
    }
    %scan3A_134 = arith.constant 25 : i32
    %add3A_135 = arith.addf %scan3A_133#0, %scan3A_133#2 : vector<16xf32>
    %mul3A_136 = arith.constant 5.000000e-03 : f32
    %mul3A_137 = vector.broadcast %mul3A_136 : f32 to vector<16xf32>
    %mul3A_138 = arith.mulf %add3A_135, %mul3A_137 : vector<16xf32>
    %swap3A_139 = arith.constant 127 : i32
    %swap3A_140 = arith.index_cast %swap3A_139 : i32 to index
    %swap3A_141 = arith.constant 0 : index
    %swap3A_142 = tpu.vector_load %arg9[%swap3A_140, %swap3A_141] {strides = array<i32>} : memref<128x32xf32, #tpu.memory_space<vmem>>, vector<1x16xf32>,
    %swap3A_143 = vector.shape_cast %swap3A_142 : vector<1x16xf32> to vector<16xf32>
    %swap3A_144 = vector.shape_cast %mul3A_138 : vector<16xf32> to vector<1x16xf32>
    tpu.vector_store %arg9[%swap3A_140, %swap3A_141], %swap3A_144 {strides = array<i32>} : memref<128x32xf32, #tpu.memory_space<vmem>>, vector<1x16xf32>,
    %add3A_145 = arith.addf %scan3A_133#1, %scan3A_133#3 : vector<16xf32>
    %mul3A_146 = arith.constant 5.000000e-03 : f32
    %mul3A_147 = vector.broadcast %mul3A_146 : f32 to vector<16xf32>
    %mul3A_148 = arith.mulf %add3A_145, %mul3A_147 : vector<16xf32>
    %swap3A_149 = arith.constant 127 : i32
    %swap3A_150 = arith.index_cast %swap3A_149 : i32 to index
    %swap3A_151 = arith.constant 16 : index
    %swap3A_152 = tpu.vector_load %arg9[%swap3A_150, %swap3A_151] {strides = array<i32>} : memref<128x32xf32, #tpu.memory_space<vmem>>, vector<1x16xf32>,
    %swap3A_153 = vector.shape_cast %swap3A_152 : vector<1x16xf32> to vector<16xf32>
    %swap3A_154 = vector.shape_cast %mul3A_148 : vector<16xf32> to vector<1x16xf32>
    tpu.vector_store %arg9[%swap3A_150, %swap3A_151], %swap3A_154 {strides = array<i32>} : memref<128x32xf32, #tpu.memory_space<vmem>>, vector<1x16xf32>,
    "tpu.region"() ({
      %run_scoped3A = tpu.sem_alloc : memref<!tpu.dma_semaphore, #tpu.memory_space<semaphore_mem>>
      %dma_start3A_155 = arith.constant 0 : i32
      %dma_start3A_156 = tpu.memref_slice %arg4[%mul3A_2, %dma_start3A_155] : memref<4096x32xf32, #tpu.memory_space<hbm>> -> memref<128x32xf32, #tpu.memory_space<hbm>>
      %dma_start3A_157 = arith.constant 0 : i32
      %dma_start3A_158 = tpu.memref_slice %arg4[%mul3A_2, %dma_start3A_157] : memref<4096x32xf32, #tpu.memory_space<hbm>> -> memref<128x32xf32, #tpu.memory_space<hbm>>
      tpu.enqueue_dma source(%arg9 : memref<128x32xf32, #tpu.memory_space<vmem>>) target(%dma_start3A_158 : memref<128x32xf32, #tpu.memory_space<hbm>>) target_semaphore(%run_scoped3A : memref<!tpu.dma_semaphore, #tpu.memory_space<semaphore_mem>>)
      %dma_wait3A_159 = arith.constant 0 : i32
      %dma_wait3A_160 = tpu.memref_slice %arg4[%mul3A_2, %dma_wait3A_159] : memref<4096x32xf32, #tpu.memory_space<hbm>> -> memref<128x32xf32, #tpu.memory_space<hbm>>
      %dma_wait3A_161 = arith.constant 0 : i32
      %dma_wait3A_162 = tpu.memref_slice %arg4[%mul3A_2, %dma_wait3A_161] : memref<4096x32xf32, #tpu.memory_space<hbm>> -> memref<128x32xf32, #tpu.memory_space<hbm>>
      tpu.wait_dma2 semaphore(%run_scoped3A : memref<!tpu.dma_semaphore, #tpu.memory_space<semaphore_mem>>) src(%arg9 : memref<128x32xf32, #tpu.memory_space<vmem>>) dst(%dma_wait3A_162 : memref<128x32xf32, #tpu.memory_space<hbm>>)
      tpu.yield
    }) : () -> ()
    return
  }
}

module attributes {stable_mosaic.version = 14 : i64} {
  func.func @_mlp_body(%arg0: memref<4096x32xf32, #tpu.memory_space<vmem>>, %arg1: memref<4096x32xf32, #tpu.memory_space<vmem>>, %arg2: memref<32x100xf32, #tpu.memory_space<vmem>>, %arg3: memref<32x100xf32, #tpu.memory_space<vmem>>, %arg4: memref<1x100xf32, #tpu.memory_space<vmem>>, %arg5: memref<100x10xf32, #tpu.memory_space<vmem>>, %arg6: memref<1x10xf32, #tpu.memory_space<vmem>>, %arg7: memref<4096x10xf32, #tpu.memory_space<vmem>>) attributes {dimension_semantics = [], scalar_prefetch = 0 : i64, scratch_operands = 0 : i64, tpu.core_type = #tpu.core_type<tc>} {
    %get3A = arith.constant 0 : index
    %get3A_0 = arith.constant 0 : index
    %get3A_1 = vector.load %arg0[%get3A, %get3A_0] : memref<4096x32xf32, #tpu.memory_space<vmem>>, vector<4096x32xf32>
    %get3A_2 = arith.constant 0 : index
    %get3A_3 = arith.constant 0 : index
    %get3A_4 = vector.load %arg2[%get3A_2, %get3A_3] : memref<32x100xf32, #tpu.memory_space<vmem>>, vector<32x100xf32>
    %dot_general3A = arith.constant dense<0.000000e+00> : vector<4096x100xf32>
    %dot_general3A_5 = tpu.matmul %get3A_1, %get3A_4, %dot_general3A {dimension_numbers = #tpu.dot_dimension_numbers<[1], [0], [0], [1], [0, 0, 1, 1], [], []>, transpose_lhs_hint = false} : vector<4096x32xf32>, vector<32x100xf32>, vector<4096x100xf32> -> vector<4096x100xf32>
    %get3A_6 = arith.constant 0 : index
    %get3A_7 = arith.constant 0 : index
    %get3A_8 = vector.load %arg1[%get3A_6, %get3A_7] : memref<4096x32xf32, #tpu.memory_space<vmem>>, vector<4096x32xf32>
    %get3A_9 = arith.constant 0 : index
    %get3A_10 = arith.constant 0 : index
    %get3A_11 = vector.load %arg3[%get3A_9, %get3A_10] : memref<32x100xf32, #tpu.memory_space<vmem>>, vector<32x100xf32>
    %dot_general3A_12 = arith.constant dense<0.000000e+00> : vector<4096x100xf32>
    %dot_general3A_13 = tpu.matmul %get3A_8, %get3A_11, %dot_general3A_12 {dimension_numbers = #tpu.dot_dimension_numbers<[1], [0], [0], [1], [0, 0, 1, 1], [], []>, transpose_lhs_hint = false} : vector<4096x32xf32>, vector<32x100xf32>, vector<4096x100xf32> -> vector<4096x100xf32>
    %add3A = arith.addf %dot_general3A_5, %dot_general3A_13 : vector<4096x100xf32>
    %get3A_14 = arith.constant 0 : index
    %get3A_15 = arith.constant 0 : index
    %get3A_16 = vector.load %arg4[%get3A_14, %get3A_15] : memref<1x100xf32, #tpu.memory_space<vmem>>, vector<1x100xf32>
    %add3A_17 = vector.broadcast %get3A_16 : vector<1x100xf32> to vector<4096x100xf32>
    %add3A_18 = arith.addf %add3A, %add3A_17 : vector<4096x100xf32>
    %max3A = arith.constant 0.000000e+00 : f32
    %max3A_19 = vector.broadcast %max3A : f32 to vector<4096x100xf32>
    %max3A_20 = arith.maximumf %add3A_18, %max3A_19 : vector<4096x100xf32>
    %get3A_21 = arith.constant 0 : index
    %get3A_22 = arith.constant 0 : index
    %get3A_23 = vector.load %arg5[%get3A_21, %get3A_22] : memref<100x10xf32, #tpu.memory_space<vmem>>, vector<100x10xf32>
    %dot_general3A_24 = arith.constant dense<0.000000e+00> : vector<4096x10xf32>
    %dot_general3A_25 = tpu.matmul %max3A_20, %get3A_23, %dot_general3A_24 {dimension_numbers = #tpu.dot_dimension_numbers<[1], [0], [0], [1], [0, 0, 1, 1], [], []>, transpose_lhs_hint = false} : vector<4096x100xf32>, vector<100x10xf32>, vector<4096x10xf32> -> vector<4096x10xf32>
    %get3A_26 = arith.constant 0 : index
    %get3A_27 = arith.constant 0 : index
    %get3A_28 = vector.load %arg6[%get3A_26, %get3A_27] : memref<1x10xf32, #tpu.memory_space<vmem>>, vector<1x10xf32>
    %add3A_29 = vector.broadcast %get3A_28 : vector<1x10xf32> to vector<4096x10xf32>
    %add3A_30 = arith.addf %dot_general3A_25, %add3A_29 : vector<4096x10xf32>
    %swap3A = arith.constant 0 : index
    %swap3A_31 = arith.constant 0 : index
    %swap3A_32 = vector.load %arg7[%swap3A, %swap3A_31] : memref<4096x10xf32, #tpu.memory_space<vmem>>, vector<4096x10xf32>
    tpu.vector_store %arg7[%swap3A, %swap3A_31], %add3A_30 {strides = array<i32>} : memref<4096x10xf32, #tpu.memory_space<vmem>>, vector<4096x10xf32>,
    return
  }
}

</mosaic_0001>

<sc_bundles>
// kernel: kernel.5.cloned.1.call-start
scs
__scs_entry_jumppad:
0x0: {  	(pc) =	sbr.rel $0x88, $3  }
0x1: {  	(tag) =	ssettag $0x0;
	lr =	simm.s32 $0x1  }
0x2: {  	[smem:$0x3F99] =	sst lr;
	_ =	strace $0xD0000000  }
0x3: {  	_ = 	snop  }
0x4: {  	_ = 	snop  }
0x5: {  	_ = 	snop  }
0x6: {  	_ = 	snop  }
0x7: {  	_ = 	snop  }
__scs_overlays_trampoline_lowered:
0x8: {  	[smem:$0x3FA8] =	sst s0  }
0x9: {  	[smem:$0x3FA9] =	sst s1  }
0xa: {  	[smem:$0x3FAA] =	sst s2  }
0xb: {  	[smem:$0x3FAB] =	sst s3  }
0xc: {  	[smem:$0x3FAC] =	sst s4  }
0xd: {  	[smem:$0x3FAD] =	sst s5  }
0xe: {  	[smem:$0x3FAE] =	sst s6  }
0xf: {  	[smem:$0x3FAF] =	sst s7  }
0x10: {  	[smem:$0x3FB0] =	sst s8  }
0x11: {  	[smem:$0x3FB1] =	sst s9;
	s0 =	simm.s32 @!p0 $0x0  }
0x12: {  	s1 =	sld [smem:$0x3F97];
	s0 =	simm.s32 @p0 $0x1  }
0x13: {  	[smem:$0x3FB2] =	sst s0;
	s0 =	simm.s32 @!p1 $0x0  }
0x14: {  	s2 =	sld [smem:$0x3F96];
	s0 =	simm.s32 @p1 $0x1  }
0x15: {  	[smem:$0x3FB3] =	sst s0;
	s0 =	simm.s32 @!p2 $0x0  }
0x16: {  	s3 =	sld [smem:$0x3FDB];
	s0 =	simm.s32 @p2 $0x1  }
0x17: {  	s4 =	simm.s32 $0x1BF5;
	[smem:$0x3FB5] =	sst s0  }
0x18: {  	s0 =	sld [smem:$0x3F98];
	_ =	swait.ge [sflag:s4], $0x0  }
0x19: {  	s7 =	sld [smem:$0x3F99]  }
0x1a: {  	s8 =	sadd.s32 $0xFFFFE003, lr  }
0x1b: {  	s9 =	sadd.s32 $0xFFFFFEF7, lr;
	s5 =	simm.s32 $0xFFFFFFFF;
	p2 =	slt.u32 s8, $0xFFFFF086  }
0x1c: {  	p1 =	slt.u32 s9, $0xF7A;
	s5 =	simm.s32 @!p2 $0x0  }
0x1d: {  	s5 =	simm.s32 @p1 $0x1;
	p0 =	seq.s32 s7, s2  }
0x1e: {  	s7 =	smul.u32 @!p0 $0xF7A, s2;
	p2 =	seq.s32 @!p0 s5, $0x0  }
0x1f: {  	s9 =	smul.u32 $0xF7A, s1;
	s8 =	simm.s32 @!p0 $0x1BF5;
	p2 =	por !p2, p0  }
0x20: {  	[sflag:s8] =	ssyncset.s32 @!p0 $0xFFFFF086;
	s6 =	sadd.s32 @!p0 s3, s7;
	s7 =	simm.s32 @!p0 $0x108  }
0x21: {  	s3 =	sadd.s32 s3, s9;
	s6 =	sadd.s32 @!p0 $0x88, s6;
	s7 =	simm.s32 @p2 $0x1082  }
0x22: {  	[simem:s7], [sflag:s8] =	dma.local @!p0 [hbm:s6], $0xF7A  }
0x23: {  	s9 =	sor.u32 $0xD0000000, s2;
	s6 =	simm.s32 $0x108;
	_ =	swait.ge @!p0 [sflag:s8], $0x0  }
0x24: {  	s3 =	sadd.s32 $0x88, s3;
	s6 =	simm.s32 @!p1 $0x1082;
	[sflag:s4] =	ssyncset.s32 $0xFFFFF086  }
0x25: {  	[simem:s6], [sflag:s4] =	dma.local [hbm:s3], $0xF7A  }
0x26: {  	[smem:$0x3F99] =	sst s1;
	(tag) =	ssettag s2;
	_ =	strace s9  }
0x27: {  	s1 =	sld [smem:$0x3FA9]  }
0x28: {  	s2 =	sld [smem:$0x3FAA]  }
0x29: {  	s4 =	sld [smem:$0x3FAC]  }
0x2a: {  	p0 =	seq.s32 s5, $0x0;
	s5 =	sld [smem:$0x3FAD]  }
0x2b: {  	s6 =	sld [smem:$0x3FAE]  }
0x2c: {  	s7 =	sld [smem:$0x3FAF]  }
0x2d: {  	s3 =	simm.s32 $0x108;
	s8 =	sld [smem:$0x3FB0]  }
0x2e: {  	s3 =	simm.s32 @!p0 $0x1082;
	s9 =	sld [smem:$0x3FB1]  }
0x2f: {  	lr =	sadd.s32 s0, s3;
	s0 =	sld [smem:$0x3FA8]  }
0x30: {  	s3 =	sld [smem:$0x3FAB]  }
0x31: {  	[smem:$0x3FB4] =	sst s10  }
0x32: {  	s10 =	sld [smem:$0x3FB2];
	_ =	sdelay $0x3  }
0x33: {  	p0 =	seq.s32 s10, $0x1;
	s10 =	sld [smem:$0x3FB4];
	_ =	sdelay $0x3  }
0x34: {  	[smem:$0x3FB4] =	sst s10  }
0x35: {  	s10 =	sld [smem:$0x3FB3];
	_ =	sdelay $0x3  }
0x36: {  	p1 =	seq.s32 s10, $0x1;
	s10 =	sld [smem:$0x3FB4];
	_ =	sdelay $0x3  }
0x37: {  	[smem:$0x3FB4] =	sst s10  }
0x38: {  	s10 =	sld [smem:$0x3FB5]  }
0x39: {  	_ = 	snop;
	(pc) =	sbr.ind lr, $3  }
0x3a: {  	_ = 	snop  }
0x3b: {  	_ = 	snop  }
0x3c: {  	p2 =	seq.s32 s10, $0x1;
	s10 =	sld [smem:$0x3FB4]  }
0x3d: {  	_ =	shalt  }
0x3e: {  	_ =	shalt  }
0x3f: {  	_ =	shalt  }
0x40: {  	_ =	shalt  }
0x41: {  	_ =	shalt  }
0x42: {  	_ =	shalt  }
0x43: {  	_ =	shalt  }
0x44: {  	_ =	shalt  }
0x45: {  	_ =	shalt  }
0x46: {  	_ =	shalt  }
0x47: {  	_ =	shalt  }
0x48: {  	_ =	shalt  }
0x49: {  	_ =	shalt  }
0x4a: {  	_ =	shalt  }
0x4b: {  	_ =	shalt  }
0x4c: {  	_ =	shalt  }
0x4d: {  	_ =	shalt  }
0x4e: {  	_ =	shalt  }
0x4f: {  	_ =	shalt  }
0x50: {  	_ =	shalt  }
0x51: {  	_ =	shalt  }
0x52: {  	_ =	shalt  }
0x53: {  	_ =	shalt  }
0x54: {  	_ =	shalt  }
0x55: {  	_ =	shalt  }
0x56: {  	_ =	shalt  }
0x57: {  	_ =	shalt  }
0x58: {  	_ =	shalt  }
0x59: {  	_ =	shalt  }
0x5a: {  	_ =	shalt  }
0x5b: {  	_ =	shalt  }
0x5c: {  	_ =	shalt  }
0x5d: {  	_ =	shalt  }
0x5e: {  	_ =	shalt  }
0x5f: {  	_ =	shalt  }
0x60: {  	_ =	shalt  }
0x61: {  	_ =	shalt  }
0x62: {  	_ =	shalt  }
0x63: {  	_ =	shalt  }
0x64: {  	_ =	shalt  }
0x65: {  	_ =	shalt  }
0x66: {  	_ =	shalt  }
0x67: {  	_ =	shalt  }
0x68: {  	_ =	shalt  }
0x69: {  	_ =	shalt  }
0x6a: {  	_ =	shalt  }
0x6b: {  	_ =	shalt  }
0x6c: {  	_ =	shalt  }
0x6d: {  	_ =	shalt  }
0x6e: {  	_ =	shalt  }
0x6f: {  	_ =	shalt  }
0x70: {  	_ =	shalt  }
0x71: {  	_ =	shalt  }
0x72: {  	_ =	shalt  }
0x73: {  	_ =	shalt  }
0x74: {  	_ =	shalt  }
0x75: {  	_ =	shalt  }
0x76: {  	_ =	shalt  }
0x77: {  	_ =	shalt  }
0x78: {  	_ =	shalt  }
0x79: {  	_ =	shalt  }
0x7a: {  	_ =	shalt  }
0x7b: {  	_ =	shalt  }
0x7c: {  	_ =	shalt  }
0x7d: {  	_ =	shalt  }
0x7e: {  	_ =	shalt  }
0x7f: {  	_ =	shalt  }
0x80: {  	_ =	shalt  }
0x81: {  	_ =	shalt  }
0x82: {  	_ =	shalt  }
0x83: {  	_ =	shalt  }
0x84: {  	_ =	shalt  }
0x85: {  	_ =	shalt  }
0x86: {  	_ =	shalt  }
0x87: {  	_ =	shalt  }
.Lfunc_end0:
.L_simem_size_0:
called_computation_lowered:
.L_overlay_start_0:
0x88: {  	s2 =	sld [smem:$0x3FD9]  }
0x89: {  	s3 =	sld [smem:$0x3FFE];
	_ =	sdelay $0x1  }
0x8a: {  	s1 =	srdreg.scid  }
0x8b: {  	s0 =	sand.u32 $0x1, s1  }
0x8c: {  	s17 =	sshll.u32 s0, $0xA;
	s2 =	sadd.s32 s3, s2  }
0x8d: {  	s2 =	sadd.s32 s2, s17  }
0x8e: {  	[smem:$0x3FC0] =	sst s2  }
0x8f: {  	_ = 	snop  }
0x90: {  	(tm) =	ssettm $0x1  }
0x91: {  	s18 =	sld [smem:$0x3FFB];
	_ =	sdelay $0x3  }
0x92: {  	_ =	strace s18  }
0x93: {  	s2 =	sld [smem:$0x3FFC];
	_ =	sdelay $0x3  }
0x94: {  	_ =	strace s2  }
0x95: {  	s2 =	sld [smem:$0x3FFD];
	_ =	sdelay $0x3  }
0x96: {  	_ =	strace s2  }
0x97: {  	_ =	strace $0x8FFFFFFF  }
0x98: {  	s19 =	sld [smem:$0x3FDB];
	_ =	sdelay $0x1  }
0x99: {  	s20 =	simm.s32 $_scs_section_size  }
0x9a: {  	s4 =	simm.s32 $_size__tile_overlayer_lowered;
	s5 =	simm.s32 $_tile_overlayer_lowered  }
0x9b: {  	s6 =	simm.s32 $0x1BFF;
	s21 =	sshll.u32 s5, $0x1;
	s3 =	sadd.s32 s20, s19  }
0x9c: {  	s22 =	simm.s32 $0x0;
	s4 =	sshll.u32 s4, $0x1;
	s5 =	sadd.s32 s21, s3  }
0x9d: {  	[timem:s22], [sflag:s6] =	dma.local [hbm:s5], s4  }
0x9e: {  	_ =	swait.ge [sflag:s6], s4  }
0x9f: {  	s4 =	ssub.s32 $0x0, s4;
	[sflag:s6] =	ssyncset.done $0x0  }
0xa0: {  	[sflag:s6] =	ssyncadd.s32 s4;
	_ =	sdelay $0x1  }
0xa1: {  	s23 =	simm.s32 $0x1B8B  }
0xa2: {  	_ =	swait.ge [sflag:s23], $0x1  }
0xa3: {  	[sflag:s23] =	ssyncset.done $0x0  }
0xa4: {  	[sflag:s23] =	ssyncadd.s32 $0xFFFFFFFF  }
0xa5: {  	s4 =	sld [smem:$0x0]  }
0xa6: {  	s5 =	sand.u32 $0xFFFFFFFE, s1  }
0xa7: {  	p0 =	sne.s32 s1, s5  }
0xa8: {  	s5 =	sshll.u32 @p0 s5, $0xE  }
0xa9: {  	s5 =	sadd.s32 @p0 $0x11B8D, s5;
	s6 =	sshll.u32 @p0 s4, $0x11  }
0xaa: {  	s5 =	sor.u32 @p0 s6, s5  }
0xab: {  	[sflag:s5] =	ssyncadd.remote.s32 @p0 $0x1;
	_ =	sdelay $0x1  }
0xac: {  	s5 =	simm.s32 @p0 $0x1B8D  }
0xad: {  	_ =	swait.eq @p0 [sflag:s5], $0x1  }
0xae: {  	[sflag:s5] =	ssyncadd.s32 @p0 $0xFFFFFFFF  }
0xaf: {  	s6 =	sshll.u32 @!p0 s1, $0xE  }
0xb0: {  	s6 =	sor.u32 @!p0 $0x4000, s6;
	s5 =	simm.s32 @!p0 $0x1B8D  }
0xb1: {  	s4 =	sshll.u32 @!p0 s4, $0x11;
	s6 =	sadd.s32 @!p0 $0x11B8D, s6;
	_ =	swait.eq @!p0 [sflag:s5], $0x1  }
0xb2: {  	s4 =	sor.u32 @!p0 s4, s6;
	[sflag:s5] =	ssyncadd.s32 @!p0 $0xFFFFFFFF  }
0xb3: {  	s25 =	simm.s32 $0x1B8E;
	s24 =	sld [smem:$0x3FFE];
	[sflag:s4] =	ssyncadd.remote.s32 @!p0 $0x1  }
0xb4: {  	s26 =	simm.s32 $execute0_lowered;
	[smem:$0x3FD2] =	sst s25  }
0xb5: {  	s5 =	sshll.u32 s26, $0x1;
	_ =	strace $0x80000049;
	[dreg:$0x1] =	wrdreg $0xFFFFFFFF  }
0xb6: {  	s28 =	simm.s32 $_size_execute0_lowered;
	s3 =	sadd.s32 s3, s5;
	[dreg:$0x0] =	wrdreg $0x0  }
0xb7: {  	s5 =	sshll.u32 s28, $0x1;
	[dreg:$0x2] =	wrdreg s3  }
0xb8: {  	[dreg:$0x3] =	wrdreg s5  }
0xb9: {  	[dreg:$0x4] =	wrdreg $0xC0  }
0xba: {  	_ =	task [dreg:s22], $0x5FFFF  }
0xbb: {  	[dreg:$0x1] =	wrdreg $0xFFFFFFFF  }
0xbc: {  	[dreg:$0x0] =	wrdreg $0x60  }
0xbd: {  	[dreg:$0x2] =	wrdreg s24  }
0xbe: {  	[dreg:$0x3] =	wrdreg $0x9  }
0xbf: {  	_ =	task.clear_ibuf [dreg:s22], $0x4FFFF;
	_ =	strace $0x90000049  }
0xc0: {  	s29 =	simm.s32 $0x9;
	_ =	strace $0x8000004B  }
0xc1: {  	_ =	swait.ge [sflag:s29], $0x1  }
0xc2: {  	[sflag:s29] =	ssyncadd.s32 $0xFFFFFFFF  }
0xc3: {  	_ =	strace $0x9000004B  }
0xc4: {  	_ =	sfence  }
0xc5: {  	s30 =	sld [smem:$0x0];
	_ =	sdelay $0x2  }
0xc6: {  	s31 =	sshll.u32 s1, $0xD;
	s1 =	sshrl.u32 s1, $0x2  }
0xc7: {  	s4 =	sand.u32 $0x4000, s31;
	s1 =	sadd.s32 s1, s30  }
0xc8: {  	s0 =	sor.u32 s4, s0;
	s1 =	sshll.u32 s1, $0x11  }
0xc9: {  	s0 =	sor.u32 s1, s0  }
0xca: {  	s0 =	sadd.s32 $0x8F2B, s0  }
0xcb: {  	[sflag:s0] =	ssyncadd.remote.s32 $0x1  }
0xcc: {  	_ =	sfence.sel $0xFFFF  }
0xcd: {  	[dreg:$0x0] =	wrdreg $0xFFFFFFFF;
	(pc) =	sbr.abs _section_cstart, $3  }
0xce: {  	[dreg:$0x1] =	wrdreg $0xFFFFFFFF  }
0xcf: {  	_ =	task.clear_ibuf [dreg:s22], $0x2FFFF;
	_ =	strace $0x9FFFFFFF  }
0xd0: {  	(tm) =	ssettm $0x7FFFFFFF  }
0xd1: {  	_ =	shalt  }
tec
execute0_lowered:
.L_overlay_start_1:
0x0: {  	(tag) =	ssettag $0x1  }
0x1: {  	s6 =	rddreg [dreg:$0x0]  }
0x2: {  	s0 =	rddreg [dreg:$0x1]  }
0x3: {  	s3 =	srdreg.scid;
	s2 =	simm.s32 $0x0;
	s1 =	stileid.u32  }
0x4: {  	s11 =	simm.s32 $0x68;
	s12 =	simm.s32 $0x190;
	s13 =	simm.s32 $0x60  }
0x5: {  	s14 =	simm.s32 $0xE90;
	s15 =	simm.s32 $0xC8;
	s16 =	simm.s32 $0x2  }
0x6: {  	s17 =	simm.s32 $0x1A90;
	s18 =	simm.s32 $0x130;
	s19 =	simm.s32 $0x2790  }
0x7: {  	s20 =	simm.s32 $0x3;
	s21 =	simm.s32 $0x4;
	s22 =	simm.s32 $0x3390  }
0x8: {  	s23 =	simm.s32 $0x5;
	s24 =	simm.s32 $0x0;
	s5 =	sand.u32 $0x1, s3  }
0x9: {  	[smem:$0x7FF] =	sst s2;
	s31 =	sshll.u32 s1, $0x8;
	s4 =	sshll.u32 s5, $0x7  }
0xa: {  	_ =	strace $0x8000004A;
	s7 =	ssub.s32 $0x2, s5;
	s3 =	sor.u32 s4, s31  }
0xb: {  	s5 =	sadd.s32 $0x1A6000, s6;
	s8 =	smul.u32 $0x19, s3;
	s9 =	sshll.u32 s3, $0x2  }
0xc: {  	s4 =	sadd.s32 $0x1F600, s6;
	s10 =	sshrl.u32 s7, $0x1;
	s9 =	sadd.s32 s9, s6  }
0xd: {  	s10 =	ssub.s32 s7, s10;
	s6 =	sadd.s32 s4, s8;
	s8 =	sadd.s32 $0x38600, s9  }
0xe: {  	s9 =	smax.u32 s10, $0x1;
	s10 =	simm.s32 $0x1;
	s7 =	sadd.s32 $0x19, s6  }
.LBB2_1:
0xf: {  	[tilespmem:s2], [sflag:$0x1] =	stream.linear.gather [hbm4b:s6+s2], $0xC8, $0x38;
	[tilespmem:$0x4390] =	vst v63  }
0x10: {  	_ =	swait.ge [sflag:s10], $0xC8  }
0x11: {  	[sflag:s10] =	ssyncset.done $0x0  }
0x12: {  	[sflag:s10] =	ssyncadd.s32 $0xFFFFFF38  }
0x13: {  	[tilespmem:s12], [sflag:$0x3] =	stream.indirect.gather [hbm4b:s5+s11], $0x20, s2, s11, $0xb8;
	[tilespmem:$0x4390] =	vst v63  }
0x14: {  	_ = 	snop  }
0x15: {  	[tilespmem:s14], [sflag:$0x3] =	stream.indirect.gather [hbm4b:s5+s13], $0x20, s11, s13, $0xb8;
	[tilespmem:$0x4390] =	vst v63  }
0x16: {  	s25 =	simm.s32 $0x0  }
0x17: {  	[tilespmem:s15], [sflag:$0x2] =	stream.linear.gather [hbm4b:s7+s2], $0xC8, $0x38;
	[tilespmem:$0x4390] =	vst v63  }
.LBB2_2:
0x18: {  	_ =	swait.ge [sflag:s16], $0xC8  }
0x19: {  	[sflag:s16] =	ssyncset.done $0x0  }
0x1a: {  	[sflag:s16] =	ssyncadd.s32 $0xFFFFFF38  }
0x1b: {  	[tilespmem:s17], [sflag:$0x4] =	stream.indirect.gather [hbm4b:s5+s11], $0x20, s15, s11, $0xb8;
	[tilespmem:$0x4390] =	vst v63  }
0x1c: {  	s26 =	sshll.u32 s25, $0x1  }
0x1d: {  	[tilespmem:s19], [sflag:$0x4] =	stream.indirect.gather [hbm4b:s5+s13], $0x20, s18, s13, $0xb8;
	[tilespmem:$0x4390] =	vst v63  }
0x1e: {  	s26 =	sadd.s32 s3, s26;
	_ =	swait.ge [sflag:s20], $0xD00  }
0x1f: {  	s26 =	smul.u32 $0xC8, s26;
	[sflag:s20] =	ssyncset.done $0x0  }
0x20: {  	[sflag:s20] =	ssyncadd.s32 $0xFFFFF300  }
0x21: {  	s28 =	sshrl.u32 s26, $0x3;
	_ =	swait.ge [sflag:s20], $0xC00  }
0x22: {  	s28 =	sadd.s32 s4, s28;
	[sflag:s20] =	ssyncset.done $0x0  }
0x23: {  	s29 =	simm.s32 $0x0;
	s28 =	sadd.s32 $0x32, s28;
	[sflag:s20] =	ssyncadd.s32 $0xFFFFF400  }
0x24: {  	[tilespmem:s29], [sflag:$0x1] =	stream.linear.gather [hbm4b:s28+s29], $0xC8, $0x38;
	[tilespmem:$0x4390] =	vst v63  }
0x25: {  	s28 =	simm.s32 $0x0  }
0x26: {  	v0 =	vld [tilespmem:s28+$0x250]  }
0x27: {  	v1 =	vld [tilespmem:s28+$0x260]  }
0x28: {  	v2 =	vld [tilespmem:s28+$0x210]  }
0x29: {  	v3 =	vld [tilespmem:s28+$0x220]  }
0x2a: {  	v4 =	vld [tilespmem:s28+$0x1D0]  }
0x2b: {  	v5 =	vld [tilespmem:s28+$0x1E0]  }
0x2c: {  	v10 =	vld [tilespmem:s28+$0x190]  }
0x2d: {  	v6 =	vimm.f32 $0.0e+00;
	v11 =	vld [tilespmem:s28+$0x1A0]  }
0x2e: {  	v7 =	vimm.f32 $0.0e+00;
	v9 =	vimm.f32 $0.0e+00;
	v8 =	vimm.f32 $0.0e+00;
	s29 =	simm.s32 $0x400;
	v12 =	vld [tilespmem:s28+$0x1B0]  }
.LBB2_3:
0x2f: {  	p0 =	sne.s32 s29, $0x6000;
	v13 =	vld [tilespmem:s28+$0x1C0]  }
0x30: {  	v14 =	vld [tilespmem:s28+$0x1F0]  }
0x31: {  	v15 =	vld [tilespmem:s28+$0x200]  }
0x32: {  	v16 =	vld [tilespmem:s28+$0x230]  }
0x33: {  	v6 =	vadd.f32 v10, v6;
	v7 =	vadd.f32 v11, v7;
	v10 =	vld [tilespmem:s28+$0x240]  }
0x34: {  	v9 =	vadd.f32 v12, v9;
	v8 =	vadd.f32 v13, v8;
	v11 =	vld [tilespmem:s28+$0x270]  }
0x35: {  	v4 =	vadd.f32 v4, v6;
	v5 =	vadd.f32 v5, v7;
	v12 =	vld [tilespmem:s28+$0x280];
	s28 =	sshra.s32 s29, $0x2  }
0x36: {  	v6 =	vadd.f32 v14, v9;
	v13 =	vld [tilespmem:s28+$0x250];
	v7 =	vadd.f32 v15, v8  }
0x37: {  	v4 =	vadd.f32 v2, v4;
	v5 =	vadd.f32 v3, v5;
	v14 =	vld [tilespmem:s28+$0x260]  }
0x38: {  	v8 =	vadd.f32 v16, v6;
	v2 =	vld [tilespmem:s28+$0x210];
	v10 =	vadd.f32 v10, v7  }
0x39: {  	v6 =	vadd.f32 v0, v4;
	v7 =	vadd.f32 v1, v5;
	v3 =	vld [tilespmem:s28+$0x220]  }
.Ltmp0:
0x3a: {  	v9 =	vadd.f32 v11, v8;
	v4 =	vld [tilespmem:s28+$0x1D0];
	v8 =	vadd.f32 v12, v10;
	(pc) =	sbr.rel @p0 .LBB2_3-.Ltmp0, $4  }
0x3b: {  	v5 =	vld [tilespmem:s28+$0x1E0];
	v0 =	vmov v13  }
0x3c: {  	v10 =	vld [tilespmem:s28+$0x190];
	v1 =	vmov v14  }
0x3d: {  	v11 =	vld [tilespmem:s28+$0x1A0]  }
0x3e: {  	s29 =	sadd.s32 $0x400, s29;
	v12 =	vld [tilespmem:s28+$0x1B0]  }
0x3f: {  	v13 =	vld [tilespmem:s28+$0x1C0]  }
0x40: {  	v14 =	vld [tilespmem:s28+$0x1F0]  }
0x41: {  	v15 =	vld [tilespmem:s28+$0x200]  }
0x42: {  	v16 =	vld [tilespmem:s28+$0x230]  }
0x43: {  	v6 =	vadd.f32 v10, v6;
	v10 =	vld [tilespmem:s28+$0x240];
	v9 =	vadd.f32 v12, v9  }
0x44: {  	v7 =	vadd.f32 v11, v7;
	v11 =	vld [tilespmem:s28+$0x270];
	v8 =	vadd.f32 v13, v8  }
0x45: {  	v4 =	vadd.f32 v4, v6;
	v6 =	vld [tilespmem:s28+$0x280];
	v9 =	vadd.f32 v14, v9  }
0x46: {  	v5 =	vadd.f32 v5, v7;
	v7 =	vadd.f32 v15, v8  }
0x47: {  	v2 =	vadd.f32 v2, v4;
	v4 =	vadd.f32 v16, v9  }
0x48: {  	v3 =	vadd.f32 v3, v5;
	v5 =	vadd.f32 v10, v7  }
0x49: {  	v0 =	vadd.f32 v0, v2;
	v2 =	vadd.f32 v11, v4  }
0x4a: {  	v1 =	vadd.f32 v1, v3;
	v3 =	vadd.f32 v6, v5  }
0x4b: {  	v0 =	vadd.f32 v2, v0  }
0x4c: {  	v1 =	vadd.f32 v3, v1  }
0x4d: {  	s28 =	sshll.u32 s25, $0x6;
	v0 =	vmul.f32 $4.999999890e-03, v0  }
0x4e: {  	s28 =	sand.u32 $0x3FFFFFC0, s28;
	v1 =	vmul.f32 $4.999999890e-03, v1  }
0x4f: {  	[tilespmem:s28+$0x3390] =	vst v0  }
0x50: {  	[tilespmem:s28+$0x33A0] =	vst v1  }
0x51: {  	_ =	swait.ge [sflag:s10], $0xC8  }
0x52: {  	[sflag:s10] =	ssyncset.done $0x0  }
0x53: {  	s29 =	simm.s32 $0x0;
	[sflag:s10] =	ssyncadd.s32 $0xFFFFFF38  }
0x54: {  	[tilespmem:s12], [sflag:$0x3] =	stream.indirect.gather [hbm4b:s5+s11], $0x20, s29, s11, $0xb8;
	[tilespmem:$0x4390] =	vst v63  }
0x55: {  	_ = 	snop  }
0x56: {  	[tilespmem:s14], [sflag:$0x3] =	stream.indirect.gather [hbm4b:s5+s13], $0x20, s11, s13, $0xb8;
	[tilespmem:$0x4390] =	vst v63  }
0x57: {  	_ =	swait.ge [sflag:s21], $0xD00  }
0x58: {  	[sflag:s21] =	ssyncset.done $0x0  }
0x59: {  	[sflag:s21] =	ssyncadd.s32 $0xFFFFF300  }
0x5a: {  	s26 =	sadd.s32 $0x258, s26;
	_ =	swait.ge [sflag:s21], $0xC00  }
0x5b: {  	s26 =	sshrl.u32 s26, $0x3;
	[sflag:s21] =	ssyncset.done $0x0  }
0x5c: {  	s26 =	sadd.s32 s4, s26;
	[sflag:s21] =	ssyncadd.s32 $0xFFFFF400  }
0x5d: {  	[tilespmem:s15], [sflag:$0x2] =	stream.linear.gather [hbm4b:s26+s29], $0xC8, $0x38;
	[tilespmem:$0x4390] =	vst v63  }
0x5e: {  	s26 =	simm.s32 $0x0  }
0x5f: {  	v0 =	vld [tilespmem:s26+$0x1B50]  }
0x60: {  	v1 =	vld [tilespmem:s26+$0x1B60]  }
0x61: {  	v2 =	vld [tilespmem:s26+$0x1B10]  }
0x62: {  	v3 =	vld [tilespmem:s26+$0x1B20]  }
0x63: {  	v4 =	vld [tilespmem:s26+$0x1AD0]  }
0x64: {  	v5 =	vld [tilespmem:s26+$0x1AE0]  }
0x65: {  	v10 =	vld [tilespmem:s26+$0x1A90]  }
0x66: {  	v8 =	vimm.f32 $0.0e+00;
	v11 =	vld [tilespmem:s26+$0x1AA0]  }
0x67: {  	v9 =	vimm.f32 $0.0e+00;
	v7 =	vimm.f32 $0.0e+00;
	v6 =	vimm.f32 $0.0e+00;
	s29 =	simm.s32 $0x400;
	v12 =	vld [tilespmem:s26+$0x1AB0]  }
.LBB2_5:
0x68: {  	p0 =	sne.s32 s29, $0x6000;
	v13 =	vld [tilespmem:s26+$0x1AC0]  }
0x69: {  	v14 =	vld [tilespmem:s26+$0x1AF0]  }
0x6a: {  	v15 =	vld [tilespmem:s26+$0x1B00]  }
0x6b: {  	v16 =	vld [tilespmem:s26+$0x1B30]  }
0x6c: {  	v6 =	vadd.f32 v10, v6;
	v7 =	vadd.f32 v11, v7;
	v10 =	vld [tilespmem:s26+$0x1B40]  }
0x6d: {  	v9 =	vadd.f32 v12, v9;
	v8 =	vadd.f32 v13, v8;
	v11 =	vld [tilespmem:s26+$0x1B70]  }
0x6e: {  	v4 =	vadd.f32 v4, v6;
	v5 =	vadd.f32 v5, v7;
	v12 =	vld [tilespmem:s26+$0x1B80];
	s26 =	sshra.s32 s29, $0x2  }
0x6f: {  	v6 =	vadd.f32 v14, v9;
	v13 =	vld [tilespmem:s26+$0x1B50];
	v7 =	vadd.f32 v15, v8  }
0x70: {  	v4 =	vadd.f32 v2, v4;
	v5 =	vadd.f32 v3, v5;
	v14 =	vld [tilespmem:s26+$0x1B60]  }
0x71: {  	v8 =	vadd.f32 v16, v6;
	v2 =	vld [tilespmem:s26+$0x1B10];
	v10 =	vadd.f32 v10, v7  }
0x72: {  	v6 =	vadd.f32 v0, v4;
	v7 =	vadd.f32 v1, v5;
	v3 =	vld [tilespmem:s26+$0x1B20]  }
.Ltmp1:
0x73: {  	v9 =	vadd.f32 v11, v8;
	v4 =	vld [tilespmem:s26+$0x1AD0];
	v8 =	vadd.f32 v12, v10;
	(pc) =	sbr.rel @p0 .LBB2_5-.Ltmp1, $4  }
0x74: {  	v5 =	vld [tilespmem:s26+$0x1AE0];
	v0 =	vmov v13  }
0x75: {  	v10 =	vld [tilespmem:s26+$0x1A90];
	v1 =	vmov v14  }
0x76: {  	v11 =	vld [tilespmem:s26+$0x1AA0]  }
0x77: {  	s29 =	sadd.s32 $0x400, s29;
	v12 =	vld [tilespmem:s26+$0x1AB0]  }
0x78: {  	v13 =	vld [tilespmem:s26+$0x1AC0]  }
0x79: {  	v14 =	vld [tilespmem:s26+$0x1AF0]  }
0x7a: {  	v15 =	vld [tilespmem:s26+$0x1B00]  }
0x7b: {  	v16 =	vld [tilespmem:s26+$0x1B30]  }
0x7c: {  	v56 =	vld [tilespmem:s26+$0x1B40];
	v6 =	vadd.f32 v10, v6;
	v9 =	vadd.f32 v12, v9  }
0x7d: {  	v57 =	vld [tilespmem:s26+$0x1B70];
	v7 =	vadd.f32 v11, v7;
	v8 =	vadd.f32 v13, v8  }
0x7e: {  	v58 =	vld [tilespmem:s26+$0x1B80];
	v4 =	vadd.f32 v4, v6;
	v9 =	vadd.f32 v14, v9  }
0x7f: {  	v5 =	vadd.f32 v5, v7;
	v59 =	vadd.f32 v15, v8  }
0x80: {  	v2 =	vadd.f32 v2, v4;
	v60 =	vadd.f32 v16, v9  }
0x81: {  	v3 =	vadd.f32 v3, v5;
	v61 =	vadd.f32 v56, v59  }
0x82: {  	v0 =	vadd.f32 v0, v2;
	v62 =	vadd.f32 v57, v60  }
0x83: {  	s25 =	sadd.s32 $0x1, s25;
	v1 =	vadd.f32 v1, v3;
	v63 =	vadd.f32 v58, v61  }
0x84: {  	p0 =	sne.s32 s25, $0x3F;
	v0 =	vadd.f32 v62, v0  }
.Ltmp2:
0x85: {  	v1 =	vadd.f32 v63, v1;
	(pc) =	sbr.rel @p0 .LBB2_2-.Ltmp2, $4  }
0x86: {  	v0 =	vmul.f32 $4.999999890e-03, v0  }
0x87: {  	v1 =	vmul.f32 $4.999999890e-03, v1  }
0x88: {  	[tilespmem:s28+$0x33B0] =	vst v0  }
0x89: {  	[tilespmem:s28+$0x33C0] =	vst v1  }
0x8a: {  	_ =	swait.ge [sflag:s16], $0xC8  }
0x8b: {  	[sflag:s16] =	ssyncset.done $0x0  }
0x8c: {  	[sflag:s16] =	ssyncadd.s32 $0xFFFFFF38  }
0x8d: {  	[tilespmem:s17], [sflag:$0x4] =	stream.indirect.gather [hbm4b:s5+s11], $0x20, s15, s11, $0xb8;
	[tilespmem:$0x4390] =	vst v63  }
0x8e: {  	_ = 	snop  }
0x8f: {  	[tilespmem:s19], [sflag:$0x4] =	stream.indirect.gather [hbm4b:s5+s13], $0x20, s18, s13, $0xb8;
	[tilespmem:$0x4390] =	vst v63  }
0x90: {  	_ =	swait.ge [sflag:s20], $0xD00  }
0x91: {  	[sflag:s20] =	ssyncset.done $0x0  }
0x92: {  	[sflag:s20] =	ssyncadd.s32 $0xFFFFF300  }
0x93: {  	_ =	swait.ge [sflag:s20], $0xC00  }
0x94: {  	[sflag:s20] =	ssyncset.done $0x0  }
0x95: {  	s25 =	simm.s32 $0x0;
	[sflag:s20] =	ssyncadd.s32 $0xFFFFF400  }
0x96: {  	v0 =	vld [tilespmem:s25+$0x250]  }
0x97: {  	v1 =	vld [tilespmem:s25+$0x260]  }
0x98: {  	v2 =	vld [tilespmem:s25+$0x210]  }
0x99: {  	v3 =	vld [tilespmem:s25+$0x220]  }
0x9a: {  	v4 =	vld [tilespmem:s25+$0x1D0]  }
0x9b: {  	v5 =	vld [tilespmem:s25+$0x1E0]  }
0x9c: {  	v10 =	vld [tilespmem:s25+$0x190]  }
0x9d: {  	v6 =	vimm.f32 $0.0e+00;
	v11 =	vld [tilespmem:s25+$0x1A0]  }
0x9e: {  	s26 =	simm.s32 $0x400;
	v7 =	vimm.f32 $0.0e+00;
	v9 =	vimm.f32 $0.0e+00;
	v8 =	vimm.f32 $0.0e+00;
	v12 =	vld [tilespmem:s25+$0x1B0]  }
.LBB2_8:
0x9f: {  	p0 =	sne.s32 s26, $0x6000;
	v13 =	vld [tilespmem:s25+$0x1C0]  }
0xa0: {  	v14 =	vld [tilespmem:s25+$0x1F0]  }
0xa1: {  	v15 =	vld [tilespmem:s25+$0x200]  }
0xa2: {  	v16 =	vld [tilespmem:s25+$0x230]  }
0xa3: {  	v6 =	vadd.f32 v10, v6;
	v7 =	vadd.f32 v11, v7;
	v10 =	vld [tilespmem:s25+$0x240]  }
0xa4: {  	v9 =	vadd.f32 v12, v9;
	v8 =	vadd.f32 v13, v8;
	v11 =	vld [tilespmem:s25+$0x270]  }
0xa5: {  	v4 =	vadd.f32 v4, v6;
	v5 =	vadd.f32 v5, v7;
	v12 =	vld [tilespmem:s25+$0x280];
	s25 =	sshra.s32 s26, $0x2  }
0xa6: {  	v6 =	vadd.f32 v14, v9;
	v13 =	vld [tilespmem:s25+$0x250];
	v7 =	vadd.f32 v15, v8  }
0xa7: {  	v4 =	vadd.f32 v2, v4;
	v5 =	vadd.f32 v3, v5;
	v14 =	vld [tilespmem:s25+$0x260]  }
0xa8: {  	v8 =	vadd.f32 v16, v6;
	v2 =	vld [tilespmem:s25+$0x210];
	v10 =	vadd.f32 v10, v7  }
0xa9: {  	v6 =	vadd.f32 v0, v4;
	v7 =	vadd.f32 v1, v5;
	v3 =	vld [tilespmem:s25+$0x220]  }
.Ltmp3:
0xaa: {  	v9 =	vadd.f32 v11, v8;
	v4 =	vld [tilespmem:s25+$0x1D0];
	v8 =	vadd.f32 v12, v10;
	(pc) =	sbr.rel @p0 .LBB2_8-.Ltmp3, $4  }
0xab: {  	v5 =	vld [tilespmem:s25+$0x1E0];
	v0 =	vmov v13  }
0xac: {  	v10 =	vld [tilespmem:s25+$0x190];
	v1 =	vmov v14  }
0xad: {  	v11 =	vld [tilespmem:s25+$0x1A0]  }
0xae: {  	s26 =	sadd.s32 $0x400, s26;
	v12 =	vld [tilespmem:s25+$0x1B0]  }
0xaf: {  	v13 =	vld [tilespmem:s25+$0x1C0]  }
0xb0: {  	v14 =	vld [tilespmem:s25+$0x1F0]  }
0xb1: {  	v15 =	vld [tilespmem:s25+$0x200]  }
0xb2: {  	v16 =	vld [tilespmem:s25+$0x230]  }
0xb3: {  	v6 =	vadd.f32 v10, v6;
	v10 =	vld [tilespmem:s25+$0x240];
	v9 =	vadd.f32 v12, v9  }
0xb4: {  	v7 =	vadd.f32 v11, v7;
	v11 =	vld [tilespmem:s25+$0x270];
	v8 =	vadd.f32 v13, v8  }
0xb5: {  	v4 =	vadd.f32 v4, v6;
	v6 =	vld [tilespmem:s25+$0x280];
	v9 =	vadd.f32 v14, v9  }
0xb6: {  	v5 =	vadd.f32 v5, v7;
	v7 =	vadd.f32 v15, v8  }
0xb7: {  	v2 =	vadd.f32 v2, v4;
	v4 =	vadd.f32 v16, v9  }
0xb8: {  	v3 =	vadd.f32 v3, v5;
	v5 =	vadd.f32 v10, v7  }
0xb9: {  	v0 =	vadd.f32 v0, v2;
	v2 =	vadd.f32 v11, v4  }
0xba: {  	v1 =	vadd.f32 v1, v3;
	v3 =	vadd.f32 v6, v5  }
0xbb: {  	v0 =	vadd.f32 v2, v0  }
0xbc: {  	v1 =	vadd.f32 v3, v1  }
0xbd: {  	v0 =	vmul.f32 $4.999999890e-03, v0  }
0xbe: {  	v1 =	vmul.f32 $4.999999890e-03, v1  }
0xbf: {  	[tilespmem:$0x4350] =	vst v0  }
0xc0: {  	[tilespmem:$0x4360] =	vst v1  }
0xc1: {  	_ =	swait.ge [sflag:s21], $0xD00  }
0xc2: {  	[sflag:s21] =	ssyncset.done $0x0  }
0xc3: {  	[sflag:s21] =	ssyncadd.s32 $0xFFFFF300  }
0xc4: {  	_ =	swait.ge [sflag:s21], $0xC00  }
0xc5: {  	[sflag:s21] =	ssyncset.done $0x0  }
0xc6: {  	s25 =	simm.s32 $0x0;
	[sflag:s21] =	ssyncadd.s32 $0xFFFFF400  }
0xc7: {  	v0 =	vld [tilespmem:s25+$0x1B50]  }
0xc8: {  	v1 =	vld [tilespmem:s25+$0x1B60]  }
0xc9: {  	v2 =	vld [tilespmem:s25+$0x1B10]  }
0xca: {  	v3 =	vld [tilespmem:s25+$0x1B20]  }
0xcb: {  	v4 =	vld [tilespmem:s25+$0x1AD0]  }
0xcc: {  	v5 =	vld [tilespmem:s25+$0x1AE0]  }
0xcd: {  	v10 =	vld [tilespmem:s25+$0x1A90]  }
0xce: {  	v8 =	vimm.f32 $0.0e+00;
	v11 =	vld [tilespmem:s25+$0x1AA0]  }
0xcf: {  	s26 =	simm.s32 $0x400;
	v9 =	vimm.f32 $0.0e+00;
	v7 =	vimm.f32 $0.0e+00;
	v6 =	vimm.f32 $0.0e+00;
	v12 =	vld [tilespmem:s25+$0x1AB0]  }
.LBB2_10:
0xd0: {  	p0 =	sne.s32 s26, $0x6000;
	v13 =	vld [tilespmem:s25+$0x1AC0]  }
0xd1: {  	v14 =	vld [tilespmem:s25+$0x1AF0]  }
0xd2: {  	v15 =	vld [tilespmem:s25+$0x1B00]  }
0xd3: {  	v16 =	vld [tilespmem:s25+$0x1B30]  }
0xd4: {  	v6 =	vadd.f32 v10, v6;
	v7 =	vadd.f32 v11, v7;
	v10 =	vld [tilespmem:s25+$0x1B40]  }
0xd5: {  	v9 =	vadd.f32 v12, v9;
	v8 =	vadd.f32 v13, v8;
	v11 =	vld [tilespmem:s25+$0x1B70]  }
0xd6: {  	v4 =	vadd.f32 v4, v6;
	v5 =	vadd.f32 v5, v7;
	v12 =	vld [tilespmem:s25+$0x1B80];
	s25 =	sshra.s32 s26, $0x2  }
0xd7: {  	v6 =	vadd.f32 v14, v9;
	v13 =	vld [tilespmem:s25+$0x1B50];
	v7 =	vadd.f32 v15, v8  }
0xd8: {  	v4 =	vadd.f32 v2, v4;
	v5 =	vadd.f32 v3, v5;
	v14 =	vld [tilespmem:s25+$0x1B60]  }
0xd9: {  	v8 =	vadd.f32 v16, v6;
	v2 =	vld [tilespmem:s25+$0x1B10];
	v10 =	vadd.f32 v10, v7  }
0xda: {  	v6 =	vadd.f32 v0, v4;
	v7 =	vadd.f32 v1, v5;
	v3 =	vld [tilespmem:s25+$0x1B20]  }
.Ltmp4:
0xdb: {  	v9 =	vadd.f32 v11, v8;
	v4 =	vld [tilespmem:s25+$0x1AD0];
	v8 =	vadd.f32 v12, v10;
	(pc) =	sbr.rel @p0 .LBB2_10-.Ltmp4, $4  }
0xdc: {  	v5 =	vld [tilespmem:s25+$0x1AE0];
	v0 =	vmov v13  }
0xdd: {  	v10 =	vld [tilespmem:s25+$0x1A90];
	v1 =	vmov v14  }
0xde: {  	v11 =	vld [tilespmem:s25+$0x1AA0]  }
0xdf: {  	s26 =	sadd.s32 $0x400, s26;
	v12 =	vld [tilespmem:s25+$0x1AB0]  }
0xe0: {  	v13 =	vld [tilespmem:s25+$0x1AC0]  }
0xe1: {  	v14 =	vld [tilespmem:s25+$0x1AF0]  }
0xe2: {  	v15 =	vld [tilespmem:s25+$0x1B00]  }
0xe3: {  	v16 =	vld [tilespmem:s25+$0x1B30]  }
0xe4: {  	v56 =	vld [tilespmem:s25+$0x1B40];
	v6 =	vadd.f32 v10, v6;
	v9 =	vadd.f32 v12, v9  }
0xe5: {  	v57 =	vld [tilespmem:s25+$0x1B70];
	v7 =	vadd.f32 v11, v7;
	v8 =	vadd.f32 v13, v8  }
0xe6: {  	v58 =	vld [tilespmem:s25+$0x1B80];
	v4 =	vadd.f32 v4, v6;
	v9 =	vadd.f32 v14, v9  }
0xe7: {  	v5 =	vadd.f32 v5, v7;
	v59 =	vadd.f32 v15, v8  }
0xe8: {  	v2 =	vadd.f32 v2, v4;
	v60 =	vadd.f32 v16, v9  }
0xe9: {  	v3 =	vadd.f32 v3, v5;
	v61 =	vadd.f32 v56, v59  }
0xea: {  	v0 =	vadd.f32 v0, v2;
	v62 =	vadd.f32 v57, v60  }
0xeb: {  	v1 =	vadd.f32 v1, v3;
	v63 =	vadd.f32 v58, v61  }
0xec: {  	v0 =	vadd.f32 v62, v0  }
0xed: {  	v1 =	vadd.f32 v63, v1  }
0xee: {  	v0 =	vmul.f32 $4.999999890e-03, v0  }
0xef: {  	s24 =	sadd.s32 $0x1, s24;
	v1 =	vmul.f32 $4.999999890e-03, v1  }
0xf0: {  	p0 =	sne.s32 s24, s9;
	[tilespmem:$0x4370] =	vst v0  }
.Ltmp5:
0xf1: {  	[tilespmem:$0x4380] =	vst v1;
	(pc) =	sbr.rel @p0 .LBB2_1-.Ltmp5, $4  }
0xf2: {  	[hbm4b:s8+s2] =	stream.linear.scatter [tilespmem:s22], [sflag:$0x5], $0x1000, $0x38;
	[tilespmem:$0x4390] =	vst v63  }
0xf3: {  	_ =	swait.ge [sflag:s23], $0x1000  }
0xf4: {  	[sflag:s23] =	ssyncset.done $0x0  }
0xf5: {  	[sflag:s23] =	ssyncadd.s32 $0xFFFFF000  }
0xf6: {  	_ =	sfence.sel $0x180000  }
0xf7: {  	[bflag:$0x0] =	sbarrier.arrive $0xFFFF  }
0xf8: {  	p0 =	sne.s32 s1, $0x0;
	_ =	strace $0x9000004A  }
0xf9: {  	s0 =	sadd.s32 @!p0 $0x100000, s0;
	[bflag:$0x2] =	sbarrier.arrive $0xFFFF  }
0xfa: {  	[sflag:s0] =	ssyncadd.tile.s32 @!p0 $0x1;
	_ =	shalt  }
.Lfunc_end2:
_tile_overlayer_lowered:
.L_overlay_start_2:
0xfb: {  	(tag) =	ssettag $0x2  }
0xfc: {  	s0 =	rddreg [dreg:$0x0];
	s2 =	stileid.u32  }
0xfd: {  	s1 =	rddreg [dreg:$0x1];
	p0 =	sne.s32 s2, $0x0  }
0xfe: {  	s3 =	rddreg [dreg:$0x2];
	[bflag:$0x3] =	sbarrier.arrive $0xFFFF;
	s2 =	simm.s32 @!p0 $0x1C05  }
0xff: {  	[timem:s3], [sflag:s2] =	dma.local @!p0 [hbm:s0], s1  }
0x100: {  	s0 =	simm.s32 @!p0 $0x5  }
0x101: {  	_ =	swait.ge @!p0 [sflag:s0], s1  }
0x102: {  	s1 =	ssub.s32 @!p0 $0x0, s1;
	[sflag:s0] =	ssyncset.done @!p0 $0x0  }
0x103: {  	[sflag:s0] =	ssyncadd.s32 @!p0 s1  }
0x104: {  	[bflag:$0x3] =	sbarrier.arrive $0xFFFF  }
0x105: {  	_ =	shalt  }

// kernel: kernel.8.cloned.1.call-start
scs
__scs_entry_jumppad:
0x0: {  	(pc) =	sbr.rel $0x88, $3  }
0x1: {  	(tag) =	ssettag $0x0;
	lr =	simm.s32 $0x1  }
0x2: {  	[smem:$0x3F99] =	sst lr;
	_ =	strace $0xD0000000  }
0x3: {  	_ = 	snop  }
0x4: {  	_ = 	snop  }
0x5: {  	_ = 	snop  }
0x6: {  	_ = 	snop  }
0x7: {  	_ = 	snop  }
__scs_overlays_trampoline_lowered:
0x8: {  	[smem:$0x3FA8] =	sst s0  }
0x9: {  	[smem:$0x3FA9] =	sst s1  }
0xa: {  	[smem:$0x3FAA] =	sst s2  }
0xb: {  	[smem:$0x3FAB] =	sst s3  }
0xc: {  	[smem:$0x3FAC] =	sst s4  }
0xd: {  	[smem:$0x3FAD] =	sst s5  }
0xe: {  	[smem:$0x3FAE] =	sst s6  }
0xf: {  	[smem:$0x3FAF] =	sst s7  }
0x10: {  	[smem:$0x3FB0] =	sst s8  }
0x11: {  	[smem:$0x3FB1] =	sst s9;
	s0 =	simm.s32 @!p0 $0x0  }
0x12: {  	s1 =	sld [smem:$0x3F97];
	s0 =	simm.s32 @p0 $0x1  }
0x13: {  	[smem:$0x3FB2] =	sst s0;
	s0 =	simm.s32 @!p1 $0x0  }
0x14: {  	s2 =	sld [smem:$0x3F96];
	s0 =	simm.s32 @p1 $0x1  }
0x15: {  	[smem:$0x3FB3] =	sst s0;
	s0 =	simm.s32 @!p2 $0x0  }
0x16: {  	s3 =	sld [smem:$0x3FDB];
	s0 =	simm.s32 @p2 $0x1  }
0x17: {  	s4 =	simm.s32 $0x1BF5;
	[smem:$0x3FB5] =	sst s0  }
0x18: {  	s0 =	sld [smem:$0x3F98];
	_ =	swait.ge [sflag:s4], $0x0  }
0x19: {  	s7 =	sld [smem:$0x3F99]  }
0x1a: {  	s8 =	sadd.s32 $0xFFFFE003, lr  }
0x1b: {  	s9 =	sadd.s32 $0xFFFFFEF7, lr;
	s5 =	simm.s32 $0xFFFFFFFF;
	p2 =	slt.u32 s8, $0xFFFFF086  }
0x1c: {  	p1 =	slt.u32 s9, $0xF7A;
	s5 =	simm.s32 @!p2 $0x0  }
0x1d: {  	s5 =	simm.s32 @p1 $0x1;
	p0 =	seq.s32 s7, s2  }
0x1e: {  	s7 =	smul.u32 @!p0 $0xF7A, s2;
	p2 =	seq.s32 @!p0 s5, $0x0  }
0x1f: {  	s9 =	smul.u32 $0xF7A, s1;
	s8 =	simm.s32 @!p0 $0x1BF5;
	p2 =	por !p2, p0  }
0x20: {  	[sflag:s8] =	ssyncset.s32 @!p0 $0xFFFFF086;
	s6 =	sadd.s32 @!p0 s3, s7;
	s7 =	simm.s32 @!p0 $0x108  }
0x21: {  	s3 =	sadd.s32 s3, s9;
	s6 =	sadd.s32 @!p0 $0x88, s6;
	s7 =	simm.s32 @p2 $0x1082  }
0x22: {  	[simem:s7], [sflag:s8] =	dma.local @!p0 [hbm:s6], $0xF7A  }
0x23: {  	s9 =	sor.u32 $0xD0000000, s2;
	s6 =	simm.s32 $0x108;
	_ =	swait.ge @!p0 [sflag:s8], $0x0  }
0x24: {  	s3 =	sadd.s32 $0x88, s3;
	s6 =	simm.s32 @!p1 $0x1082;
	[sflag:s4] =	ssyncset.s32 $0xFFFFF086  }
0x25: {  	[simem:s6], [sflag:s4] =	dma.local [hbm:s3], $0xF7A  }
0x26: {  	[smem:$0x3F99] =	sst s1;
	(tag) =	ssettag s2;
	_ =	strace s9  }
0x27: {  	s1 =	sld [smem:$0x3FA9]  }
0x28: {  	s2 =	sld [smem:$0x3FAA]  }
0x29: {  	s4 =	sld [smem:$0x3FAC]  }
0x2a: {  	p0 =	seq.s32 s5, $0x0;
	s5 =	sld [smem:$0x3FAD]  }
0x2b: {  	s6 =	sld [smem:$0x3FAE]  }
0x2c: {  	s7 =	sld [smem:$0x3FAF]  }
0x2d: {  	s3 =	simm.s32 $0x108;
	s8 =	sld [smem:$0x3FB0]  }
0x2e: {  	s3 =	simm.s32 @!p0 $0x1082;
	s9 =	sld [smem:$0x3FB1]  }
0x2f: {  	lr =	sadd.s32 s0, s3;
	s0 =	sld [smem:$0x3FA8]  }
0x30: {  	s3 =	sld [smem:$0x3FAB]  }
0x31: {  	[smem:$0x3FB4] =	sst s10  }
0x32: {  	s10 =	sld [smem:$0x3FB2];
	_ =	sdelay $0x3  }
0x33: {  	p0 =	seq.s32 s10, $0x1;
	s10 =	sld [smem:$0x3FB4];
	_ =	sdelay $0x3  }
0x34: {  	[smem:$0x3FB4] =	sst s10  }
0x35: {  	s10 =	sld [smem:$0x3FB3];
	_ =	sdelay $0x3  }
0x36: {  	p1 =	seq.s32 s10, $0x1;
	s10 =	sld [smem:$0x3FB4];
	_ =	sdelay $0x3  }
0x37: {  	[smem:$0x3FB4] =	sst s10  }
0x38: {  	s10 =	sld [smem:$0x3FB5]  }
0x39: {  	_ = 	snop;
	(pc) =	sbr.ind lr, $3  }
0x3a: {  	_ = 	snop  }
0x3b: {  	_ = 	snop  }
0x3c: {  	p2 =	seq.s32 s10, $0x1;
	s10 =	sld [smem:$0x3FB4]  }
0x3d: {  	_ =	shalt  }
0x3e: {  	_ =	shalt  }
0x3f: {  	_ =	shalt  }
0x40: {  	_ =	shalt  }
0x41: {  	_ =	shalt  }
0x42: {  	_ =	shalt  }
0x43: {  	_ =	shalt  }
0x44: {  	_ =	shalt  }
0x45: {  	_ =	shalt  }
0x46: {  	_ =	shalt  }
0x47: {  	_ =	shalt  }
0x48: {  	_ =	shalt  }
0x49: {  	_ =	shalt  }
0x4a: {  	_ =	shalt  }
0x4b: {  	_ =	shalt  }
0x4c: {  	_ =	shalt  }
0x4d: {  	_ =	shalt  }
0x4e: {  	_ =	shalt  }
0x4f: {  	_ =	shalt  }
0x50: {  	_ =	shalt  }
0x51: {  	_ =	shalt  }
0x52: {  	_ =	shalt  }
0x53: {  	_ =	shalt  }
0x54: {  	_ =	shalt  }
0x55: {  	_ =	shalt  }
0x56: {  	_ =	shalt  }
0x57: {  	_ =	shalt  }
0x58: {  	_ =	shalt  }
0x59: {  	_ =	shalt  }
0x5a: {  	_ =	shalt  }
0x5b: {  	_ =	shalt  }
0x5c: {  	_ =	shalt  }
0x5d: {  	_ =	shalt  }
0x5e: {  	_ =	shalt  }
0x5f: {  	_ =	shalt  }
0x60: {  	_ =	shalt  }
0x61: {  	_ =	shalt  }
0x62: {  	_ =	shalt  }
0x63: {  	_ =	shalt  }
0x64: {  	_ =	shalt  }
0x65: {  	_ =	shalt  }
0x66: {  	_ =	shalt  }
0x67: {  	_ =	shalt  }
0x68: {  	_ =	shalt  }
0x69: {  	_ =	shalt  }
0x6a: {  	_ =	shalt  }
0x6b: {  	_ =	shalt  }
0x6c: {  	_ =	shalt  }
0x6d: {  	_ =	shalt  }
0x6e: {  	_ =	shalt  }
0x6f: {  	_ =	shalt  }
0x70: {  	_ =	shalt  }
0x71: {  	_ =	shalt  }
0x72: {  	_ =	shalt  }
0x73: {  	_ =	shalt  }
0x74: {  	_ =	shalt  }
0x75: {  	_ =	shalt  }
0x76: {  	_ =	shalt  }
0x77: {  	_ =	shalt  }
0x78: {  	_ =	shalt  }
0x79: {  	_ =	shalt  }
0x7a: {  	_ =	shalt  }
0x7b: {  	_ =	shalt  }
0x7c: {  	_ =	shalt  }
0x7d: {  	_ =	shalt  }
0x7e: {  	_ =	shalt  }
0x7f: {  	_ =	shalt  }
0x80: {  	_ =	shalt  }
0x81: {  	_ =	shalt  }
0x82: {  	_ =	shalt  }
0x83: {  	_ =	shalt  }
0x84: {  	_ =	shalt  }
0x85: {  	_ =	shalt  }
0x86: {  	_ =	shalt  }
0x87: {  	_ =	shalt  }
.Lfunc_end0:
.L_simem_size_0:
called_computation.1_lowered:
.L_overlay_start_0:
0x88: {  	s2 =	sld [smem:$0x3FD9]  }
0x89: {  	s3 =	sld [smem:$0x3FFE];
	_ =	sdelay $0x1  }
0x8a: {  	s1 =	srdreg.scid  }
0x8b: {  	s0 =	sand.u32 $0x1, s1  }
0x8c: {  	s16 =	sshll.u32 s0, $0xA;
	s2 =	sadd.s32 s3, s2  }
0x8d: {  	s2 =	sadd.s32 s2, s16  }
0x8e: {  	[smem:$0x3FC0] =	sst s2  }
0x8f: {  	_ = 	snop  }
0x90: {  	(tm) =	ssettm $0x1  }
0x91: {  	s17 =	sld [smem:$0x3FFB];
	_ =	sdelay $0x3  }
0x92: {  	_ =	strace s17  }
0x93: {  	s2 =	sld [smem:$0x3FFC];
	_ =	sdelay $0x3  }
0x94: {  	_ =	strace s2  }
0x95: {  	s2 =	sld [smem:$0x3FFD];
	_ =	sdelay $0x3  }
0x96: {  	_ =	strace s2  }
0x97: {  	_ =	strace $0x8FFFFFFF  }
0x98: {  	s18 =	sld [smem:$0x3FDB];
	_ =	sdelay $0x1  }
0x99: {  	s19 =	simm.s32 $_scs_section_size  }
0x9a: {  	s4 =	simm.s32 $_size__tile_overlayer_lowered;
	s5 =	simm.s32 $_tile_overlayer_lowered  }
0x9b: {  	s22 =	simm.s32 $0x1BFF;
	s21 =	sshll.u32 s5, $0x1;
	s2 =	sadd.s32 s19, s18  }
0x9c: {  	s6 =	simm.s32 $0x0;
	s20 =	sshll.u32 s4, $0x1;
	s4 =	sadd.s32 s21, s2  }
0x9d: {  	[timem:s6], [sflag:s22] =	dma.local [hbm:s4], s20  }
0x9e: {  	_ =	swait.ge [sflag:s22], s20  }
0x9f: {  	s3 =	ssub.s32 $0x0, s20;
	[sflag:s22] =	ssyncset.done $0x0  }
0xa0: {  	[sflag:s22] =	ssyncadd.s32 s3;
	_ =	sdelay $0x1  }
0xa1: {  	s23 =	simm.s32 $0x1B8B  }
0xa2: {  	_ =	swait.ge [sflag:s23], $0x1  }
0xa3: {  	[sflag:s23] =	ssyncset.done $0x0  }
0xa4: {  	s25 =	simm.s32 $0x1B8E;
	s24 =	sld [smem:$0x3FFE];
	[sflag:s23] =	ssyncadd.s32 $0xFFFFFFFF  }
0xa5: {  	s26 =	simm.s32 $execute0_lowered;
	[smem:$0x3FD2] =	sst s25  }
0xa6: {  	s4 =	sshll.u32 s26, $0x1;
	_ =	strace $0x80000046;
	[dreg:$0x1] =	wrdreg $0xFFFFFFFF  }
0xa7: {  	s28 =	simm.s32 $_size_execute0_lowered;
	s2 =	sadd.s32 s2, s4;
	[dreg:$0x0] =	wrdreg $0x0  }
0xa8: {  	s4 =	sshll.u32 s28, $0x1;
	[dreg:$0x2] =	wrdreg s2  }
0xa9: {  	[dreg:$0x3] =	wrdreg s4  }
0xaa: {  	[dreg:$0x4] =	wrdreg $0xC0  }
0xab: {  	_ =	task [dreg:s6], $0x5FFFF  }
0xac: {  	[dreg:$0x1] =	wrdreg $0xFFFFFFFF  }
0xad: {  	[dreg:$0x0] =	wrdreg $0x60  }
0xae: {  	[dreg:$0x2] =	wrdreg s24  }
0xaf: {  	[dreg:$0x3] =	wrdreg $0xA  }
0xb0: {  	_ =	task.clear_ibuf [dreg:s6], $0x4FFFF;
	_ =	strace $0x90000046  }
0xb1: {  	s29 =	simm.s32 $0xA;
	_ =	strace $0x80000048  }
0xb2: {  	_ =	swait.ge [sflag:s29], $0x1  }
0xb3: {  	[sflag:s29] =	ssyncadd.s32 $0xFFFFFFFF  }
0xb4: {  	_ =	strace $0x90000048  }
0xb5: {  	_ =	sfence  }
0xb6: {  	s30 =	sld [smem:$0x0];
	_ =	sdelay $0x2  }
0xb7: {  	s31 =	sshll.u32 s1, $0xD;
	s1 =	sshrl.u32 s1, $0x2  }
0xb8: {  	s3 =	sand.u32 $0x4000, s31;
	s1 =	sadd.s32 s1, s30  }
0xb9: {  	s0 =	sor.u32 s3, s0;
	s1 =	sshll.u32 s1, $0x11  }
0xba: {  	s0 =	sor.u32 s1, s0  }
0xbb: {  	s0 =	sadd.s32 $0x8F2B, s0  }
0xbc: {  	[sflag:s0] =	ssyncadd.remote.s32 $0x1  }
0xbd: {  	_ =	sfence.sel $0xFFFF  }
0xbe: {  	[dreg:$0x0] =	wrdreg $0xFFFFFFFF;
	(pc) =	sbr.abs _section_cstart, $3  }
0xbf: {  	[dreg:$0x1] =	wrdreg $0xFFFFFFFF  }
0xc0: {  	_ =	task.clear_ibuf [dreg:s6], $0x2FFFF;
	_ =	strace $0x9FFFFFFF  }
0xc1: {  	(tm) =	ssettm $0x7FFFFFFF  }
tec
execute0_lowered:
.L_overlay_start_1:
0x0: {  	(tag) =	ssettag $0x1  }
0x1: {  	s6 =	rddreg [dreg:$0x0]  }
0x2: {  	s0 =	rddreg [dreg:$0x1]  }
0x3: {  	s3 =	srdreg.scid;
	s2 =	simm.s32 $0x0;
	s1 =	stileid.u32  }
0x4: {  	s11 =	simm.s32 $0x68;
	s12 =	simm.s32 $0x190;
	s13 =	simm.s32 $0x60  }
0x5: {  	s14 =	simm.s32 $0xE90;
	s15 =	simm.s32 $0xC8;
	s16 =	simm.s32 $0x2  }
0x6: {  	s17 =	simm.s32 $0x1A90;
	s18 =	simm.s32 $0x130;
	s19 =	simm.s32 $0x2790  }
0x7: {  	s20 =	simm.s32 $0x3;
	s21 =	simm.s32 $0x4;
	s22 =	simm.s32 $0x3390  }
0x8: {  	s23 =	simm.s32 $0x5;
	s24 =	simm.s32 $0x0;
	s5 =	sand.u32 $0x1, s3  }
0x9: {  	[smem:$0x7FF] =	sst s2;
	s31 =	sshll.u32 s1, $0x8;
	s4 =	sshll.u32 s5, $0x7  }
0xa: {  	_ =	strace $0x80000047;
	s7 =	ssub.s32 $0x2, s5;
	s3 =	sor.u32 s4, s31  }
0xb: {  	s5 =	sadd.s32 $0xF44A00, s6;
	s8 =	smul.u32 $0x19, s3;
	s9 =	sshll.u32 s3, $0x2  }
0xc: {  	s4 =	sadd.s32 $0x2600, s6;
	s10 =	sshrl.u32 s7, $0x1;
	s9 =	sadd.s32 s9, s6  }
0xd: {  	s10 =	ssub.s32 s7, s10;
	s6 =	sadd.s32 s4, s8;
	s8 =	sadd.s32 $0x1B600, s9  }
0xe: {  	s9 =	smax.u32 s10, $0x1;
	s10 =	simm.s32 $0x1;
	s7 =	sadd.s32 $0x19, s6  }
.LBB2_1:
0xf: {  	[tilespmem:s2], [sflag:$0x1] =	stream.linear.gather [hbm4b:s6+s2], $0xC8, $0x38;
	[tilespmem:$0x4390] =	vst v63  }
0x10: {  	_ =	swait.ge [sflag:s10], $0xC8  }
0x11: {  	[sflag:s10] =	ssyncset.done $0x0  }
0x12: {  	[sflag:s10] =	ssyncadd.s32 $0xFFFFFF38  }
0x13: {  	[tilespmem:s12], [sflag:$0x3] =	stream.indirect.gather [hbm4b:s5+s11], $0x20, s2, s11, $0xb8;
	[tilespmem:$0x4390] =	vst v63  }
0x14: {  	_ = 	snop  }
0x15: {  	[tilespmem:s14], [sflag:$0x3] =	stream.indirect.gather [hbm4b:s5+s13], $0x20, s11, s13, $0xb8;
	[tilespmem:$0x4390] =	vst v63  }
0x16: {  	s25 =	simm.s32 $0x0  }
0x17: {  	[tilespmem:s15], [sflag:$0x2] =	stream.linear.gather [hbm4b:s7+s2], $0xC8, $0x38;
	[tilespmem:$0x4390] =	vst v63  }
.LBB2_2:
0x18: {  	_ =	swait.ge [sflag:s16], $0xC8  }
0x19: {  	[sflag:s16] =	ssyncset.done $0x0  }
0x1a: {  	[sflag:s16] =	ssyncadd.s32 $0xFFFFFF38  }
0x1b: {  	[tilespmem:s17], [sflag:$0x4] =	stream.indirect.gather [hbm4b:s5+s11], $0x20, s15, s11, $0xb8;
	[tilespmem:$0x4390] =	vst v63  }
0x1c: {  	s26 =	sshll.u32 s25, $0x1  }
0x1d: {  	[tilespmem:s19], [sflag:$0x4] =	stream.indirect.gather [hbm4b:s5+s13], $0x20, s18, s13, $0xb8;
	[tilespmem:$0x4390] =	vst v63  }
0x1e: {  	s26 =	sadd.s32 s3, s26;
	_ =	swait.ge [sflag:s20], $0xD00  }
0x1f: {  	s26 =	smul.u32 $0xC8, s26;
	[sflag:s20] =	ssyncset.done $0x0  }
0x20: {  	[sflag:s20] =	ssyncadd.s32 $0xFFFFF300  }
0x21: {  	s28 =	sshrl.u32 s26, $0x3;
	_ =	swait.ge [sflag:s20], $0xC00  }
0x22: {  	s28 =	sadd.s32 s4, s28;
	[sflag:s20] =	ssyncset.done $0x0  }
0x23: {  	s29 =	simm.s32 $0x0;
	s28 =	sadd.s32 $0x32, s28;
	[sflag:s20] =	ssyncadd.s32 $0xFFFFF400  }
0x24: {  	[tilespmem:s29], [sflag:$0x1] =	stream.linear.gather [hbm4b:s28+s29], $0xC8, $0x38;
	[tilespmem:$0x4390] =	vst v63  }
0x25: {  	s28 =	simm.s32 $0x0  }
0x26: {  	v0 =	vld [tilespmem:s28+$0x250]  }
0x27: {  	v1 =	vld [tilespmem:s28+$0x260]  }
0x28: {  	v2 =	vld [tilespmem:s28+$0x210]  }
0x29: {  	v3 =	vld [tilespmem:s28+$0x220]  }
0x2a: {  	v4 =	vld [tilespmem:s28+$0x1D0]  }
0x2b: {  	v5 =	vld [tilespmem:s28+$0x1E0]  }
0x2c: {  	v10 =	vld [tilespmem:s28+$0x190]  }
0x2d: {  	v6 =	vimm.f32 $0.0e+00;
	v11 =	vld [tilespmem:s28+$0x1A0]  }
0x2e: {  	v7 =	vimm.f32 $0.0e+00;
	v9 =	vimm.f32 $0.0e+00;
	v8 =	vimm.f32 $0.0e+00;
	s29 =	simm.s32 $0x400;
	v12 =	vld [tilespmem:s28+$0x1B0]  }
.LBB2_3:
0x2f: {  	p0 =	sne.s32 s29, $0x6000;
	v13 =	vld [tilespmem:s28+$0x1C0]  }
0x30: {  	v14 =	vld [tilespmem:s28+$0x1F0]  }
0x31: {  	v15 =	vld [tilespmem:s28+$0x200]  }
0x32: {  	v16 =	vld [tilespmem:s28+$0x230]  }
0x33: {  	v6 =	vadd.f32 v10, v6;
	v7 =	vadd.f32 v11, v7;
	v10 =	vld [tilespmem:s28+$0x240]  }
0x34: {  	v9 =	vadd.f32 v12, v9;
	v8 =	vadd.f32 v13, v8;
	v11 =	vld [tilespmem:s28+$0x270]  }
0x35: {  	v4 =	vadd.f32 v4, v6;
	v5 =	vadd.f32 v5, v7;
	v12 =	vld [tilespmem:s28+$0x280];
	s28 =	sshra.s32 s29, $0x2  }
0x36: {  	v6 =	vadd.f32 v14, v9;
	v13 =	vld [tilespmem:s28+$0x250];
	v7 =	vadd.f32 v15, v8  }
0x37: {  	v4 =	vadd.f32 v2, v4;
	v5 =	vadd.f32 v3, v5;
	v14 =	vld [tilespmem:s28+$0x260]  }
0x38: {  	v8 =	vadd.f32 v16, v6;
	v2 =	vld [tilespmem:s28+$0x210];
	v10 =	vadd.f32 v10, v7  }
0x39: {  	v6 =	vadd.f32 v0, v4;
	v7 =	vadd.f32 v1, v5;
	v3 =	vld [tilespmem:s28+$0x220]  }
.Ltmp0:
0x3a: {  	v9 =	vadd.f32 v11, v8;
	v4 =	vld [tilespmem:s28+$0x1D0];
	v8 =	vadd.f32 v12, v10;
	(pc) =	sbr.rel @p0 .LBB2_3-.Ltmp0, $4  }
0x3b: {  	v5 =	vld [tilespmem:s28+$0x1E0];
	v0 =	vmov v13  }
0x3c: {  	v10 =	vld [tilespmem:s28+$0x190];
	v1 =	vmov v14  }
0x3d: {  	v11 =	vld [tilespmem:s28+$0x1A0]  }
0x3e: {  	s29 =	sadd.s32 $0x400, s29;
	v12 =	vld [tilespmem:s28+$0x1B0]  }
0x3f: {  	v13 =	vld [tilespmem:s28+$0x1C0]  }
0x40: {  	v14 =	vld [tilespmem:s28+$0x1F0]  }
0x41: {  	v15 =	vld [tilespmem:s28+$0x200]  }
0x42: {  	v16 =	vld [tilespmem:s28+$0x230]  }
0x43: {  	v6 =	vadd.f32 v10, v6;
	v10 =	vld [tilespmem:s28+$0x240];
	v9 =	vadd.f32 v12, v9  }
0x44: {  	v7 =	vadd.f32 v11, v7;
	v11 =	vld [tilespmem:s28+$0x270];
	v8 =	vadd.f32 v13, v8  }
0x45: {  	v4 =	vadd.f32 v4, v6;
	v6 =	vld [tilespmem:s28+$0x280];
	v9 =	vadd.f32 v14, v9  }
0x46: {  	v5 =	vadd.f32 v5, v7;
	v7 =	vadd.f32 v15, v8  }
0x47: {  	v2 =	vadd.f32 v2, v4;
	v4 =	vadd.f32 v16, v9  }
0x48: {  	v3 =	vadd.f32 v3, v5;
	v5 =	vadd.f32 v10, v7  }
0x49: {  	v0 =	vadd.f32 v0, v2;
	v2 =	vadd.f32 v11, v4  }
0x4a: {  	v1 =	vadd.f32 v1, v3;
	v3 =	vadd.f32 v6, v5  }
0x4b: {  	v0 =	vadd.f32 v2, v0  }
0x4c: {  	v1 =	vadd.f32 v3, v1  }
0x4d: {  	s28 =	sshll.u32 s25, $0x6;
	v0 =	vmul.f32 $4.999999890e-03, v0  }
0x4e: {  	s28 =	sand.u32 $0x3FFFFFC0, s28;
	v1 =	vmul.f32 $4.999999890e-03, v1  }
0x4f: {  	[tilespmem:s28+$0x3390] =	vst v0  }
0x50: {  	[tilespmem:s28+$0x33A0] =	vst v1  }
0x51: {  	_ =	swait.ge [sflag:s10], $0xC8  }
0x52: {  	[sflag:s10] =	ssyncset.done $0x0  }
0x53: {  	s29 =	simm.s32 $0x0;
	[sflag:s10] =	ssyncadd.s32 $0xFFFFFF38  }
0x54: {  	[tilespmem:s12], [sflag:$0x3] =	stream.indirect.gather [hbm4b:s5+s11], $0x20, s29, s11, $0xb8;
	[tilespmem:$0x4390] =	vst v63  }
0x55: {  	_ = 	snop  }
0x56: {  	[tilespmem:s14], [sflag:$0x3] =	stream.indirect.gather [hbm4b:s5+s13], $0x20, s11, s13, $0xb8;
	[tilespmem:$0x4390] =	vst v63  }
0x57: {  	_ =	swait.ge [sflag:s21], $0xD00  }
0x58: {  	[sflag:s21] =	ssyncset.done $0x0  }
0x59: {  	[sflag:s21] =	ssyncadd.s32 $0xFFFFF300  }
0x5a: {  	s26 =	sadd.s32 $0x258, s26;
	_ =	swait.ge [sflag:s21], $0xC00  }
0x5b: {  	s26 =	sshrl.u32 s26, $0x3;
	[sflag:s21] =	ssyncset.done $0x0  }
0x5c: {  	s26 =	sadd.s32 s4, s26;
	[sflag:s21] =	ssyncadd.s32 $0xFFFFF400  }
0x5d: {  	[tilespmem:s15], [sflag:$0x2] =	stream.linear.gather [hbm4b:s26+s29], $0xC8, $0x38;
	[tilespmem:$0x4390] =	vst v63  }
0x5e: {  	s26 =	simm.s32 $0x0  }
0x5f: {  	v0 =	vld [tilespmem:s26+$0x1B50]  }
0x60: {  	v1 =	vld [tilespmem:s26+$0x1B60]  }
0x61: {  	v2 =	vld [tilespmem:s26+$0x1B10]  }
0x62: {  	v3 =	vld [tilespmem:s26+$0x1B20]  }
0x63: {  	v4 =	vld [tilespmem:s26+$0x1AD0]  }
0x64: {  	v5 =	vld [tilespmem:s26+$0x1AE0]  }
0x65: {  	v10 =	vld [tilespmem:s26+$0x1A90]  }
0x66: {  	v8 =	vimm.f32 $0.0e+00;
	v11 =	vld [tilespmem:s26+$0x1AA0]  }
0x67: {  	v9 =	vimm.f32 $0.0e+00;
	v7 =	vimm.f32 $0.0e+00;
	v6 =	vimm.f32 $0.0e+00;
	s29 =	simm.s32 $0x400;
	v12 =	vld [tilespmem:s26+$0x1AB0]  }
.LBB2_5:
0x68: {  	p0 =	sne.s32 s29, $0x6000;
	v13 =	vld [tilespmem:s26+$0x1AC0]  }
0x69: {  	v14 =	vld [tilespmem:s26+$0x1AF0]  }
0x6a: {  	v15 =	vld [tilespmem:s26+$0x1B00]  }
0x6b: {  	v16 =	vld [tilespmem:s26+$0x1B30]  }
0x6c: {  	v6 =	vadd.f32 v10, v6;
	v7 =	vadd.f32 v11, v7;
	v10 =	vld [tilespmem:s26+$0x1B40]  }
0x6d: {  	v9 =	vadd.f32 v12, v9;
	v8 =	vadd.f32 v13, v8;
	v11 =	vld [tilespmem:s26+$0x1B70]  }
0x6e: {  	v4 =	vadd.f32 v4, v6;
	v5 =	vadd.f32 v5, v7;
	v12 =	vld [tilespmem:s26+$0x1B80];
	s26 =	sshra.s32 s29, $0x2  }
0x6f: {  	v6 =	vadd.f32 v14, v9;
	v13 =	vld [tilespmem:s26+$0x1B50];
	v7 =	vadd.f32 v15, v8  }
0x70: {  	v4 =	vadd.f32 v2, v4;
	v5 =	vadd.f32 v3, v5;
	v14 =	vld [tilespmem:s26+$0x1B60]  }
0x71: {  	v8 =	vadd.f32 v16, v6;
	v2 =	vld [tilespmem:s26+$0x1B10];
	v10 =	vadd.f32 v10, v7  }
0x72: {  	v6 =	vadd.f32 v0, v4;
	v7 =	vadd.f32 v1, v5;
	v3 =	vld [tilespmem:s26+$0x1B20]  }
.Ltmp1:
0x73: {  	v9 =	vadd.f32 v11, v8;
	v4 =	vld [tilespmem:s26+$0x1AD0];
	v8 =	vadd.f32 v12, v10;
	(pc) =	sbr.rel @p0 .LBB2_5-.Ltmp1, $4  }
0x74: {  	v5 =	vld [tilespmem:s26+$0x1AE0];
	v0 =	vmov v13  }
0x75: {  	v10 =	vld [tilespmem:s26+$0x1A90];
	v1 =	vmov v14  }
0x76: {  	v11 =	vld [tilespmem:s26+$0x1AA0]  }
0x77: {  	s29 =	sadd.s32 $0x400, s29;
	v12 =	vld [tilespmem:s26+$0x1AB0]  }
0x78: {  	v13 =	vld [tilespmem:s26+$0x1AC0]  }
0x79: {  	v14 =	vld [tilespmem:s26+$0x1AF0]  }
0x7a: {  	v15 =	vld [tilespmem:s26+$0x1B00]  }
0x7b: {  	v16 =	vld [tilespmem:s26+$0x1B30]  }
0x7c: {  	v56 =	vld [tilespmem:s26+$0x1B40];
	v6 =	vadd.f32 v10, v6;
	v9 =	vadd.f32 v12, v9  }
0x7d: {  	v57 =	vld [tilespmem:s26+$0x1B70];
	v7 =	vadd.f32 v11, v7;
	v8 =	vadd.f32 v13, v8  }
0x7e: {  	v58 =	vld [tilespmem:s26+$0x1B80];
	v4 =	vadd.f32 v4, v6;
	v9 =	vadd.f32 v14, v9  }
0x7f: {  	v5 =	vadd.f32 v5, v7;
	v59 =	vadd.f32 v15, v8  }
0x80: {  	v2 =	vadd.f32 v2, v4;
	v60 =	vadd.f32 v16, v9  }
0x81: {  	v3 =	vadd.f32 v3, v5;
	v61 =	vadd.f32 v56, v59  }
0x82: {  	v0 =	vadd.f32 v0, v2;
	v62 =	vadd.f32 v57, v60  }
0x83: {  	s25 =	sadd.s32 $0x1, s25;
	v1 =	vadd.f32 v1, v3;
	v63 =	vadd.f32 v58, v61  }
0x84: {  	p0 =	sne.s32 s25, $0x3F;
	v0 =	vadd.f32 v62, v0  }
.Ltmp2:
0x85: {  	v1 =	vadd.f32 v63, v1;
	(pc) =	sbr.rel @p0 .LBB2_2-.Ltmp2, $4  }
0x86: {  	v0 =	vmul.f32 $4.999999890e-03, v0  }
0x87: {  	v1 =	vmul.f32 $4.999999890e-03, v1  }
0x88: {  	[tilespmem:s28+$0x33B0] =	vst v0  }
0x89: {  	[tilespmem:s28+$0x33C0] =	vst v1  }
0x8a: {  	_ =	swait.ge [sflag:s16], $0xC8  }
0x8b: {  	[sflag:s16] =	ssyncset.done $0x0  }
0x8c: {  	[sflag:s16] =	ssyncadd.s32 $0xFFFFFF38  }
0x8d: {  	[tilespmem:s17], [sflag:$0x4] =	stream.indirect.gather [hbm4b:s5+s11], $0x20, s15, s11, $0xb8;
	[tilespmem:$0x4390] =	vst v63  }
0x8e: {  	_ = 	snop  }
0x8f: {  	[tilespmem:s19], [sflag:$0x4] =	stream.indirect.gather [hbm4b:s5+s13], $0x20, s18, s13, $0xb8;
	[tilespmem:$0x4390] =	vst v63  }
0x90: {  	_ =	swait.ge [sflag:s20], $0xD00  }
0x91: {  	[sflag:s20] =	ssyncset.done $0x0  }
0x92: {  	[sflag:s20] =	ssyncadd.s32 $0xFFFFF300  }
0x93: {  	_ =	swait.ge [sflag:s20], $0xC00  }
0x94: {  	[sflag:s20] =	ssyncset.done $0x0  }
0x95: {  	s25 =	simm.s32 $0x0;
	[sflag:s20] =	ssyncadd.s32 $0xFFFFF400  }
0x96: {  	v0 =	vld [tilespmem:s25+$0x250]  }
0x97: {  	v1 =	vld [tilespmem:s25+$0x260]  }
0x98: {  	v2 =	vld [tilespmem:s25+$0x210]  }
0x99: {  	v3 =	vld [tilespmem:s25+$0x220]  }
0x9a: {  	v4 =	vld [tilespmem:s25+$0x1D0]  }
0x9b: {  	v5 =	vld [tilespmem:s25+$0x1E0]  }
0x9c: {  	v10 =	vld [tilespmem:s25+$0x190]  }
0x9d: {  	v6 =	vimm.f32 $0.0e+00;
	v11 =	vld [tilespmem:s25+$0x1A0]  }
0x9e: {  	s26 =	simm.s32 $0x400;
	v7 =	vimm.f32 $0.0e+00;
	v9 =	vimm.f32 $0.0e+00;
	v8 =	vimm.f32 $0.0e+00;
	v12 =	vld [tilespmem:s25+$0x1B0]  }
.LBB2_8:
0x9f: {  	p0 =	sne.s32 s26, $0x6000;
	v13 =	vld [tilespmem:s25+$0x1C0]  }
0xa0: {  	v14 =	vld [tilespmem:s25+$0x1F0]  }
0xa1: {  	v15 =	vld [tilespmem:s25+$0x200]  }
0xa2: {  	v16 =	vld [tilespmem:s25+$0x230]  }
0xa3: {  	v6 =	vadd.f32 v10, v6;
	v7 =	vadd.f32 v11, v7;
	v10 =	vld [tilespmem:s25+$0x240]  }
0xa4: {  	v9 =	vadd.f32 v12, v9;
	v8 =	vadd.f32 v13, v8;
	v11 =	vld [tilespmem:s25+$0x270]  }
0xa5: {  	v4 =	vadd.f32 v4, v6;
	v5 =	vadd.f32 v5, v7;
	v12 =	vld [tilespmem:s25+$0x280];
	s25 =	sshra.s32 s26, $0x2  }
0xa6: {  	v6 =	vadd.f32 v14, v9;
	v13 =	vld [tilespmem:s25+$0x250];
	v7 =	vadd.f32 v15, v8  }
0xa7: {  	v4 =	vadd.f32 v2, v4;
	v5 =	vadd.f32 v3, v5;
	v14 =	vld [tilespmem:s25+$0x260]  }
0xa8: {  	v8 =	vadd.f32 v16, v6;
	v2 =	vld [tilespmem:s25+$0x210];
	v10 =	vadd.f32 v10, v7  }
0xa9: {  	v6 =	vadd.f32 v0, v4;
	v7 =	vadd.f32 v1, v5;
	v3 =	vld [tilespmem:s25+$0x220]  }
.Ltmp3:
0xaa: {  	v9 =	vadd.f32 v11, v8;
	v4 =	vld [tilespmem:s25+$0x1D0];
	v8 =	vadd.f32 v12, v10;
	(pc) =	sbr.rel @p0 .LBB2_8-.Ltmp3, $4  }
0xab: {  	v5 =	vld [tilespmem:s25+$0x1E0];
	v0 =	vmov v13  }
0xac: {  	v10 =	vld [tilespmem:s25+$0x190];
	v1 =	vmov v14  }
0xad: {  	v11 =	vld [tilespmem:s25+$0x1A0]  }
0xae: {  	s26 =	sadd.s32 $0x400, s26;
	v12 =	vld [tilespmem:s25+$0x1B0]  }
0xaf: {  	v13 =	vld [tilespmem:s25+$0x1C0]  }
0xb0: {  	v14 =	vld [tilespmem:s25+$0x1F0]  }
0xb1: {  	v15 =	vld [tilespmem:s25+$0x200]  }
0xb2: {  	v16 =	vld [tilespmem:s25+$0x230]  }
0xb3: {  	v6 =	vadd.f32 v10, v6;
	v10 =	vld [tilespmem:s25+$0x240];
	v9 =	vadd.f32 v12, v9  }
0xb4: {  	v7 =	vadd.f32 v11, v7;
	v11 =	vld [tilespmem:s25+$0x270];
	v8 =	vadd.f32 v13, v8  }
0xb5: {  	v4 =	vadd.f32 v4, v6;
	v6 =	vld [tilespmem:s25+$0x280];
	v9 =	vadd.f32 v14, v9  }
0xb6: {  	v5 =	vadd.f32 v5, v7;
	v7 =	vadd.f32 v15, v8  }
0xb7: {  	v2 =	vadd.f32 v2, v4;
	v4 =	vadd.f32 v16, v9  }
0xb8: {  	v3 =	vadd.f32 v3, v5;
	v5 =	vadd.f32 v10, v7  }
0xb9: {  	v0 =	vadd.f32 v0, v2;
	v2 =	vadd.f32 v11, v4  }
0xba: {  	v1 =	vadd.f32 v1, v3;
	v3 =	vadd.f32 v6, v5  }
0xbb: {  	v0 =	vadd.f32 v2, v0  }
0xbc: {  	v1 =	vadd.f32 v3, v1  }
0xbd: {  	v0 =	vmul.f32 $4.999999890e-03, v0  }
0xbe: {  	v1 =	vmul.f32 $4.999999890e-03, v1  }
0xbf: {  	[tilespmem:$0x4350] =	vst v0  }
0xc0: {  	[tilespmem:$0x4360] =	vst v1  }
0xc1: {  	_ =	swait.ge [sflag:s21], $0xD00  }
0xc2: {  	[sflag:s21] =	ssyncset.done $0x0  }
0xc3: {  	[sflag:s21] =	ssyncadd.s32 $0xFFFFF300  }
0xc4: {  	_ =	swait.ge [sflag:s21], $0xC00  }
0xc5: {  	[sflag:s21] =	ssyncset.done $0x0  }
0xc6: {  	s25 =	simm.s32 $0x0;
	[sflag:s21] =	ssyncadd.s32 $0xFFFFF400  }
0xc7: {  	v0 =	vld [tilespmem:s25+$0x1B50]  }
0xc8: {  	v1 =	vld [tilespmem:s25+$0x1B60]  }
0xc9: {  	v2 =	vld [tilespmem:s25+$0x1B10]  }
0xca: {  	v3 =	vld [tilespmem:s25+$0x1B20]  }
0xcb: {  	v4 =	vld [tilespmem:s25+$0x1AD0]  }
0xcc: {  	v5 =	vld [tilespmem:s25+$0x1AE0]  }
0xcd: {  	v10 =	vld [tilespmem:s25+$0x1A90]  }
0xce: {  	v8 =	vimm.f32 $0.0e+00;
	v11 =	vld [tilespmem:s25+$0x1AA0]  }
0xcf: {  	s26 =	simm.s32 $0x400;
	v9 =	vimm.f32 $0.0e+00;
	v7 =	vimm.f32 $0.0e+00;
	v6 =	vimm.f32 $0.0e+00;
	v12 =	vld [tilespmem:s25+$0x1AB0]  }
.LBB2_10:
0xd0: {  	p0 =	sne.s32 s26, $0x6000;
	v13 =	vld [tilespmem:s25+$0x1AC0]  }
0xd1: {  	v14 =	vld [tilespmem:s25+$0x1AF0]  }
0xd2: {  	v15 =	vld [tilespmem:s25+$0x1B00]  }
0xd3: {  	v16 =	vld [tilespmem:s25+$0x1B30]  }
0xd4: {  	v6 =	vadd.f32 v10, v6;
	v7 =	vadd.f32 v11, v7;
	v10 =	vld [tilespmem:s25+$0x1B40]  }
0xd5: {  	v9 =	vadd.f32 v12, v9;
	v8 =	vadd.f32 v13, v8;
	v11 =	vld [tilespmem:s25+$0x1B70]  }
0xd6: {  	v4 =	vadd.f32 v4, v6;
	v5 =	vadd.f32 v5, v7;
	v12 =	vld [tilespmem:s25+$0x1B80];
	s25 =	sshra.s32 s26, $0x2  }
0xd7: {  	v6 =	vadd.f32 v14, v9;
	v13 =	vld [tilespmem:s25+$0x1B50];
	v7 =	vadd.f32 v15, v8  }
0xd8: {  	v4 =	vadd.f32 v2, v4;
	v5 =	vadd.f32 v3, v5;
	v14 =	vld [tilespmem:s25+$0x1B60]  }
0xd9: {  	v8 =	vadd.f32 v16, v6;
	v2 =	vld [tilespmem:s25+$0x1B10];
	v10 =	vadd.f32 v10, v7  }
0xda: {  	v6 =	vadd.f32 v0, v4;
	v7 =	vadd.f32 v1, v5;
	v3 =	vld [tilespmem:s25+$0x1B20]  }
.Ltmp4:
0xdb: {  	v9 =	vadd.f32 v11, v8;
	v4 =	vld [tilespmem:s25+$0x1AD0];
	v8 =	vadd.f32 v12, v10;
	(pc) =	sbr.rel @p0 .LBB2_10-.Ltmp4, $4  }
0xdc: {  	v5 =	vld [tilespmem:s25+$0x1AE0];
	v0 =	vmov v13  }
0xdd: {  	v10 =	vld [tilespmem:s25+$0x1A90];
	v1 =	vmov v14  }
0xde: {  	v11 =	vld [tilespmem:s25+$0x1AA0]  }
0xdf: {  	s26 =	sadd.s32 $0x400, s26;
	v12 =	vld [tilespmem:s25+$0x1AB0]  }
0xe0: {  	v13 =	vld [tilespmem:s25+$0x1AC0]  }
0xe1: {  	v14 =	vld [tilespmem:s25+$0x1AF0]  }
0xe2: {  	v15 =	vld [tilespmem:s25+$0x1B00]  }
0xe3: {  	v16 =	vld [tilespmem:s25+$0x1B30]  }
0xe4: {  	v56 =	vld [tilespmem:s25+$0x1B40];
	v6 =	vadd.f32 v10, v6;
	v9 =	vadd.f32 v12, v9  }
0xe5: {  	v57 =	vld [tilespmem:s25+$0x1B70];
	v7 =	vadd.f32 v11, v7;
	v8 =	vadd.f32 v13, v8  }
0xe6: {  	v58 =	vld [tilespmem:s25+$0x1B80];
	v4 =	vadd.f32 v4, v6;
	v9 =	vadd.f32 v14, v9  }
0xe7: {  	v5 =	vadd.f32 v5, v7;
	v59 =	vadd.f32 v15, v8  }
0xe8: {  	v2 =	vadd.f32 v2, v4;
	v60 =	vadd.f32 v16, v9  }
0xe9: {  	v3 =	vadd.f32 v3, v5;
	v61 =	vadd.f32 v56, v59  }
0xea: {  	v0 =	vadd.f32 v0, v2;
	v62 =	vadd.f32 v57, v60  }
0xeb: {  	v1 =	vadd.f32 v1, v3;
	v63 =	vadd.f32 v58, v61  }
0xec: {  	v0 =	vadd.f32 v62, v0  }
0xed: {  	v1 =	vadd.f32 v63, v1  }
0xee: {  	v0 =	vmul.f32 $4.999999890e-03, v0  }
0xef: {  	s24 =	sadd.s32 $0x1, s24;
	v1 =	vmul.f32 $4.999999890e-03, v1  }
0xf0: {  	p0 =	sne.s32 s24, s9;
	[tilespmem:$0x4370] =	vst v0  }
.Ltmp5:
0xf1: {  	[tilespmem:$0x4380] =	vst v1;
	(pc) =	sbr.rel @p0 .LBB2_1-.Ltmp5, $4  }
0xf2: {  	[hbm4b:s8+s2] =	stream.linear.scatter [tilespmem:s22], [sflag:$0x5], $0x1000, $0x38;
	[tilespmem:$0x4390] =	vst v63  }
0xf3: {  	_ =	swait.ge [sflag:s23], $0x1000  }
0xf4: {  	[sflag:s23] =	ssyncset.done $0x0  }
0xf5: {  	[sflag:s23] =	ssyncadd.s32 $0xFFFFF000  }
0xf6: {  	_ =	sfence.sel $0x180000  }
0xf7: {  	[bflag:$0x0] =	sbarrier.arrive $0xFFFF  }
0xf8: {  	p0 =	sne.s32 s1, $0x0;
	_ =	strace $0x90000047  }
0xf9: {  	s0 =	sadd.s32 @!p0 $0x100000, s0;
	[bflag:$0x2] =	sbarrier.arrive $0xFFFF  }
0xfa: {  	[sflag:s0] =	ssyncadd.tile.s32 @!p0 $0x1;
	_ =	shalt  }
.Lfunc_end2:
_tile_overlayer_lowered:
.L_overlay_start_2:
0xfb: {  	(tag) =	ssettag $0x2  }
0xfc: {  	s0 =	rddreg [dreg:$0x0];
	s2 =	stileid.u32  }
0xfd: {  	s1 =	rddreg [dreg:$0x1];
	p0 =	sne.s32 s2, $0x0  }
0xfe: {  	s3 =	rddreg [dreg:$0x2];
	[bflag:$0x3] =	sbarrier.arrive $0xFFFF;
	s2 =	simm.s32 @!p0 $0x1C05  }
0xff: {  	[timem:s3], [sflag:s2] =	dma.local @!p0 [hbm:s0], s1  }
0x100: {  	s0 =	simm.s32 @!p0 $0x5  }
0x101: {  	_ =	swait.ge @!p0 [sflag:s0], s1  }
0x102: {  	s1 =	ssub.s32 @!p0 $0x0, s1;
	[sflag:s0] =	ssyncset.done @!p0 $0x0  }
0x103: {  	[sflag:s0] =	ssyncadd.s32 @!p0 s1  }
0x104: {  	[bflag:$0x3] =	sbarrier.arrive $0xFFFF  }
0x105: {  	_ =	shalt  }

</sc_bundles>
